<compile_context>
chip_gen: v7x
topology: tpu7x:2x2x1
jax: 0.10.2.dev20260603
libtpu: 0.0.44.dev20260713+nightly
codegen_flags: <defaults>
</compile_context>

<pallas_src>
import functools

import jax
import jax.numpy as jnp
import numpy as np
from jax import lax
from jax.experimental import pallas as pl
from jax.experimental.pallas import tpu as pltpu
from jax.experimental.pallas import tpu_sc as plsc

B = 8
N = 4096
NPOINT = 512
NSAMPLE = 32
R2 = np.float32(0.2 * 0.2)
EPS = np.float32(1e-5)
NROWS = B * NPOINT * NSAMPLE
NQ = B * NPOINT
BIG = np.int32(1 << 30)


def _fps_body(xyz_ref, nxt_ref, idx_ref):
    X = xyz_ref[0]
    Y = xyz_ref[1]
    Z = xyz_ref[2]
    lanes = lax.broadcasted_iota(jnp.int32, (B, N), 1)
    slots = lax.broadcasted_iota(jnp.int32, (B, NPOINT), 1)

    def step(i, carry):
        dist, far, cxs, cys, czs, idxs = carry
        oh = lanes == far
        cx = jnp.sum(jnp.where(oh, X, 0.0), axis=1, keepdims=True)
        cy = jnp.sum(jnp.where(oh, Y, 0.0), axis=1, keepdims=True)
        cz = jnp.sum(jnp.where(oh, Z, 0.0), axis=1, keepdims=True)
        hit = slots == i
        zf = jnp.zeros((B, NPOINT), jnp.float32)
        cxs = jnp.where(hit, cx + zf, cxs)
        cys = jnp.where(hit, cy + zf, cys)
        czs = jnp.where(hit, cz + zf, czs)
        idxs = jnp.where(hit, far + jnp.zeros((B, NPOINT), jnp.int32), idxs)
        dx = X - cx
        dy = Y - cy
        dz = Z - cz
        d = (dx * dx + dy * dy) + dz * dz
        dist = jnp.minimum(dist, d)
        m = jnp.max(dist, axis=1, keepdims=True)
        far = jnp.min(jnp.where(dist == m, lanes, BIG), axis=1, keepdims=True)
        return dist, far, cxs, cys, czs, idxs

    d0 = jnp.full((B, N), 1e10, dtype=jnp.float32)
    f0 = jnp.zeros((B, 1), dtype=jnp.int32)
    z0 = jnp.zeros((B, NPOINT), dtype=jnp.float32)
    i0 = jnp.zeros((B, NPOINT), dtype=jnp.int32)
    carry1 = step(0, (d0, f0, z0, z0, z0, i0))
    _, _, cxs, cys, czs, idxs = lax.fori_loop(1, NPOINT, step, carry1)
    nxt_ref[:, 0, :] = cxs
    nxt_ref[:, 1, :] = cys
    nxt_ref[:, 2, :] = czs
    idx_ref[...] = idxs


def _fps(xyz_t):
    return pl.pallas_call(
        _fps_body,
        out_shape=(
            jax.ShapeDtypeStruct((B, 3, NPOINT), jnp.float32),
            jax.ShapeDtypeStruct((B, NPOINT), jnp.int32),
        ),
    )(xyz_t)


def _proj_body(a_ref, w_ref, o_ref):
    o_ref[...] = lax.dot_general(
        a_ref[...], w_ref[...], (((1,), (1,)), ((), ())),
        preferred_element_type=jnp.float32)


def _proj(a_pad, w_pad):
    rtot = a_pad.shape[0]
    blk = 1024
    return pl.pallas_call(
        _proj_body,
        grid=(rtot // blk,),
        in_specs=[
            pl.BlockSpec((blk, 128), lambda i: (i, 0)),
            pl.BlockSpec((128, 128), lambda i: (0, 0)),
        ],
        out_specs=pl.BlockSpec((blk, 128), lambda i: (i, 0)),
        out_shape=jax.ShapeDtypeStruct((rtot, 128), jnp.float32),
    )(a_pad, w_pad)


QB = 256
IMAX = np.int32(0x7FFFFFFF)
KFIX = np.float32((1 << 19) / (0.2 * 0.2))


def _bq_body(xyz_ref, q_ref, sel_ref):
    b = pl.program_id(0)
    X = xyz_ref[0, 0:1, :]
    Y = xyz_ref[0, 1:2, :]
    Z = xyz_ref[0, 2:3, :]
    qx = q_ref[0, :, 0:1]
    qy = q_ref[0, :, 1:2]
    qz = q_ref[0, :, 2:3]
    dx = qx - X
    dy = qy - Y
    dz = qz - Z
    d = (dx * dx + dy * dy) + dz * dz
    lanes = lax.broadcasted_iota(jnp.int32, (QB, N), 1)
    db = lax.bitcast_convert_type(d, jnp.int32)
    keyfull = jnp.bitwise_or(jnp.bitwise_and(db, np.int32(~0xFFF)), lanes)
    closest = jnp.bitwise_and(
        jnp.min(keyfull, axis=1, keepdims=True), np.int32(0xFFF))
    within = d < R2
    v = jnp.sum(within.astype(jnp.int32), axis=1, keepdims=True)
    df = jnp.minimum((d * KFIX).astype(jnp.int32), np.int32((1 << 19) - 1))
    keyfix = jnp.bitwise_or(lax.shift_left(df, 12), lanes)
    keys = jnp.where(within, keyfix, IMAX)
    cols = lax.broadcasted_iota(jnp.int32, (QB, NSAMPLE), 1)

    def pick_step(k, carry):
        keys, sel = carry
        mk = jnp.min(keys, axis=1, keepdims=True)
        p = jnp.bitwise_and(mk, np.int32(0xFFF))
        sel = jnp.where(cols == k, p + jnp.zeros((QB, NSAMPLE), jnp.int32), sel)
        keys = jnp.where(keys == mk, IMAX, keys)
        return keys, sel

    sel0 = jnp.zeros((QB, NSAMPLE), dtype=jnp.int32)
    carry1 = pick_step(0, (keys, sel0))
    _, sel = lax.fori_loop(1, NSAMPLE, pick_step, carry1)

    mod = cols % jnp.maximum(v, 1)
    zi = jnp.zeros((QB, NSAMPLE), dtype=jnp.int32)
    res = zi
    for j in range(NSAMPLE):
        res = jnp.where(mod == j, sel[:, j:j + 1] + zi, res)
    res = jnp.where(v == 0, closest + zi, res)
    sel_ref[0, 0] = res + b * N


def _ball_query(xyz_t, new_xyz, half):
    return pl.pallas_call(
        _bq_body,
        grid=(B,),
        in_specs=[
            pl.BlockSpec((1, 3, N), lambda b: (b, 0, 0)),
            pl.BlockSpec((1, QB, 3), lambda b: (b, half, 0)),
        ],
        out_specs=pl.BlockSpec((1, 1, QB, NSAMPLE), lambda b: (b, 0, 0, 0)),
        out_shape=jax.ShapeDtypeStruct((B, 1, QB, NSAMPLE), jnp.int32),
    )(xyz_t, new_xyz)


GCHUNK = 128
GBUF = 4


def _sc_gather(p_flat, ids2d, nrows):
    info = plsc.get_sparse_core_info()
    nc, ns = info.num_cores, info.num_subcores
    nw = nc * ns
    chunks_per_w = nrows // nw // GCHUNK
    outer = chunks_per_w // GBUF
    mesh = plsc.VectorSubcoreMesh(core_axis_name="c", subcore_axis_name="s")

    @functools.partial(
        pl.kernel,
        mesh=mesh,
        out_type=jax.ShapeDtypeStruct((nrows, 128), jnp.float32),
        scratch_types=[
            pltpu.VMEM((chunks_per_w, GCHUNK), jnp.int32),
            pltpu.VMEM((GBUF, GCHUNK, 128), jnp.float32),
            pltpu.SemaphoreType.DMA,
            pltpu.SemaphoreType.DMA,
            pltpu.SemaphoreType.DMA,
            pltpu.SemaphoreType.DMA,
        ],
    )
    def k(p_hbm, idx_hbm, out_hbm, idx_v, rows_v, s0, s1, s2, s3):
        sems = (s0, s1, s2, s3)
        wid = lax.axis_index("s") * nc + lax.axis_index("c")
        pltpu.sync_copy(idx_hbm.at[pl.ds(wid * chunks_per_w, chunks_per_w)], idx_v)

        def body(g, _):
            copies = []
            for bb in range(GBUF):
                copies.append(pltpu.async_copy(
                    p_hbm.at[idx_v.at[g * GBUF + bb]], rows_v.at[bb], sems[bb]))
            for bb in range(GBUF):
                copies[bb].wait()
                base = (wid * chunks_per_w + g * GBUF + bb) * GCHUNK
                pltpu.sync_copy(rows_v.at[bb], out_hbm.at[pl.ds(base, GCHUNK)])
            return 0

        lax.fori_loop(0, outer, body, 0)

    return k(p_flat, ids2d)


MBLK = 64


def _stats0_body(g_ref, c_ref, s_ref):
    y = g_ref[..., :64] - c_ref[..., :64][:, None, :]
    s = jnp.sum(y, axis=(0, 1))
    sq = jnp.sum(y * y, axis=(0, 1))
    acc = jnp.stack([s, sq])

    @pl.when(pl.program_id(0) == 0)
    def _():
        s_ref[...] = jnp.zeros_like(s_ref)

    s_ref[...] += acc


def _stats0(g, cq, nq):
    return pl.pallas_call(
        _stats0_body,
        grid=(nq // MBLK,),
        in_specs=[
            pl.BlockSpec((MBLK, NSAMPLE, 128), lambda i: (i, 0, 0)),
            pl.BlockSpec((MBLK, 128), lambda i: (i, 0)),
        ],
        out_specs=pl.BlockSpec((2, 64), lambda i: (0, 0)),
        out_shape=jax.ShapeDtypeStruct((2, 64), jnp.float32),
    )(g, cq)


def _norm_consts(sums, gamma, beta):
    cnt = np.float32(NROWS)
    mean = sums[0] / cnt
    var = sums[1] / cnt - mean * mean
    scale = gamma / jnp.sqrt(var + EPS)
    shift = beta - mean * scale
    return scale, shift


def _layer_body(sub_cq, cin, g_ref, c_ref, s_ref, w_ref, gm_ref, bt_ref, o_ref, acc_ref):
    scale, shift = _norm_consts(s_ref[...], gm_ref[0], bt_ref[0])
    x = g_ref[..., :cin]
    if sub_cq:
        x = x - c_ref[..., :cin][:, None, :]
    h = jnp.maximum(x * scale + shift, 0.0)
    h2 = h.reshape(MBLK * NSAMPLE, cin)
    y = lax.dot_general(h2, w_ref[...], (((1,), (1,)), ((), ())),
                        preferred_element_type=jnp.float32)
    cout = y.shape[-1]
    o_ref[...] = y.reshape(MBLK, NSAMPLE, cout)
    s = jnp.sum(y, axis=0)
    sq = jnp.sum(y * y, axis=0)
    acc = jnp.stack([s, sq])

    @pl.when(pl.program_id(0) == 0)
    def _():
        acc_ref[...] = jnp.zeros_like(acc_ref)

    acc_ref[...] += acc


def _layer(g, cq, sums, w, gamma, beta, sub_cq, cin, nq):
    cout = w.shape[0]
    gw = g.shape[-1]
    cw = cq.shape[-1]
    in_specs = [
        pl.BlockSpec((MBLK, NSAMPLE, gw), lambda i: (i, 0, 0)),
        pl.BlockSpec((MBLK, cw), lambda i: (i, 0)),
        pl.BlockSpec((2, cin), lambda i: (0, 0)),
        pl.BlockSpec((cout, cin), lambda i: (0, 0)),
        pl.BlockSpec((1, cin), lambda i: (0, 0)),
        pl.BlockSpec((1, cin), lambda i: (0, 0)),
    ]
    return pl.pallas_call(
        functools.partial(_layer_body, sub_cq, cin),
        grid=(nq // MBLK,),
        in_specs=in_specs,
        out_specs=(
            pl.BlockSpec((MBLK, NSAMPLE, cout), lambda i: (i, 0, 0)),
            pl.BlockSpec((2, cout), lambda i: (0, 0)),
        ),
        out_shape=(
            jax.ShapeDtypeStruct((nq, NSAMPLE, cout), jnp.float32),
            jax.ShapeDtypeStruct((2, cout), jnp.float32),
        ),
    )(g, cq, sums, w, gamma.reshape(1, cin), beta.reshape(1, cin))


def _final_body(g_ref, s_ref, gm_ref, bt_ref, o_ref):
    scale, shift = _norm_consts(s_ref[...], gm_ref[0], bt_ref[0])
    h = jnp.maximum(g_ref[...] * scale + shift, 0.0)
    o_ref[...] = jnp.max(h, axis=1)


def _final(y2, sums, gamma, beta, nq):
    c = y2.shape[-1]
    return pl.pallas_call(
        _final_body,
        grid=(nq // MBLK,),
        in_specs=[
            pl.BlockSpec((MBLK, NSAMPLE, c), lambda i: (i, 0, 0)),
            pl.BlockSpec((2, c), lambda i: (0, 0)),
            pl.BlockSpec((1, c), lambda i: (0, 0)),
            pl.BlockSpec((1, c), lambda i: (0, 0)),
        ],
        out_specs=pl.BlockSpec((MBLK, c), lambda i: (i, 0)),
        out_shape=jax.ShapeDtypeStruct((nq, c), jnp.float32),
    )(y2, sums, gamma.reshape(1, c), beta.reshape(1, c))


def kernel(xyz, points, W0, b0, g0, beta0, W1, b1, g1, beta1, W2, b2, g2, beta2):
    del b0, b1, b2
    xyz_t3 = jnp.transpose(xyz, (2, 0, 1))
    new_xyz_t, _ = _fps(xyz_t3)
    new_xyz = jnp.transpose(new_xyz_t, (0, 2, 1))

    a_pts = jnp.concatenate([xyz, points], axis=-1).reshape(B * N, 3 + points.shape[-1])
    a_pts = jnp.pad(a_pts, ((0, 0), (0, 128 - a_pts.shape[1])))
    a_ctr = jnp.pad(new_xyz.reshape(NQ, 3), ((0, 0), (0, 125)))
    a_all = jnp.concatenate([a_pts, a_ctr], axis=0)
    w0_pad = jnp.pad(W0, ((0, 128 - W0.shape[0]), (0, 128 - W0.shape[1])))
    p_all = _proj(a_all, w0_pad)
    p_flat = p_all[:B * N]
    cq = p_all[B * N:]

    xyz_t = jnp.transpose(xyz, (0, 2, 1))
    nh = NQ // 2
    nrh = NROWS // 2
    cq2 = cq.reshape(B, NPOINT, 128)
    gs, cqs = [], []
    for h in range(2):
        selg = _ball_query(xyz_t, new_xyz, h)
        gs.append(_sc_gather(
            p_flat, selg.reshape(nrh // GCHUNK, GCHUNK), nrh).reshape(
            nh, NSAMPLE, 128))
        cqs.append(cq2[:, h * QB:(h + 1) * QB].reshape(nh, 128))

    sums0 = _stats0(gs[0], cqs[0], nh) + _stats0(gs[1], cqs[1], nh)
    y1s, s1 = [], []
    for h in range(2):
        y1, p1 = _layer(gs[h], cqs[h], sums0, W1, g0, beta0, True, 64, nh)
        y1s.append(y1)
        s1.append(p1)
    sums1 = s1[0] + s1[1]
    y2s, s2 = [], []
    for h in range(2):
        y2, p2 = _layer(y1s[h], cqs[h], sums1, W2, g1, beta1, False, 64, nh)
        y2s.append(y2)
        s2.append(p2)
    sums2 = s2[0] + s2[1]
    outs = [_final(y2s[h], sums2, g2, beta2, nh).reshape(B, QB, -1)
            for h in range(2)]
    new_points = jnp.concatenate(outs, axis=1)
    return new_xyz, new_points

# --- scband reference (transcript-rebuilt; emitter-appended) ---
"""Pipeline reference for scband-point-net-set-abstraction-42331197669887 (READ-ONLY COPY).

The authoritative reference and input builder live on the scoring server;
editing this copy changes nothing except your own understanding.
"""

import jax, jax.numpy as jnp
import numpy as np

NPOINT = 512
RADIUS = 0.2
NSAMPLE = 32
IN_CHANNEL = 64
MLP = [64, 64, 128]
EPS = 1e-5


def farthest_point_sample(xyz, npoint):
    B, N, C = xyz.shape
    d0 = jnp.full((B, N), 1e10, dtype=xyz.dtype)
    f0 = jnp.zeros((B,), dtype=jnp.int32)
    bidx = jnp.arange(B)
    def step(carry, _):
        distance, farthest = carry
        centroid = xyz[bidx, farthest][:, None, :]
        dist = jnp.sum((xyz - centroid) ** 2, -1)
        distance = jnp.minimum(distance, dist)
        nxt = jnp.argmax(distance, -1).astype(jnp.int32)
        return (distance, nxt), farthest
    _, idxs = jax.lax.scan(step, (d0, f0), None, length=npoint)
    return jnp.transpose(idxs)


def ball_query(xyz, new_xyz, radius, nsample):
    sqrdists = jnp.sum((new_xyz[:, :, None, :] - xyz[:, None, :, :]) ** 2, -1)
    within = sqrdists < radius * radius
    masked = jnp.where(within, sqrdists, jnp.inf)
    sorted_idx = jnp.argsort(masked, axis=-1)
    v = jnp.sum(within, axis=-1)
    k = jnp.arange(nsample)
    mod_idx = k[None, None, :] % jnp.maximum(v, 1)[:, :, None]
    idx = jnp.take_along_axis(sorted_idx, mod_idx, axis=-1)
    closest = jnp.argmin(sqrdists, axis=-1)
    idx = jnp.where((v == 0)[:, :, None], closest[:, :, None], idx)
    return idx


def index_points(points, idx):
    B = points.shape[0]
    bshape = (B,) + (1,) * (idx.ndim - 1)
    bidx = jnp.arange(B).reshape(bshape)
    return points[bidx, idx]


def _forward(xyz, points, params):
    xyz_c = jax.lax.stop_gradient(xyz)
    fps_idx = farthest_point_sample(xyz_c, NPOINT)
    new_xyz = index_points(xyz, fps_idx)
    idx = ball_query(xyz_c, jax.lax.stop_gradient(new_xyz), RADIUS, NSAMPLE)
    grouped_xyz = index_points(xyz, idx) - new_xyz[:, :, None, :]
    grouped_points = jnp.concatenate([grouped_xyz, index_points(points, idx)], axis=-1)
    x = jnp.transpose(grouped_points, (0, 3, 1, 2))
    for (W, b, g, be) in params:
        x = jnp.einsum('oc,bcsn->bosn', W, x) + b[None, :, None, None]
        mean = jnp.mean(x, axis=(0, 2, 3), keepdims=True)
        var = jnp.var(x, axis=(0, 2, 3), keepdims=True)
        x = (x - mean) / jnp.sqrt(var + EPS) * g[None, :, None, None] + be[None, :, None, None]
        x = jax.nn.relu(x)
    new_points = jnp.max(x, axis=-1)
    new_points = jnp.transpose(new_points, (0, 2, 1))
    return new_xyz, new_points


def setup_inputs(seed: int = 0):
    key = jax.random.key(seed)
    ks = jax.random.split(key, 8)
    inp = {}
    inp['xyz'] = jax.random.uniform(ks[0], (8, 4096, 3), dtype=jnp.float32)
    inp['points'] = jax.random.normal(ks[1], (8, 4096, IN_CHANNEL), dtype=jnp.float32)
    last = IN_CHANNEL + 3
    for i, out in enumerate(MLP):
        inp['W%d' % i] = jax.random.normal(ks[2 + i], (out, last), dtype=jnp.float32) * (1.0 / np.sqrt(last))
        inp['b%d' % i] = jnp.zeros((out,), dtype=jnp.float32)
        inp['g%d' % i] = jnp.ones((out,), dtype=jnp.float32)
        inp['beta%d' % i] = jnp.zeros((out,), dtype=jnp.float32)
        last = out
    return inp


def reference(xyz, points, W0, b0, g0, beta0, W1, b1, g1, beta1, W2, b2, g2, beta2):
    params = [(W0, b0, g0, beta0), (W1, b1, g1, beta1), (W2, b2, g2, beta2)]
    return _forward(xyz, points, params)

if __name__ == "__main__":
    import jax
    _d = setup_inputs()
    print(jax.jit(kernel)(*tuple(_d.values())))

</pallas_src>

<mosaic_0001>
#map = affine_map<(d0, d1) -> (0, 0)>
module attributes {stable_mosaic.version = 14 : i64} {
  func.func @k(%arg0: i32, %arg1: i32, %arg2: memref<32768x128xf32, #tpu.memory_space<hbm>>, %arg3: memref<512x128xi32, #tpu.memory_space<hbm>>, %arg4: memref<65536x128xf32, #tpu.memory_space<hbm>>, %arg5: memref<16x128xi32, #tpu.memory_space<vmem>>, %arg6: memref<4x128x128xf32, #tpu.memory_space<vmem>>, %arg7: memref<!tpu.dma_semaphore, #tpu.memory_space<semaphore_mem>>, %arg8: memref<!tpu.dma_semaphore, #tpu.memory_space<semaphore_mem>>, %arg9: memref<!tpu.dma_semaphore, #tpu.memory_space<semaphore_mem>>, %arg10: memref<!tpu.dma_semaphore, #tpu.memory_space<semaphore_mem>>) attributes {dimension_semantics = [#tpu.dimension_semantics<core_parallel>, #tpu.dimension_semantics<subcore_parallel>], iteration_bounds = array<i64: 2, 16>, scalar_prefetch = 0 : i64, scratch_operands = 6 : i64, tpu.core_type = #tpu.core_type<sc_vector_subcore>, window_params = [{transform_indices = #map}, {transform_indices = #map}, {transform_indices = #map}]} {
    %mul3A = arith.constant 2 : i32
    %mul3A_0 = arith.muli %arg1, %mul3A : i32
    %add3A = arith.addi %mul3A_0, %arg0 : i32
    %mul3A_1 = arith.constant 16 : i32
    %mul3A_2 = arith.muli %add3A, %mul3A_1 : i32
    "tpu.region"() ({
      %run_scoped3A = tpu.sem_alloc : memref<!tpu.dma_semaphore, #tpu.memory_space<semaphore_mem>>
      %dma_start3A = arith.constant 0 : i32
      %dma_start3A_9 = tpu.memref_slice %arg3[%mul3A_2, %dma_start3A] : memref<512x128xi32, #tpu.memory_space<hbm>> -> memref<16x128xi32, #tpu.memory_space<hbm>>
      %dma_start3A_10 = arith.constant 0 : i32
      %dma_start3A_11 = tpu.memref_slice %arg3[%mul3A_2, %dma_start3A_10] : memref<512x128xi32, #tpu.memory_space<hbm>> -> memref<16x128xi32, #tpu.memory_space<hbm>>
      tpu.enqueue_dma source(%dma_start3A_11 : memref<16x128xi32, #tpu.memory_space<hbm>>) target(%arg5 : memref<16x128xi32, #tpu.memory_space<vmem>>) target_semaphore(%run_scoped3A : memref<!tpu.dma_semaphore, #tpu.memory_space<semaphore_mem>>)
      %dma_wait3A = arith.constant 0 : i32
      %dma_wait3A_12 = tpu.memref_slice %arg3[%mul3A_2, %dma_wait3A] : memref<512x128xi32, #tpu.memory_space<hbm>> -> memref<16x128xi32, #tpu.memory_space<hbm>>
      %dma_wait3A_13 = arith.constant 0 : i32
      %dma_wait3A_14 = tpu.memref_slice %arg3[%mul3A_2, %dma_wait3A_13] : memref<512x128xi32, #tpu.memory_space<hbm>> -> memref<16x128xi32, #tpu.memory_space<hbm>>
      tpu.wait_dma2 semaphore(%run_scoped3A : memref<!tpu.dma_semaphore, #tpu.memory_space<semaphore_mem>>) src(%dma_wait3A_14 : memref<16x128xi32, #tpu.memory_space<hbm>>) dst(%arg5 : memref<16x128xi32, #tpu.memory_space<vmem>>)
      tpu.yield
    }) : () -> ()
    %scan3A = arith.constant 0 : i32
    %scan3A_3 = arith.constant 0 : i32
    %scan3A_4 = arith.constant 4 : i32
    %scan3A_5 = arith.addi %scan3A_3, %scan3A_4 : i32
    %scan3A_6 = arith.constant 1 : i32
    %scan3A_7 = scf.for %scan3A_9 = %scan3A_3 to %scan3A_5 step %scan3A_6 iter_args(%scan3A_10 = %scan3A) -> (i32)  : i32 {
      %mul3A_11 = arith.constant 4 : i32
      %mul3A_12 = arith.muli %scan3A_9, %mul3A_11 : i32
      %add3A_13 = arith.constant 0 : i32
      %add3A_14 = arith.addi %mul3A_12, %add3A_13 : i32
      %dma_start3A = arith.constant 0 : i32
      %dma_start3A_15 = arith.constant 0 : i32
      %dma_start3A_16 = arith.constant 0 : i32
      %dma_start3A_17 = tpu.memref_slice %arg6[%dma_start3A, %dma_start3A_15, %dma_start3A_16] : memref<4x128x128xf32, #tpu.memory_space<vmem>> -> memref<1x128x128xf32, #tpu.memory_space<vmem>>
      %dma_start3A_18 = tpu.memref_squeeze %dma_start3A_17 : memref<1x128x128xf32, #tpu.memory_space<vmem>> -> memref<128x128xf32, #tpu.memory_space<vmem>>
      %dma_start3A_19 = arith.constant 0 : i32
      %dma_start3A_20 = tpu.memref_slice %arg5[%add3A_14, %dma_start3A_19] : memref<16x128xi32, #tpu.memory_space<vmem>> -> memref<1x128xi32, #tpu.memory_space<vmem>>
      %dma_start3A_21 = tpu.memref_squeeze %dma_start3A_20 : memref<1x128xi32, #tpu.memory_space<vmem>> -> memref<128xi32, #tpu.memory_space<vmem>>
      %dma_start3A_22 = arith.constant 0 : i32
      %dma_start3A_23 = arith.constant 0 : i32
      %dma_start3A_24 = tpu.memref_slice %arg2[%dma_start3A_22, %dma_start3A_23] : memref<32768x128xf32, #tpu.memory_space<hbm>> -> memref<32768x128xf32, #tpu.memory_space<hbm>>
      tpu.enqueue_indirect_dma source(%dma_start3A_24 : memref<32768x128xf32, #tpu.memory_space<hbm>>) target(%dma_start3A_18 : memref<128x128xf32, #tpu.memory_space<vmem>>) offsets(%dma_start3A_21 : memref<128xi32, #tpu.memory_space<vmem>>) semaphore(%arg7 : memref<!tpu.dma_semaphore, #tpu.memory_space<semaphore_mem>>)
      %mul3A_25 = arith.constant 4 : i32
      %mul3A_26 = arith.muli %scan3A_9, %mul3A_25 : i32
      %add3A_27 = arith.constant 1 : i32
      %add3A_28 = arith.addi %mul3A_26, %add3A_27 : i32
      %dma_start3A_29 = arith.constant 1 : i32
      %dma_start3A_30 = arith.constant 0 : i32
      %dma_start3A_31 = arith.constant 0 : i32
      %dma_start3A_32 = tpu.memref_slice %arg6[%dma_start3A_29, %dma_start3A_30, %dma_start3A_31] : memref<4x128x128xf32, #tpu.memory_space<vmem>> -> memref<1x128x128xf32, #tpu.memory_space<vmem>>
      %dma_start3A_33 = tpu.memref_squeeze %dma_start3A_32 : memref<1x128x128xf32, #tpu.memory_space<vmem>> -> memref<128x128xf32, #tpu.memory_space<vmem>>
      %dma_start3A_34 = arith.constant 0 : i32
      %dma_start3A_35 = tpu.memref_slice %arg5[%add3A_28, %dma_start3A_34] : memref<16x128xi32, #tpu.memory_space<vmem>> -> memref<1x128xi32, #tpu.memory_space<vmem>>
      %dma_start3A_36 = tpu.memref_squeeze %dma_start3A_35 : memref<1x128xi32, #tpu.memory_space<vmem>> -> memref<128xi32, #tpu.memory_space<vmem>>
      %dma_start3A_37 = arith.constant 0 : i32
      %dma_start3A_38 = arith.constant 0 : i32
      %dma_start3A_39 = tpu.memref_slice %arg2[%dma_start3A_37, %dma_start3A_38] : memref<32768x128xf32, #tpu.memory_space<hbm>> -> memref<32768x128xf32, #tpu.memory_space<hbm>>
      tpu.enqueue_indirect_dma source(%dma_start3A_39 : memref<32768x128xf32, #tpu.memory_space<hbm>>) target(%dma_start3A_33 : memref<128x128xf32, #tpu.memory_space<vmem>>) offsets(%dma_start3A_36 : memref<128xi32, #tpu.memory_space<vmem>>) semaphore(%arg8 : memref<!tpu.dma_semaphore, #tpu.memory_space<semaphore_mem>>)
      %mul3A_40 = arith.constant 4 : i32
      %mul3A_41 = arith.muli %scan3A_9, %mul3A_40 : i32
      %add3A_42 = arith.constant 2 : i32
      %add3A_43 = arith.addi %mul3A_41, %add3A_42 : i32
      %dma_start3A_44 = arith.constant 2 : i32
      %dma_start3A_45 = arith.constant 0 : i32
      %dma_start3A_46 = arith.constant 0 : i32
      %dma_start3A_47 = tpu.memref_slice %arg6[%dma_start3A_44, %dma_start3A_45, %dma_start3A_46] : memref<4x128x128xf32, #tpu.memory_space<vmem>> -> memref<1x128x128xf32, #tpu.memory_space<vmem>>
      %dma_start3A_48 = tpu.memref_squeeze %dma_start3A_47 : memref<1x128x128xf32, #tpu.memory_space<vmem>> -> memref<128x128xf32, #tpu.memory_space<vmem>>
      %dma_start3A_49 = arith.constant 0 : i32
      %dma_start3A_50 = tpu.memref_slice %arg5[%add3A_43, %dma_start3A_49] : memref<16x128xi32, #tpu.memory_space<vmem>> -> memref<1x128xi32, #tpu.memory_space<vmem>>
      %dma_start3A_51 = tpu.memref_squeeze %dma_start3A_50 : memref<1x128xi32, #tpu.memory_space<vmem>> -> memref<128xi32, #tpu.memory_space<vmem>>
      %dma_start3A_52 = arith.constant 0 : i32
      %dma_start3A_53 = arith.constant 0 : i32
      %dma_start3A_54 = tpu.memref_slice %arg2[%dma_start3A_52, %dma_start3A_53] : memref<32768x128xf32, #tpu.memory_space<hbm>> -> memref<32768x128xf32, #tpu.memory_space<hbm>>
      tpu.enqueue_indirect_dma source(%dma_start3A_54 : memref<32768x128xf32, #tpu.memory_space<hbm>>) target(%dma_start3A_48 : memref<128x128xf32, #tpu.memory_space<vmem>>) offsets(%dma_start3A_51 : memref<128xi32, #tpu.memory_space<vmem>>) semaphore(%arg9 : memref<!tpu.dma_semaphore, #tpu.memory_space<semaphore_mem>>)
      %mul3A_55 = arith.constant 4 : i32
      %mul3A_56 = arith.muli %scan3A_9, %mul3A_55 : i32
      %add3A_57 = arith.constant 3 : i32
      %add3A_58 = arith.addi %mul3A_56, %add3A_57 : i32
      %dma_start3A_59 = arith.constant 3 : i32
      %dma_start3A_60 = arith.constant 0 : i32
      %dma_start3A_61 = arith.constant 0 : i32
      %dma_start3A_62 = tpu.memref_slice %arg6[%dma_start3A_59, %dma_start3A_60, %dma_start3A_61] : memref<4x128x128xf32, #tpu.memory_space<vmem>> -> memref<1x128x128xf32, #tpu.memory_space<vmem>>
      %dma_start3A_63 = tpu.memref_squeeze %dma_start3A_62 : memref<1x128x128xf32, #tpu.memory_space<vmem>> -> memref<128x128xf32, #tpu.memory_space<vmem>>
      %dma_start3A_64 = arith.constant 0 : i32
      %dma_start3A_65 = tpu.memref_slice %arg5[%add3A_58, %dma_start3A_64] : memref<16x128xi32, #tpu.memory_space<vmem>> -> memref<1x128xi32, #tpu.memory_space<vmem>>
      %dma_start3A_66 = tpu.memref_squeeze %dma_start3A_65 : memref<1x128xi32, #tpu.memory_space<vmem>> -> memref<128xi32, #tpu.memory_space<vmem>>
      %dma_start3A_67 = arith.constant 0 : i32
      %dma_start3A_68 = arith.constant 0 : i32
      %dma_start3A_69 = tpu.memref_slice %arg2[%dma_start3A_67, %dma_start3A_68] : memref<32768x128xf32, #tpu.memory_space<hbm>> -> memref<32768x128xf32, #tpu.memory_space<hbm>>
      tpu.enqueue_indirect_dma source(%dma_start3A_69 : memref<32768x128xf32, #tpu.memory_space<hbm>>) target(%dma_start3A_63 : memref<128x128xf32, #tpu.memory_space<vmem>>) offsets(%dma_start3A_66 : memref<128xi32, #tpu.memory_space<vmem>>) semaphore(%arg10 : memref<!tpu.dma_semaphore, #tpu.memory_space<semaphore_mem>>)
      %dma_wait3A = arith.constant 0 : i32
      %dma_wait3A_70 = arith.constant 0 : i32
      %dma_wait3A_71 = arith.constant 0 : i32
      %dma_wait3A_72 = tpu.memref_slice %arg6[%dma_wait3A, %dma_wait3A_70, %dma_wait3A_71] : memref<4x128x128xf32, #tpu.memory_space<vmem>> -> memref<1x128x128xf32, #tpu.memory_space<vmem>>
      %dma_wait3A_73 = tpu.memref_squeeze %dma_wait3A_72 : memref<1x128x128xf32, #tpu.memory_space<vmem>> -> memref<128x128xf32, #tpu.memory_space<vmem>>
      %dma_wait3A_74 = arith.constant 0 : i32
      %dma_wait3A_75 = tpu.memref_slice %arg5[%add3A_14, %dma_wait3A_74] : memref<16x128xi32, #tpu.memory_space<vmem>> -> memref<1x128xi32, #tpu.memory_space<vmem>>
      %dma_wait3A_76 = tpu.memref_squeeze %dma_wait3A_75 : memref<1x128xi32, #tpu.memory_space<vmem>> -> memref<128xi32, #tpu.memory_space<vmem>>
      %dma_wait3A_77 = arith.constant 0 : i32
      %dma_wait3A_78 = arith.constant 0 : i32
      %dma_wait3A_79 = tpu.memref_slice %arg2[%dma_wait3A_77, %dma_wait3A_78] : memref<32768x128xf32, #tpu.memory_space<hbm>> -> memref<32768x128xf32, #tpu.memory_space<hbm>>
      tpu.wait_indirect_dma semaphore(%arg7 : memref<!tpu.dma_semaphore, #tpu.memory_space<semaphore_mem>>) src(%dma_wait3A_79 : memref<32768x128xf32, #tpu.memory_space<hbm>>) dst(%dma_wait3A_73 : memref<128x128xf32, #tpu.memory_space<vmem>>)
      %mul3A_80 = arith.constant 16 : i32
      %mul3A_81 = arith.muli %add3A, %mul3A_80 : i32
      %mul3A_82 = arith.constant 4 : i32
      %mul3A_83 = arith.muli %scan3A_9, %mul3A_82 : i32
      %add3A_84 = arith.addi %mul3A_81, %mul3A_83 : i32
      %add3A_85 = arith.constant 0 : i32
      %add3A_86 = arith.addi %add3A_84, %add3A_85 : i32
      %mul3A_87 = arith.constant 128 : i32
      %mul3A_88 = arith.muli %add3A_86, %mul3A_87 : i32
      %run_scoped3A = arith.constant 0 : i32
      "tpu.region"() ({
        %run_scoped3A_153 = tpu.sem_alloc : memref<!tpu.dma_semaphore, #tpu.memory_space<semaphore_mem>>
        %dma_start3A_154 = arith.constant 0 : i32
        %dma_start3A_155 = arith.constant 0 : i32
        %dma_start3A_156 = tpu.memref_slice %arg6[%run_scoped3A, %dma_start3A_154, %dma_start3A_155] : memref<4x128x128xf32, #tpu.memory_space<vmem>> -> memref<1x128x128xf32, #tpu.memory_space<vmem>>
        %dma_start3A_157 = tpu.memref_squeeze %dma_start3A_156 : memref<1x128x128xf32, #tpu.memory_space<vmem>> -> memref<128x128xf32, #tpu.memory_space<vmem>>
        %dma_start3A_158 = arith.constant 0 : i32
        %dma_start3A_159 = tpu.memref_slice %arg4[%mul3A_88, %dma_start3A_158] : memref<65536x128xf32, #tpu.memory_space<hbm>> -> memref<128x128xf32, #tpu.memory_space<hbm>>
        %dma_start3A_160 = arith.constant 0 : i32
        %dma_start3A_161 = tpu.memref_slice %arg4[%mul3A_88, %dma_start3A_160] : memref<65536x128xf32, #tpu.memory_space<hbm>> -> memref<128x128xf32, #tpu.memory_space<hbm>>
        %dma_start3A_162 = arith.constant 0 : i32
        %dma_start3A_163 = arith.constant 0 : i32
        %dma_start3A_164 = tpu.memref_slice %arg6[%run_scoped3A, %dma_start3A_162, %dma_start3A_163] : memref<4x128x128xf32, #tpu.memory_space<vmem>> -> memref<1x128x128xf32, #tpu.memory_space<vmem>>
        %dma_start3A_165 = tpu.memref_squeeze %dma_start3A_164 : memref<1x128x128xf32, #tpu.memory_space<vmem>> -> memref<128x128xf32, #tpu.memory_space<vmem>>
        tpu.enqueue_dma source(%dma_start3A_165 : memref<128x128xf32, #tpu.memory_space<vmem>>) target(%dma_start3A_161 : memref<128x128xf32, #tpu.memory_space<hbm>>) target_semaphore(%run_scoped3A_153 : memref<!tpu.dma_semaphore, #tpu.memory_space<semaphore_mem>>)
        %dma_wait3A_166 = arith.constant 0 : i32
        %dma_wait3A_167 = arith.constant 0 : i32
        %dma_wait3A_168 = tpu.memref_slice %arg6[%run_scoped3A, %dma_wait3A_166, %dma_wait3A_167] : memref<4x128x128xf32, #tpu.memory_space<vmem>> -> memref<1x128x128xf32, #tpu.memory_space<vmem>>
        %dma_wait3A_169 = tpu.memref_squeeze %dma_wait3A_168 : memref<1x128x128xf32, #tpu.memory_space<vmem>> -> memref<128x128xf32, #tpu.memory_space<vmem>>
        %dma_wait3A_170 = arith.constant 0 : i32
        %dma_wait3A_171 = tpu.memref_slice %arg4[%mul3A_88, %dma_wait3A_170] : memref<65536x128xf32, #tpu.memory_space<hbm>> -> memref<128x128xf32, #tpu.memory_space<hbm>>
        %dma_wait3A_172 = arith.constant 0 : i32
        %dma_wait3A_173 = tpu.memref_slice %arg4[%mul3A_88, %dma_wait3A_172] : memref<65536x128xf32, #tpu.memory_space<hbm>> -> memref<128x128xf32, #tpu.memory_space<hbm>>
        %dma_wait3A_174 = arith.constant 0 : i32
        %dma_wait3A_175 = arith.constant 0 : i32
        %dma_wait3A_176 = tpu.memref_slice %arg6[%run_scoped3A, %dma_wait3A_174, %dma_wait3A_175] : memref<4x128x128xf32, #tpu.memory_space<vmem>> -> memref<1x128x128xf32, #tpu.memory_space<vmem>>
        %dma_wait3A_177 = tpu.memref_squeeze %dma_wait3A_176 : memref<1x128x128xf32, #tpu.memory_space<vmem>> -> memref<128x128xf32, #tpu.memory_space<vmem>>
        tpu.wait_dma2 semaphore(%run_scoped3A_153 : memref<!tpu.dma_semaphore, #tpu.memory_space<semaphore_mem>>) src(%dma_wait3A_177 : memref<128x128xf32, #tpu.memory_space<vmem>>) dst(%dma_wait3A_173 : memref<128x128xf32, #tpu.memory_space<hbm>>)
        tpu.yield
      }) : () -> ()
      %dma_wait3A_89 = arith.constant 1 : i32
      %dma_wait3A_90 = arith.constant 0 : i32
      %dma_wait3A_91 = arith.constant 0 : i32
      %dma_wait3A_92 = tpu.memref_slice %arg6[%dma_wait3A_89, %dma_wait3A_90, %dma_wait3A_91] : memref<4x128x128xf32, #tpu.memory_space<vmem>> -> memref<1x128x128xf32, #tpu.memory_space<vmem>>
      %dma_wait3A_93 = tpu.memref_squeeze %dma_wait3A_92 : memref<1x128x128xf32, #tpu.memory_space<vmem>> -> memref<128x128xf32, #tpu.memory_space<vmem>>
      %dma_wait3A_94 = arith.constant 0 : i32
      %dma_wait3A_95 = tpu.memref_slice %arg5[%add3A_28, %dma_wait3A_94] : memref<16x128xi32, #tpu.memory_space<vmem>> -> memref<1x128xi32, #tpu.memory_space<vmem>>
      %dma_wait3A_96 = tpu.memref_squeeze %dma_wait3A_95 : memref<1x128xi32, #tpu.memory_space<vmem>> -> memref<128xi32, #tpu.memory_space<vmem>>
      %dma_wait3A_97 = arith.constant 0 : i32
      %dma_wait3A_98 = arith.constant 0 : i32
      %dma_wait3A_99 = tpu.memref_slice %arg2[%dma_wait3A_97, %dma_wait3A_98] : memref<32768x128xf32, #tpu.memory_space<hbm>> -> memref<32768x128xf32, #tpu.memory_space<hbm>>
      tpu.wait_indirect_dma semaphore(%arg8 : memref<!tpu.dma_semaphore, #tpu.memory_space<semaphore_mem>>) src(%dma_wait3A_99 : memref<32768x128xf32, #tpu.memory_space<hbm>>) dst(%dma_wait3A_93 : memref<128x128xf32, #tpu.memory_space<vmem>>)
      %mul3A_100 = arith.constant 16 : i32
      %mul3A_101 = arith.muli %add3A, %mul3A_100 : i32
      %mul3A_102 = arith.constant 4 : i32
      %mul3A_103 = arith.muli %scan3A_9, %mul3A_102 : i32
      %add3A_104 = arith.addi %mul3A_101, %mul3A_103 : i32
      %add3A_105 = arith.constant 1 : i32
      %add3A_106 = arith.addi %add3A_104, %add3A_105 : i32
      %mul3A_107 = arith.constant 128 : i32
      %mul3A_108 = arith.muli %add3A_106, %mul3A_107 : i32
      %run_scoped3A_109 = arith.constant 1 : i32
      "tpu.region"() ({
        %run_scoped3A_153 = tpu.sem_alloc : memref<!tpu.dma_semaphore, #tpu.memory_space<semaphore_mem>>
        %dma_start3A_154 = arith.constant 0 : i32
        %dma_start3A_155 = arith.constant 0 : i32
        %dma_start3A_156 = tpu.memref_slice %arg6[%run_scoped3A_109, %dma_start3A_154, %dma_start3A_155] : memref<4x128x128xf32, #tpu.memory_space<vmem>> -> memref<1x128x128xf32, #tpu.memory_space<vmem>>
        %dma_start3A_157 = tpu.memref_squeeze %dma_start3A_156 : memref<1x128x128xf32, #tpu.memory_space<vmem>> -> memref<128x128xf32, #tpu.memory_space<vmem>>
        %dma_start3A_158 = arith.constant 0 : i32
        %dma_start3A_159 = tpu.memref_slice %arg4[%mul3A_108, %dma_start3A_158] : memref<65536x128xf32, #tpu.memory_space<hbm>> -> memref<128x128xf32, #tpu.memory_space<hbm>>
        %dma_start3A_160 = arith.constant 0 : i32
        %dma_start3A_161 = tpu.memref_slice %arg4[%mul3A_108, %dma_start3A_160] : memref<65536x128xf32, #tpu.memory_space<hbm>> -> memref<128x128xf32, #tpu.memory_space<hbm>>
        %dma_start3A_162 = arith.constant 0 : i32
        %dma_start3A_163 = arith.constant 0 : i32
        %dma_start3A_164 = tpu.memref_slice %arg6[%run_scoped3A_109, %dma_start3A_162, %dma_start3A_163] : memref<4x128x128xf32, #tpu.memory_space<vmem>> -> memref<1x128x128xf32, #tpu.memory_space<vmem>>
        %dma_start3A_165 = tpu.memref_squeeze %dma_start3A_164 : memref<1x128x128xf32, #tpu.memory_space<vmem>> -> memref<128x128xf32, #tpu.memory_space<vmem>>
        tpu.enqueue_dma source(%dma_start3A_165 : memref<128x128xf32, #tpu.memory_space<vmem>>) target(%dma_start3A_161 : memref<128x128xf32, #tpu.memory_space<hbm>>) target_semaphore(%run_scoped3A_153 : memref<!tpu.dma_semaphore, #tpu.memory_space<semaphore_mem>>)
        %dma_wait3A_166 = arith.constant 0 : i32
        %dma_wait3A_167 = arith.constant 0 : i32
        %dma_wait3A_168 = tpu.memref_slice %arg6[%run_scoped3A_109, %dma_wait3A_166, %dma_wait3A_167] : memref<4x128x128xf32, #tpu.memory_space<vmem>> -> memref<1x128x128xf32, #tpu.memory_space<vmem>>
        %dma_wait3A_169 = tpu.memref_squeeze %dma_wait3A_168 : memref<1x128x128xf32, #tpu.memory_space<vmem>> -> memref<128x128xf32, #tpu.memory_space<vmem>>
        %dma_wait3A_170 = arith.constant 0 : i32
        %dma_wait3A_171 = tpu.memref_slice %arg4[%mul3A_108, %dma_wait3A_170] : memref<65536x128xf32, #tpu.memory_space<hbm>> -> memref<128x128xf32, #tpu.memory_space<hbm>>
        %dma_wait3A_172 = arith.constant 0 : i32
        %dma_wait3A_173 = tpu.memref_slice %arg4[%mul3A_108, %dma_wait3A_172] : memref<65536x128xf32, #tpu.memory_space<hbm>> -> memref<128x128xf32, #tpu.memory_space<hbm>>
        %dma_wait3A_174 = arith.constant 0 : i32
        %dma_wait3A_175 = arith.constant 0 : i32
        %dma_wait3A_176 = tpu.memref_slice %arg6[%run_scoped3A_109, %dma_wait3A_174, %dma_wait3A_175] : memref<4x128x128xf32, #tpu.memory_space<vmem>> -> memref<1x128x128xf32, #tpu.memory_space<vmem>>
        %dma_wait3A_177 = tpu.memref_squeeze %dma_wait3A_176 : memref<1x128x128xf32, #tpu.memory_space<vmem>> -> memref<128x128xf32, #tpu.memory_space<vmem>>
        tpu.wait_dma2 semaphore(%run_scoped3A_153 : memref<!tpu.dma_semaphore, #tpu.memory_space<semaphore_mem>>) src(%dma_wait3A_177 : memref<128x128xf32, #tpu.memory_space<vmem>>) dst(%dma_wait3A_173 : memref<128x128xf32, #tpu.memory_space<hbm>>)
        tpu.yield
      }) : () -> ()
      %dma_wait3A_110 = arith.constant 2 : i32
      %dma_wait3A_111 = arith.constant 0 : i32
      %dma_wait3A_112 = arith.constant 0 : i32
      %dma_wait3A_113 = tpu.memref_slice %arg6[%dma_wait3A_110, %dma_wait3A_111, %dma_wait3A_112] : memref<4x128x128xf32, #tpu.memory_space<vmem>> -> memref<1x128x128xf32, #tpu.memory_space<vmem>>
      %dma_wait3A_114 = tpu.memref_squeeze %dma_wait3A_113 : memref<1x128x128xf32, #tpu.memory_space<vmem>> -> memref<128x128xf32, #tpu.memory_space<vmem>>
      %dma_wait3A_115 = arith.constant 0 : i32
      %dma_wait3A_116 = tpu.memref_slice %arg5[%add3A_43, %dma_wait3A_115] : memref<16x128xi32, #tpu.memory_space<vmem>> -> memref<1x128xi32, #tpu.memory_space<vmem>>
      %dma_wait3A_117 = tpu.memref_squeeze %dma_wait3A_116 : memref<1x128xi32, #tpu.memory_space<vmem>> -> memref<128xi32, #tpu.memory_space<vmem>>
      %dma_wait3A_118 = arith.constant 0 : i32
      %dma_wait3A_119 = arith.constant 0 : i32
      %dma_wait3A_120 = tpu.memref_slice %arg2[%dma_wait3A_118, %dma_wait3A_119] : memref<32768x128xf32, #tpu.memory_space<hbm>> -> memref<32768x128xf32, #tpu.memory_space<hbm>>
      tpu.wait_indirect_dma semaphore(%arg9 : memref<!tpu.dma_semaphore, #tpu.memory_space<semaphore_mem>>) src(%dma_wait3A_120 : memref<32768x128xf32, #tpu.memory_space<hbm>>) dst(%dma_wait3A_114 : memref<128x128xf32, #tpu.memory_space<vmem>>)
      %mul3A_121 = arith.constant 16 : i32
      %mul3A_122 = arith.muli %add3A, %mul3A_121 : i32
      %mul3A_123 = arith.constant 4 : i32
      %mul3A_124 = arith.muli %scan3A_9, %mul3A_123 : i32
      %add3A_125 = arith.addi %mul3A_122, %mul3A_124 : i32
      %add3A_126 = arith.constant 2 : i32
      %add3A_127 = arith.addi %add3A_125, %add3A_126 : i32
      %mul3A_128 = arith.constant 128 : i32
      %mul3A_129 = arith.muli %add3A_127, %mul3A_128 : i32
      %run_scoped3A_130 = arith.constant 2 : i32
      "tpu.region"() ({
        %run_scoped3A_153 = tpu.sem_alloc : memref<!tpu.dma_semaphore, #tpu.memory_space<semaphore_mem>>
        %dma_start3A_154 = arith.constant 0 : i32
        %dma_start3A_155 = arith.constant 0 : i32
        %dma_start3A_156 = tpu.memref_slice %arg6[%run_scoped3A_130, %dma_start3A_154, %dma_start3A_155] : memref<4x128x128xf32, #tpu.memory_space<vmem>> -> memref<1x128x128xf32, #tpu.memory_space<vmem>>
        %dma_start3A_157 = tpu.memref_squeeze %dma_start3A_156 : memref<1x128x128xf32, #tpu.memory_space<vmem>> -> memref<128x128xf32, #tpu.memory_space<vmem>>
        %dma_start3A_158 = arith.constant 0 : i32
        %dma_start3A_159 = tpu.memref_slice %arg4[%mul3A_129, %dma_start3A_158] : memref<65536x128xf32, #tpu.memory_space<hbm>> -> memref<128x128xf32, #tpu.memory_space<hbm>>
        %dma_start3A_160 = arith.constant 0 : i32
        %dma_start3A_161 = tpu.memref_slice %arg4[%mul3A_129, %dma_start3A_160] : memref<65536x128xf32, #tpu.memory_space<hbm>> -> memref<128x128xf32, #tpu.memory_space<hbm>>
        %dma_start3A_162 = arith.constant 0 : i32
        %dma_start3A_163 = arith.constant 0 : i32
        %dma_start3A_164 = tpu.memref_slice %arg6[%run_scoped3A_130, %dma_start3A_162, %dma_start3A_163] : memref<4x128x128xf32, #tpu.memory_space<vmem>> -> memref<1x128x128xf32, #tpu.memory_space<vmem>>
        %dma_start3A_165 = tpu.memref_squeeze %dma_start3A_164 : memref<1x128x128xf32, #tpu.memory_space<vmem>> -> memref<128x128xf32, #tpu.memory_space<vmem>>
        tpu.enqueue_dma source(%dma_start3A_165 : memref<128x128xf32, #tpu.memory_space<vmem>>) target(%dma_start3A_161 : memref<128x128xf32, #tpu.memory_space<hbm>>) target_semaphore(%run_scoped3A_153 : memref<!tpu.dma_semaphore, #tpu.memory_space<semaphore_mem>>)
        %dma_wait3A_166 = arith.constant 0 : i32
        %dma_wait3A_167 = arith.constant 0 : i32
        %dma_wait3A_168 = tpu.memref_slice %arg6[%run_scoped3A_130, %dma_wait3A_166, %dma_wait3A_167] : memref<4x128x128xf32, #tpu.memory_space<vmem>> -> memref<1x128x128xf32, #tpu.memory_space<vmem>>
        %dma_wait3A_169 = tpu.memref_squeeze %dma_wait3A_168 : memref<1x128x128xf32, #tpu.memory_space<vmem>> -> memref<128x128xf32, #tpu.memory_space<vmem>>
        %dma_wait3A_170 = arith.constant 0 : i32
        %dma_wait3A_171 = tpu.memref_slice %arg4[%mul3A_129, %dma_wait3A_170] : memref<65536x128xf32, #tpu.memory_space<hbm>> -> memref<128x128xf32, #tpu.memory_space<hbm>>
        %dma_wait3A_172 = arith.constant 0 : i32
        %dma_wait3A_173 = tpu.memref_slice %arg4[%mul3A_129, %dma_wait3A_172] : memref<65536x128xf32, #tpu.memory_space<hbm>> -> memref<128x128xf32, #tpu.memory_space<hbm>>
        %dma_wait3A_174 = arith.constant 0 : i32
        %dma_wait3A_175 = arith.constant 0 : i32
        %dma_wait3A_176 = tpu.memref_slice %arg6[%run_scoped3A_130, %dma_wait3A_174, %dma_wait3A_175] : memref<4x128x128xf32, #tpu.memory_space<vmem>> -> memref<1x128x128xf32, #tpu.memory_space<vmem>>
        %dma_wait3A_177 = tpu.memref_squeeze %dma_wait3A_176 : memref<1x128x128xf32, #tpu.memory_space<vmem>> -> memref<128x128xf32, #tpu.memory_space<vmem>>
        tpu.wait_dma2 semaphore(%run_scoped3A_153 : memref<!tpu.dma_semaphore, #tpu.memory_space<semaphore_mem>>) src(%dma_wait3A_177 : memref<128x128xf32, #tpu.memory_space<vmem>>) dst(%dma_wait3A_173 : memref<128x128xf32, #tpu.memory_space<hbm>>)
        tpu.yield
      }) : () -> ()
      %dma_wait3A_131 = arith.constant 3 : i32
      %dma_wait3A_132 = arith.constant 0 : i32
      %dma_wait3A_133 = arith.constant 0 : i32
      %dma_wait3A_134 = tpu.memref_slice %arg6[%dma_wait3A_131, %dma_wait3A_132, %dma_wait3A_133] : memref<4x128x128xf32, #tpu.memory_space<vmem>> -> memref<1x128x128xf32, #tpu.memory_space<vmem>>
      %dma_wait3A_135 = tpu.memref_squeeze %dma_wait3A_134 : memref<1x128x128xf32, #tpu.memory_space<vmem>> -> memref<128x128xf32, #tpu.memory_space<vmem>>
      %dma_wait3A_136 = arith.constant 0 : i32
      %dma_wait3A_137 = tpu.memref_slice %arg5[%add3A_58, %dma_wait3A_136] : memref<16x128xi32, #tpu.memory_space<vmem>> -> memref<1x128xi32, #tpu.memory_space<vmem>>
      %dma_wait3A_138 = tpu.memref_squeeze %dma_wait3A_137 : memref<1x128xi32, #tpu.memory_space<vmem>> -> memref<128xi32, #tpu.memory_space<vmem>>
      %dma_wait3A_139 = arith.constant 0 : i32
      %dma_wait3A_140 = arith.constant 0 : i32
      %dma_wait3A_141 = tpu.memref_slice %arg2[%dma_wait3A_139, %dma_wait3A_140] : memref<32768x128xf32, #tpu.memory_space<hbm>> -> memref<32768x128xf32, #tpu.memory_space<hbm>>
      tpu.wait_indirect_dma semaphore(%arg10 : memref<!tpu.dma_semaphore, #tpu.memory_space<semaphore_mem>>) src(%dma_wait3A_141 : memref<32768x128xf32, #tpu.memory_space<hbm>>) dst(%dma_wait3A_135 : memref<128x128xf32, #tpu.memory_space<vmem>>)
      %mul3A_142 = arith.constant 16 : i32
      %mul3A_143 = arith.muli %add3A, %mul3A_142 : i32
      %mul3A_144 = arith.constant 4 : i32
      %mul3A_145 = arith.muli %scan3A_9, %mul3A_144 : i32
      %add3A_146 = arith.addi %mul3A_143, %mul3A_145 : i32
      %add3A_147 = arith.constant 3 : i32
      %add3A_148 = arith.addi %add3A_146, %add3A_147 : i32
      %mul3A_149 = arith.constant 128 : i32
      %mul3A_150 = arith.muli %add3A_148, %mul3A_149 : i32
      %run_scoped3A_151 = arith.constant 3 : i32
      "tpu.region"() ({
        %run_scoped3A_153 = tpu.sem_alloc : memref<!tpu.dma_semaphore, #tpu.memory_space<semaphore_mem>>
        %dma_start3A_154 = arith.constant 0 : i32
        %dma_start3A_155 = arith.constant 0 : i32
        %dma_start3A_156 = tpu.memref_slice %arg6[%run_scoped3A_151, %dma_start3A_154, %dma_start3A_155] : memref<4x128x128xf32, #tpu.memory_space<vmem>> -> memref<1x128x128xf32, #tpu.memory_space<vmem>>
        %dma_start3A_157 = tpu.memref_squeeze %dma_start3A_156 : memref<1x128x128xf32, #tpu.memory_space<vmem>> -> memref<128x128xf32, #tpu.memory_space<vmem>>
        %dma_start3A_158 = arith.constant 0 : i32
        %dma_start3A_159 = tpu.memref_slice %arg4[%mul3A_150, %dma_start3A_158] : memref<65536x128xf32, #tpu.memory_space<hbm>> -> memref<128x128xf32, #tpu.memory_space<hbm>>
        %dma_start3A_160 = arith.constant 0 : i32
        %dma_start3A_161 = tpu.memref_slice %arg4[%mul3A_150, %dma_start3A_160] : memref<65536x128xf32, #tpu.memory_space<hbm>> -> memref<128x128xf32, #tpu.memory_space<hbm>>
        %dma_start3A_162 = arith.constant 0 : i32
        %dma_start3A_163 = arith.constant 0 : i32
        %dma_start3A_164 = tpu.memref_slice %arg6[%run_scoped3A_151, %dma_start3A_162, %dma_start3A_163] : memref<4x128x128xf32, #tpu.memory_space<vmem>> -> memref<1x128x128xf32, #tpu.memory_space<vmem>>
        %dma_start3A_165 = tpu.memref_squeeze %dma_start3A_164 : memref<1x128x128xf32, #tpu.memory_space<vmem>> -> memref<128x128xf32, #tpu.memory_space<vmem>>
        tpu.enqueue_dma source(%dma_start3A_165 : memref<128x128xf32, #tpu.memory_space<vmem>>) target(%dma_start3A_161 : memref<128x128xf32, #tpu.memory_space<hbm>>) target_semaphore(%run_scoped3A_153 : memref<!tpu.dma_semaphore, #tpu.memory_space<semaphore_mem>>)
        %dma_wait3A_166 = arith.constant 0 : i32
        %dma_wait3A_167 = arith.constant 0 : i32
        %dma_wait3A_168 = tpu.memref_slice %arg6[%run_scoped3A_151, %dma_wait3A_166, %dma_wait3A_167] : memref<4x128x128xf32, #tpu.memory_space<vmem>> -> memref<1x128x128xf32, #tpu.memory_space<vmem>>
        %dma_wait3A_169 = tpu.memref_squeeze %dma_wait3A_168 : memref<1x128x128xf32, #tpu.memory_space<vmem>> -> memref<128x128xf32, #tpu.memory_space<vmem>>
        %dma_wait3A_170 = arith.constant 0 : i32
        %dma_wait3A_171 = tpu.memref_slice %arg4[%mul3A_150, %dma_wait3A_170] : memref<65536x128xf32, #tpu.memory_space<hbm>> -> memref<128x128xf32, #tpu.memory_space<hbm>>
        %dma_wait3A_172 = arith.constant 0 : i32
        %dma_wait3A_173 = tpu.memref_slice %arg4[%mul3A_150, %dma_wait3A_172] : memref<65536x128xf32, #tpu.memory_space<hbm>> -> memref<128x128xf32, #tpu.memory_space<hbm>>
        %dma_wait3A_174 = arith.constant 0 : i32
        %dma_wait3A_175 = arith.constant 0 : i32
        %dma_wait3A_176 = tpu.memref_slice %arg6[%run_scoped3A_151, %dma_wait3A_174, %dma_wait3A_175] : memref<4x128x128xf32, #tpu.memory_space<vmem>> -> memref<1x128x128xf32, #tpu.memory_space<vmem>>
        %dma_wait3A_177 = tpu.memref_squeeze %dma_wait3A_176 : memref<1x128x128xf32, #tpu.memory_space<vmem>> -> memref<128x128xf32, #tpu.memory_space<vmem>>
        tpu.wait_dma2 semaphore(%run_scoped3A_153 : memref<!tpu.dma_semaphore, #tpu.memory_space<semaphore_mem>>) src(%dma_wait3A_177 : memref<128x128xf32, #tpu.memory_space<vmem>>) dst(%dma_wait3A_173 : memref<128x128xf32, #tpu.memory_space<hbm>>)
        tpu.yield
      }) : () -> ()
      %scan3A_152 = arith.constant 0 : i32
      scf.yield %scan3A_152 : i32
    }
    %scan3A_8 = arith.constant 4 : i32
    return
  }
}

#map = affine_map<(d0, d1) -> (0, 0)>
module attributes {stable_mosaic.version = 14 : i64} {
  func.func @k(%arg0: i32, %arg1: i32, %arg2: memref<32768x128xf32, #tpu.memory_space<hbm>>, %arg3: memref<512x128xi32, #tpu.memory_space<hbm>>, %arg4: memref<65536x128xf32, #tpu.memory_space<hbm>>, %arg5: memref<16x128xi32, #tpu.memory_space<vmem>>, %arg6: memref<4x128x128xf32, #tpu.memory_space<vmem>>, %arg7: memref<!tpu.dma_semaphore, #tpu.memory_space<semaphore_mem>>, %arg8: memref<!tpu.dma_semaphore, #tpu.memory_space<semaphore_mem>>, %arg9: memref<!tpu.dma_semaphore, #tpu.memory_space<semaphore_mem>>, %arg10: memref<!tpu.dma_semaphore, #tpu.memory_space<semaphore_mem>>) attributes {dimension_semantics = [#tpu.dimension_semantics<core_parallel>, #tpu.dimension_semantics<subcore_parallel>], iteration_bounds = array<i64: 2, 16>, scalar_prefetch = 0 : i64, scratch_operands = 6 : i64, tpu.core_type = #tpu.core_type<sc_vector_subcore>, window_params = [{transform_indices = #map}, {transform_indices = #map}, {transform_indices = #map}]} {
    %mul3A = arith.constant 2 : i32
    %mul3A_0 = arith.muli %arg1, %mul3A : i32
    %add3A = arith.addi %mul3A_0, %arg0 : i32
    %mul3A_1 = arith.constant 16 : i32
    %mul3A_2 = arith.muli %add3A, %mul3A_1 : i32
    "tpu.region"() ({
      %run_scoped3A = tpu.sem_alloc : memref<!tpu.dma_semaphore, #tpu.memory_space<semaphore_mem>>
      %dma_start3A = arith.constant 0 : i32
      %dma_start3A_9 = tpu.memref_slice %arg3[%mul3A_2, %dma_start3A] : memref<512x128xi32, #tpu.memory_space<hbm>> -> memref<16x128xi32, #tpu.memory_space<hbm>>
      %dma_start3A_10 = arith.constant 0 : i32
      %dma_start3A_11 = tpu.memref_slice %arg3[%mul3A_2, %dma_start3A_10] : memref<512x128xi32, #tpu.memory_space<hbm>> -> memref<16x128xi32, #tpu.memory_space<hbm>>
      tpu.enqueue_dma source(%dma_start3A_11 : memref<16x128xi32, #tpu.memory_space<hbm>>) target(%arg5 : memref<16x128xi32, #tpu.memory_space<vmem>>) target_semaphore(%run_scoped3A : memref<!tpu.dma_semaphore, #tpu.memory_space<semaphore_mem>>)
      %dma_wait3A = arith.constant 0 : i32
      %dma_wait3A_12 = tpu.memref_slice %arg3[%mul3A_2, %dma_wait3A] : memref<512x128xi32, #tpu.memory_space<hbm>> -> memref<16x128xi32, #tpu.memory_space<hbm>>
      %dma_wait3A_13 = arith.constant 0 : i32
      %dma_wait3A_14 = tpu.memref_slice %arg3[%mul3A_2, %dma_wait3A_13] : memref<512x128xi32, #tpu.memory_space<hbm>> -> memref<16x128xi32, #tpu.memory_space<hbm>>
      tpu.wait_dma2 semaphore(%run_scoped3A : memref<!tpu.dma_semaphore, #tpu.memory_space<semaphore_mem>>) src(%dma_wait3A_14 : memref<16x128xi32, #tpu.memory_space<hbm>>) dst(%arg5 : memref<16x128xi32, #tpu.memory_space<vmem>>)
      tpu.yield
    }) : () -> ()
    %scan3A = arith.constant 0 : i32
    %scan3A_3 = arith.constant 0 : i32
    %scan3A_4 = arith.constant 4 : i32
    %scan3A_5 = arith.addi %scan3A_3, %scan3A_4 : i32
    %scan3A_6 = arith.constant 1 : i32
    %scan3A_7 = scf.for %scan3A_9 = %scan3A_3 to %scan3A_5 step %scan3A_6 iter_args(%scan3A_10 = %scan3A) -> (i32)  : i32 {
      %mul3A_11 = arith.constant 4 : i32
      %mul3A_12 = arith.muli %scan3A_9, %mul3A_11 : i32
      %add3A_13 = arith.constant 0 : i32
      %add3A_14 = arith.addi %mul3A_12, %add3A_13 : i32
      %dma_start3A = arith.constant 0 : i32
      %dma_start3A_15 = arith.constant 0 : i32
      %dma_start3A_16 = arith.constant 0 : i32
      %dma_start3A_17 = tpu.memref_slice %arg6[%dma_start3A, %dma_start3A_15, %dma_start3A_16] : memref<4x128x128xf32, #tpu.memory_space<vmem>> -> memref<1x128x128xf32, #tpu.memory_space<vmem>>
      %dma_start3A_18 = tpu.memref_squeeze %dma_start3A_17 : memref<1x128x128xf32, #tpu.memory_space<vmem>> -> memref<128x128xf32, #tpu.memory_space<vmem>>
      %dma_start3A_19 = arith.constant 0 : i32
      %dma_start3A_20 = tpu.memref_slice %arg5[%add3A_14, %dma_start3A_19] : memref<16x128xi32, #tpu.memory_space<vmem>> -> memref<1x128xi32, #tpu.memory_space<vmem>>
      %dma_start3A_21 = tpu.memref_squeeze %dma_start3A_20 : memref<1x128xi32, #tpu.memory_space<vmem>> -> memref<128xi32, #tpu.memory_space<vmem>>
      %dma_start3A_22 = arith.constant 0 : i32
      %dma_start3A_23 = arith.constant 0 : i32
      %dma_start3A_24 = tpu.memref_slice %arg2[%dma_start3A_22, %dma_start3A_23] : memref<32768x128xf32, #tpu.memory_space<hbm>> -> memref<32768x128xf32, #tpu.memory_space<hbm>>
      tpu.enqueue_indirect_dma source(%dma_start3A_24 : memref<32768x128xf32, #tpu.memory_space<hbm>>) target(%dma_start3A_18 : memref<128x128xf32, #tpu.memory_space<vmem>>) offsets(%dma_start3A_21 : memref<128xi32, #tpu.memory_space<vmem>>) semaphore(%arg7 : memref<!tpu.dma_semaphore, #tpu.memory_space<semaphore_mem>>)
      %mul3A_25 = arith.constant 4 : i32
      %mul3A_26 = arith.muli %scan3A_9, %mul3A_25 : i32
      %add3A_27 = arith.constant 1 : i32
      %add3A_28 = arith.addi %mul3A_26, %add3A_27 : i32
      %dma_start3A_29 = arith.constant 1 : i32
      %dma_start3A_30 = arith.constant 0 : i32
      %dma_start3A_31 = arith.constant 0 : i32
      %dma_start3A_32 = tpu.memref_slice %arg6[%dma_start3A_29, %dma_start3A_30, %dma_start3A_31] : memref<4x128x128xf32, #tpu.memory_space<vmem>> -> memref<1x128x128xf32, #tpu.memory_space<vmem>>
      %dma_start3A_33 = tpu.memref_squeeze %dma_start3A_32 : memref<1x128x128xf32, #tpu.memory_space<vmem>> -> memref<128x128xf32, #tpu.memory_space<vmem>>
      %dma_start3A_34 = arith.constant 0 : i32
      %dma_start3A_35 = tpu.memref_slice %arg5[%add3A_28, %dma_start3A_34] : memref<16x128xi32, #tpu.memory_space<vmem>> -> memref<1x128xi32, #tpu.memory_space<vmem>>
      %dma_start3A_36 = tpu.memref_squeeze %dma_start3A_35 : memref<1x128xi32, #tpu.memory_space<vmem>> -> memref<128xi32, #tpu.memory_space<vmem>>
      %dma_start3A_37 = arith.constant 0 : i32
      %dma_start3A_38 = arith.constant 0 : i32
      %dma_start3A_39 = tpu.memref_slice %arg2[%dma_start3A_37, %dma_start3A_38] : memref<32768x128xf32, #tpu.memory_space<hbm>> -> memref<32768x128xf32, #tpu.memory_space<hbm>>
      tpu.enqueue_indirect_dma source(%dma_start3A_39 : memref<32768x128xf32, #tpu.memory_space<hbm>>) target(%dma_start3A_33 : memref<128x128xf32, #tpu.memory_space<vmem>>) offsets(%dma_start3A_36 : memref<128xi32, #tpu.memory_space<vmem>>) semaphore(%arg8 : memref<!tpu.dma_semaphore, #tpu.memory_space<semaphore_mem>>)
      %mul3A_40 = arith.constant 4 : i32
      %mul3A_41 = arith.muli %scan3A_9, %mul3A_40 : i32
      %add3A_42 = arith.constant 2 : i32
      %add3A_43 = arith.addi %mul3A_41, %add3A_42 : i32
      %dma_start3A_44 = arith.constant 2 : i32
      %dma_start3A_45 = arith.constant 0 : i32
      %dma_start3A_46 = arith.constant 0 : i32
      %dma_start3A_47 = tpu.memref_slice %arg6[%dma_start3A_44, %dma_start3A_45, %dma_start3A_46] : memref<4x128x128xf32, #tpu.memory_space<vmem>> -> memref<1x128x128xf32, #tpu.memory_space<vmem>>
      %dma_start3A_48 = tpu.memref_squeeze %dma_start3A_47 : memref<1x128x128xf32, #tpu.memory_space<vmem>> -> memref<128x128xf32, #tpu.memory_space<vmem>>
      %dma_start3A_49 = arith.constant 0 : i32
      %dma_start3A_50 = tpu.memref_slice %arg5[%add3A_43, %dma_start3A_49] : memref<16x128xi32, #tpu.memory_space<vmem>> -> memref<1x128xi32, #tpu.memory_space<vmem>>
      %dma_start3A_51 = tpu.memref_squeeze %dma_start3A_50 : memref<1x128xi32, #tpu.memory_space<vmem>> -> memref<128xi32, #tpu.memory_space<vmem>>
      %dma_start3A_52 = arith.constant 0 : i32
      %dma_start3A_53 = arith.constant 0 : i32
      %dma_start3A_54 = tpu.memref_slice %arg2[%dma_start3A_52, %dma_start3A_53] : memref<32768x128xf32, #tpu.memory_space<hbm>> -> memref<32768x128xf32, #tpu.memory_space<hbm>>
      tpu.enqueue_indirect_dma source(%dma_start3A_54 : memref<32768x128xf32, #tpu.memory_space<hbm>>) target(%dma_start3A_48 : memref<128x128xf32, #tpu.memory_space<vmem>>) offsets(%dma_start3A_51 : memref<128xi32, #tpu.memory_space<vmem>>) semaphore(%arg9 : memref<!tpu.dma_semaphore, #tpu.memory_space<semaphore_mem>>)
      %mul3A_55 = arith.constant 4 : i32
      %mul3A_56 = arith.muli %scan3A_9, %mul3A_55 : i32
      %add3A_57 = arith.constant 3 : i32
      %add3A_58 = arith.addi %mul3A_56, %add3A_57 : i32
      %dma_start3A_59 = arith.constant 3 : i32
      %dma_start3A_60 = arith.constant 0 : i32
      %dma_start3A_61 = arith.constant 0 : i32
      %dma_start3A_62 = tpu.memref_slice %arg6[%dma_start3A_59, %dma_start3A_60, %dma_start3A_61] : memref<4x128x128xf32, #tpu.memory_space<vmem>> -> memref<1x128x128xf32, #tpu.memory_space<vmem>>
      %dma_start3A_63 = tpu.memref_squeeze %dma_start3A_62 : memref<1x128x128xf32, #tpu.memory_space<vmem>> -> memref<128x128xf32, #tpu.memory_space<vmem>>
      %dma_start3A_64 = arith.constant 0 : i32
      %dma_start3A_65 = tpu.memref_slice %arg5[%add3A_58, %dma_start3A_64] : memref<16x128xi32, #tpu.memory_space<vmem>> -> memref<1x128xi32, #tpu.memory_space<vmem>>
      %dma_start3A_66 = tpu.memref_squeeze %dma_start3A_65 : memref<1x128xi32, #tpu.memory_space<vmem>> -> memref<128xi32, #tpu.memory_space<vmem>>
      %dma_start3A_67 = arith.constant 0 : i32
      %dma_start3A_68 = arith.constant 0 : i32
      %dma_start3A_69 = tpu.memref_slice %arg2[%dma_start3A_67, %dma_start3A_68] : memref<32768x128xf32, #tpu.memory_space<hbm>> -> memref<32768x128xf32, #tpu.memory_space<hbm>>
      tpu.enqueue_indirect_dma source(%dma_start3A_69 : memref<32768x128xf32, #tpu.memory_space<hbm>>) target(%dma_start3A_63 : memref<128x128xf32, #tpu.memory_space<vmem>>) offsets(%dma_start3A_66 : memref<128xi32, #tpu.memory_space<vmem>>) semaphore(%arg10 : memref<!tpu.dma_semaphore, #tpu.memory_space<semaphore_mem>>)
      %dma_wait3A = arith.constant 0 : i32
      %dma_wait3A_70 = arith.constant 0 : i32
      %dma_wait3A_71 = arith.constant 0 : i32
      %dma_wait3A_72 = tpu.memref_slice %arg6[%dma_wait3A, %dma_wait3A_70, %dma_wait3A_71] : memref<4x128x128xf32, #tpu.memory_space<vmem>> -> memref<1x128x128xf32, #tpu.memory_space<vmem>>
      %dma_wait3A_73 = tpu.memref_squeeze %dma_wait3A_72 : memref<1x128x128xf32, #tpu.memory_space<vmem>> -> memref<128x128xf32, #tpu.memory_space<vmem>>
      %dma_wait3A_74 = arith.constant 0 : i32
      %dma_wait3A_75 = tpu.memref_slice %arg5[%add3A_14, %dma_wait3A_74] : memref<16x128xi32, #tpu.memory_space<vmem>> -> memref<1x128xi32, #tpu.memory_space<vmem>>
      %dma_wait3A_76 = tpu.memref_squeeze %dma_wait3A_75 : memref<1x128xi32, #tpu.memory_space<vmem>> -> memref<128xi32, #tpu.memory_space<vmem>>
      %dma_wait3A_77 = arith.constant 0 : i32
      %dma_wait3A_78 = arith.constant 0 : i32
      %dma_wait3A_79 = tpu.memref_slice %arg2[%dma_wait3A_77, %dma_wait3A_78] : memref<32768x128xf32, #tpu.memory_space<hbm>> -> memref<32768x128xf32, #tpu.memory_space<hbm>>
      tpu.wait_indirect_dma semaphore(%arg7 : memref<!tpu.dma_semaphore, #tpu.memory_space<semaphore_mem>>) src(%dma_wait3A_79 : memref<32768x128xf32, #tpu.memory_space<hbm>>) dst(%dma_wait3A_73 : memref<128x128xf32, #tpu.memory_space<vmem>>)
      %mul3A_80 = arith.constant 16 : i32
      %mul3A_81 = arith.muli %add3A, %mul3A_80 : i32
      %mul3A_82 = arith.constant 4 : i32
      %mul3A_83 = arith.muli %scan3A_9, %mul3A_82 : i32
      %add3A_84 = arith.addi %mul3A_81, %mul3A_83 : i32
      %add3A_85 = arith.constant 0 : i32
      %add3A_86 = arith.addi %add3A_84, %add3A_85 : i32
      %mul3A_87 = arith.constant 128 : i32
      %mul3A_88 = arith.muli %add3A_86, %mul3A_87 : i32
      %run_scoped3A = arith.constant 0 : i32
      "tpu.region"() ({
        %run_scoped3A_153 = tpu.sem_alloc : memref<!tpu.dma_semaphore, #tpu.memory_space<semaphore_mem>>
        %dma_start3A_154 = arith.constant 0 : i32
        %dma_start3A_155 = arith.constant 0 : i32
        %dma_start3A_156 = tpu.memref_slice %arg6[%run_scoped3A, %dma_start3A_154, %dma_start3A_155] : memref<4x128x128xf32, #tpu.memory_space<vmem>> -> memref<1x128x128xf32, #tpu.memory_space<vmem>>
        %dma_start3A_157 = tpu.memref_squeeze %dma_start3A_156 : memref<1x128x128xf32, #tpu.memory_space<vmem>> -> memref<128x128xf32, #tpu.memory_space<vmem>>
        %dma_start3A_158 = arith.constant 0 : i32
        %dma_start3A_159 = tpu.memref_slice %arg4[%mul3A_88, %dma_start3A_158] : memref<65536x128xf32, #tpu.memory_space<hbm>> -> memref<128x128xf32, #tpu.memory_space<hbm>>
        %dma_start3A_160 = arith.constant 0 : i32
        %dma_start3A_161 = tpu.memref_slice %arg4[%mul3A_88, %dma_start3A_160] : memref<65536x128xf32, #tpu.memory_space<hbm>> -> memref<128x128xf32, #tpu.memory_space<hbm>>
        %dma_start3A_162 = arith.constant 0 : i32
        %dma_start3A_163 = arith.constant 0 : i32
        %dma_start3A_164 = tpu.memref_slice %arg6[%run_scoped3A, %dma_start3A_162, %dma_start3A_163] : memref<4x128x128xf32, #tpu.memory_space<vmem>> -> memref<1x128x128xf32, #tpu.memory_space<vmem>>
        %dma_start3A_165 = tpu.memref_squeeze %dma_start3A_164 : memref<1x128x128xf32, #tpu.memory_space<vmem>> -> memref<128x128xf32, #tpu.memory_space<vmem>>
        tpu.enqueue_dma source(%dma_start3A_165 : memref<128x128xf32, #tpu.memory_space<vmem>>) target(%dma_start3A_161 : memref<128x128xf32, #tpu.memory_space<hbm>>) target_semaphore(%run_scoped3A_153 : memref<!tpu.dma_semaphore, #tpu.memory_space<semaphore_mem>>)
        %dma_wait3A_166 = arith.constant 0 : i32
        %dma_wait3A_167 = arith.constant 0 : i32
        %dma_wait3A_168 = tpu.memref_slice %arg6[%run_scoped3A, %dma_wait3A_166, %dma_wait3A_167] : memref<4x128x128xf32, #tpu.memory_space<vmem>> -> memref<1x128x128xf32, #tpu.memory_space<vmem>>
        %dma_wait3A_169 = tpu.memref_squeeze %dma_wait3A_168 : memref<1x128x128xf32, #tpu.memory_space<vmem>> -> memref<128x128xf32, #tpu.memory_space<vmem>>
        %dma_wait3A_170 = arith.constant 0 : i32
        %dma_wait3A_171 = tpu.memref_slice %arg4[%mul3A_88, %dma_wait3A_170] : memref<65536x128xf32, #tpu.memory_space<hbm>> -> memref<128x128xf32, #tpu.memory_space<hbm>>
        %dma_wait3A_172 = arith.constant 0 : i32
        %dma_wait3A_173 = tpu.memref_slice %arg4[%mul3A_88, %dma_wait3A_172] : memref<65536x128xf32, #tpu.memory_space<hbm>> -> memref<128x128xf32, #tpu.memory_space<hbm>>
        %dma_wait3A_174 = arith.constant 0 : i32
        %dma_wait3A_175 = arith.constant 0 : i32
        %dma_wait3A_176 = tpu.memref_slice %arg6[%run_scoped3A, %dma_wait3A_174, %dma_wait3A_175] : memref<4x128x128xf32, #tpu.memory_space<vmem>> -> memref<1x128x128xf32, #tpu.memory_space<vmem>>
        %dma_wait3A_177 = tpu.memref_squeeze %dma_wait3A_176 : memref<1x128x128xf32, #tpu.memory_space<vmem>> -> memref<128x128xf32, #tpu.memory_space<vmem>>
        tpu.wait_dma2 semaphore(%run_scoped3A_153 : memref<!tpu.dma_semaphore, #tpu.memory_space<semaphore_mem>>) src(%dma_wait3A_177 : memref<128x128xf32, #tpu.memory_space<vmem>>) dst(%dma_wait3A_173 : memref<128x128xf32, #tpu.memory_space<hbm>>)
        tpu.yield
      }) : () -> ()
      %dma_wait3A_89 = arith.constant 1 : i32
      %dma_wait3A_90 = arith.constant 0 : i32
      %dma_wait3A_91 = arith.constant 0 : i32
      %dma_wait3A_92 = tpu.memref_slice %arg6[%dma_wait3A_89, %dma_wait3A_90, %dma_wait3A_91] : memref<4x128x128xf32, #tpu.memory_space<vmem>> -> memref<1x128x128xf32, #tpu.memory_space<vmem>>
      %dma_wait3A_93 = tpu.memref_squeeze %dma_wait3A_92 : memref<1x128x128xf32, #tpu.memory_space<vmem>> -> memref<128x128xf32, #tpu.memory_space<vmem>>
      %dma_wait3A_94 = arith.constant 0 : i32
      %dma_wait3A_95 = tpu.memref_slice %arg5[%add3A_28, %dma_wait3A_94] : memref<16x128xi32, #tpu.memory_space<vmem>> -> memref<1x128xi32, #tpu.memory_space<vmem>>
      %dma_wait3A_96 = tpu.memref_squeeze %dma_wait3A_95 : memref<1x128xi32, #tpu.memory_space<vmem>> -> memref<128xi32, #tpu.memory_space<vmem>>
      %dma_wait3A_97 = arith.constant 0 : i32
      %dma_wait3A_98 = arith.constant 0 : i32
      %dma_wait3A_99 = tpu.memref_slice %arg2[%dma_wait3A_97, %dma_wait3A_98] : memref<32768x128xf32, #tpu.memory_space<hbm>> -> memref<32768x128xf32, #tpu.memory_space<hbm>>
      tpu.wait_indirect_dma semaphore(%arg8 : memref<!tpu.dma_semaphore, #tpu.memory_space<semaphore_mem>>) src(%dma_wait3A_99 : memref<32768x128xf32, #tpu.memory_space<hbm>>) dst(%dma_wait3A_93 : memref<128x128xf32, #tpu.memory_space<vmem>>)
      %mul3A_100 = arith.constant 16 : i32
      %mul3A_101 = arith.muli %add3A, %mul3A_100 : i32
      %mul3A_102 = arith.constant 4 : i32
      %mul3A_103 = arith.muli %scan3A_9, %mul3A_102 : i32
      %add3A_104 = arith.addi %mul3A_101, %mul3A_103 : i32
      %add3A_105 = arith.constant 1 : i32
      %add3A_106 = arith.addi %add3A_104, %add3A_105 : i32
      %mul3A_107 = arith.constant 128 : i32
      %mul3A_108 = arith.muli %add3A_106, %mul3A_107 : i32
      %run_scoped3A_109 = arith.constant 1 : i32
      "tpu.region"() ({
        %run_scoped3A_153 = tpu.sem_alloc : memref<!tpu.dma_semaphore, #tpu.memory_space<semaphore_mem>>
        %dma_start3A_154 = arith.constant 0 : i32
        %dma_start3A_155 = arith.constant 0 : i32
        %dma_start3A_156 = tpu.memref_slice %arg6[%run_scoped3A_109, %dma_start3A_154, %dma_start3A_155] : memref<4x128x128xf32, #tpu.memory_space<vmem>> -> memref<1x128x128xf32, #tpu.memory_space<vmem>>
        %dma_start3A_157 = tpu.memref_squeeze %dma_start3A_156 : memref<1x128x128xf32, #tpu.memory_space<vmem>> -> memref<128x128xf32, #tpu.memory_space<vmem>>
        %dma_start3A_158 = arith.constant 0 : i32
        %dma_start3A_159 = tpu.memref_slice %arg4[%mul3A_108, %dma_start3A_158] : memref<65536x128xf32, #tpu.memory_space<hbm>> -> memref<128x128xf32, #tpu.memory_space<hbm>>
        %dma_start3A_160 = arith.constant 0 : i32
        %dma_start3A_161 = tpu.memref_slice %arg4[%mul3A_108, %dma_start3A_160] : memref<65536x128xf32, #tpu.memory_space<hbm>> -> memref<128x128xf32, #tpu.memory_space<hbm>>
        %dma_start3A_162 = arith.constant 0 : i32
        %dma_start3A_163 = arith.constant 0 : i32
        %dma_start3A_164 = tpu.memref_slice %arg6[%run_scoped3A_109, %dma_start3A_162, %dma_start3A_163] : memref<4x128x128xf32, #tpu.memory_space<vmem>> -> memref<1x128x128xf32, #tpu.memory_space<vmem>>
        %dma_start3A_165 = tpu.memref_squeeze %dma_start3A_164 : memref<1x128x128xf32, #tpu.memory_space<vmem>> -> memref<128x128xf32, #tpu.memory_space<vmem>>
        tpu.enqueue_dma source(%dma_start3A_165 : memref<128x128xf32, #tpu.memory_space<vmem>>) target(%dma_start3A_161 : memref<128x128xf32, #tpu.memory_space<hbm>>) target_semaphore(%run_scoped3A_153 : memref<!tpu.dma_semaphore, #tpu.memory_space<semaphore_mem>>)
        %dma_wait3A_166 = arith.constant 0 : i32
        %dma_wait3A_167 = arith.constant 0 : i32
        %dma_wait3A_168 = tpu.memref_slice %arg6[%run_scoped3A_109, %dma_wait3A_166, %dma_wait3A_167] : memref<4x128x128xf32, #tpu.memory_space<vmem>> -> memref<1x128x128xf32, #tpu.memory_space<vmem>>
        %dma_wait3A_169 = tpu.memref_squeeze %dma_wait3A_168 : memref<1x128x128xf32, #tpu.memory_space<vmem>> -> memref<128x128xf32, #tpu.memory_space<vmem>>
        %dma_wait3A_170 = arith.constant 0 : i32
        %dma_wait3A_171 = tpu.memref_slice %arg4[%mul3A_108, %dma_wait3A_170] : memref<65536x128xf32, #tpu.memory_space<hbm>> -> memref<128x128xf32, #tpu.memory_space<hbm>>
        %dma_wait3A_172 = arith.constant 0 : i32
        %dma_wait3A_173 = tpu.memref_slice %arg4[%mul3A_108, %dma_wait3A_172] : memref<65536x128xf32, #tpu.memory_space<hbm>> -> memref<128x128xf32, #tpu.memory_space<hbm>>
        %dma_wait3A_174 = arith.constant 0 : i32
        %dma_wait3A_175 = arith.constant 0 : i32
        %dma_wait3A_176 = tpu.memref_slice %arg6[%run_scoped3A_109, %dma_wait3A_174, %dma_wait3A_175] : memref<4x128x128xf32, #tpu.memory_space<vmem>> -> memref<1x128x128xf32, #tpu.memory_space<vmem>>
        %dma_wait3A_177 = tpu.memref_squeeze %dma_wait3A_176 : memref<1x128x128xf32, #tpu.memory_space<vmem>> -> memref<128x128xf32, #tpu.memory_space<vmem>>
        tpu.wait_dma2 semaphore(%run_scoped3A_153 : memref<!tpu.dma_semaphore, #tpu.memory_space<semaphore_mem>>) src(%dma_wait3A_177 : memref<128x128xf32, #tpu.memory_space<vmem>>) dst(%dma_wait3A_173 : memref<128x128xf32, #tpu.memory_space<hbm>>)
        tpu.yield
      }) : () -> ()
      %dma_wait3A_110 = arith.constant 2 : i32
      %dma_wait3A_111 = arith.constant 0 : i32
      %dma_wait3A_112 = arith.constant 0 : i32
      %dma_wait3A_113 = tpu.memref_slice %arg6[%dma_wait3A_110, %dma_wait3A_111, %dma_wait3A_112] : memref<4x128x128xf32, #tpu.memory_space<vmem>> -> memref<1x128x128xf32, #tpu.memory_space<vmem>>
      %dma_wait3A_114 = tpu.memref_squeeze %dma_wait3A_113 : memref<1x128x128xf32, #tpu.memory_space<vmem>> -> memref<128x128xf32, #tpu.memory_space<vmem>>
      %dma_wait3A_115 = arith.constant 0 : i32
      %dma_wait3A_116 = tpu.memref_slice %arg5[%add3A_43, %dma_wait3A_115] : memref<16x128xi32, #tpu.memory_space<vmem>> -> memref<1x128xi32, #tpu.memory_space<vmem>>
      %dma_wait3A_117 = tpu.memref_squeeze %dma_wait3A_116 : memref<1x128xi32, #tpu.memory_space<vmem>> -> memref<128xi32, #tpu.memory_space<vmem>>
      %dma_wait3A_118 = arith.constant 0 : i32
      %dma_wait3A_119 = arith.constant 0 : i32
      %dma_wait3A_120 = tpu.memref_slice %arg2[%dma_wait3A_118, %dma_wait3A_119] : memref<32768x128xf32, #tpu.memory_space<hbm>> -> memref<32768x128xf32, #tpu.memory_space<hbm>>
      tpu.wait_indirect_dma semaphore(%arg9 : memref<!tpu.dma_semaphore, #tpu.memory_space<semaphore_mem>>) src(%dma_wait3A_120 : memref<32768x128xf32, #tpu.memory_space<hbm>>) dst(%dma_wait3A_114 : memref<128x128xf32, #tpu.memory_space<vmem>>)
      %mul3A_121 = arith.constant 16 : i32
      %mul3A_122 = arith.muli %add3A, %mul3A_121 : i32
      %mul3A_123 = arith.constant 4 : i32
      %mul3A_124 = arith.muli %scan3A_9, %mul3A_123 : i32
      %add3A_125 = arith.addi %mul3A_122, %mul3A_124 : i32
      %add3A_126 = arith.constant 2 : i32
      %add3A_127 = arith.addi %add3A_125, %add3A_126 : i32
      %mul3A_128 = arith.constant 128 : i32
      %mul3A_129 = arith.muli %add3A_127, %mul3A_128 : i32
      %run_scoped3A_130 = arith.constant 2 : i32
      "tpu.region"() ({
        %run_scoped3A_153 = tpu.sem_alloc : memref<!tpu.dma_semaphore, #tpu.memory_space<semaphore_mem>>
        %dma_start3A_154 = arith.constant 0 : i32
        %dma_start3A_155 = arith.constant 0 : i32
        %dma_start3A_156 = tpu.memref_slice %arg6[%run_scoped3A_130, %dma_start3A_154, %dma_start3A_155] : memref<4x128x128xf32, #tpu.memory_space<vmem>> -> memref<1x128x128xf32, #tpu.memory_space<vmem>>
        %dma_start3A_157 = tpu.memref_squeeze %dma_start3A_156 : memref<1x128x128xf32, #tpu.memory_space<vmem>> -> memref<128x128xf32, #tpu.memory_space<vmem>>
        %dma_start3A_158 = arith.constant 0 : i32
        %dma_start3A_159 = tpu.memref_slice %arg4[%mul3A_129, %dma_start3A_158] : memref<65536x128xf32, #tpu.memory_space<hbm>> -> memref<128x128xf32, #tpu.memory_space<hbm>>
        %dma_start3A_160 = arith.constant 0 : i32
        %dma_start3A_161 = tpu.memref_slice %arg4[%mul3A_129, %dma_start3A_160] : memref<65536x128xf32, #tpu.memory_space<hbm>> -> memref<128x128xf32, #tpu.memory_space<hbm>>
        %dma_start3A_162 = arith.constant 0 : i32
        %dma_start3A_163 = arith.constant 0 : i32
        %dma_start3A_164 = tpu.memref_slice %arg6[%run_scoped3A_130, %dma_start3A_162, %dma_start3A_163] : memref<4x128x128xf32, #tpu.memory_space<vmem>> -> memref<1x128x128xf32, #tpu.memory_space<vmem>>
        %dma_start3A_165 = tpu.memref_squeeze %dma_start3A_164 : memref<1x128x128xf32, #tpu.memory_space<vmem>> -> memref<128x128xf32, #tpu.memory_space<vmem>>
        tpu.enqueue_dma source(%dma_start3A_165 : memref<128x128xf32, #tpu.memory_space<vmem>>) target(%dma_start3A_161 : memref<128x128xf32, #tpu.memory_space<hbm>>) target_semaphore(%run_scoped3A_153 : memref<!tpu.dma_semaphore, #tpu.memory_space<semaphore_mem>>)
        %dma_wait3A_166 = arith.constant 0 : i32
        %dma_wait3A_167 = arith.constant 0 : i32
        %dma_wait3A_168 = tpu.memref_slice %arg6[%run_scoped3A_130, %dma_wait3A_166, %dma_wait3A_167] : memref<4x128x128xf32, #tpu.memory_space<vmem>> -> memref<1x128x128xf32, #tpu.memory_space<vmem>>
        %dma_wait3A_169 = tpu.memref_squeeze %dma_wait3A_168 : memref<1x128x128xf32, #tpu.memory_space<vmem>> -> memref<128x128xf32, #tpu.memory_space<vmem>>
        %dma_wait3A_170 = arith.constant 0 : i32
        %dma_wait3A_171 = tpu.memref_slice %arg4[%mul3A_129, %dma_wait3A_170] : memref<65536x128xf32, #tpu.memory_space<hbm>> -> memref<128x128xf32, #tpu.memory_space<hbm>>
        %dma_wait3A_172 = arith.constant 0 : i32
        %dma_wait3A_173 = tpu.memref_slice %arg4[%mul3A_129, %dma_wait3A_172] : memref<65536x128xf32, #tpu.memory_space<hbm>> -> memref<128x128xf32, #tpu.memory_space<hbm>>
        %dma_wait3A_174 = arith.constant 0 : i32
        %dma_wait3A_175 = arith.constant 0 : i32
        %dma_wait3A_176 = tpu.memref_slice %arg6[%run_scoped3A_130, %dma_wait3A_174, %dma_wait3A_175] : memref<4x128x128xf32, #tpu.memory_space<vmem>> -> memref<1x128x128xf32, #tpu.memory_space<vmem>>
        %dma_wait3A_177 = tpu.memref_squeeze %dma_wait3A_176 : memref<1x128x128xf32, #tpu.memory_space<vmem>> -> memref<128x128xf32, #tpu.memory_space<vmem>>
        tpu.wait_dma2 semaphore(%run_scoped3A_153 : memref<!tpu.dma_semaphore, #tpu.memory_space<semaphore_mem>>) src(%dma_wait3A_177 : memref<128x128xf32, #tpu.memory_space<vmem>>) dst(%dma_wait3A_173 : memref<128x128xf32, #tpu.memory_space<hbm>>)
        tpu.yield
      }) : () -> ()
      %dma_wait3A_131 = arith.constant 3 : i32
      %dma_wait3A_132 = arith.constant 0 : i32
      %dma_wait3A_133 = arith.constant 0 : i32
      %dma_wait3A_134 = tpu.memref_slice %arg6[%dma_wait3A_131, %dma_wait3A_132, %dma_wait3A_133] : memref<4x128x128xf32, #tpu.memory_space<vmem>> -> memref<1x128x128xf32, #tpu.memory_space<vmem>>
      %dma_wait3A_135 = tpu.memref_squeeze %dma_wait3A_134 : memref<1x128x128xf32, #tpu.memory_space<vmem>> -> memref<128x128xf32, #tpu.memory_space<vmem>>
      %dma_wait3A_136 = arith.constant 0 : i32
      %dma_wait3A_137 = tpu.memref_slice %arg5[%add3A_58, %dma_wait3A_136] : memref<16x128xi32, #tpu.memory_space<vmem>> -> memref<1x128xi32, #tpu.memory_space<vmem>>
      %dma_wait3A_138 = tpu.memref_squeeze %dma_wait3A_137 : memref<1x128xi32, #tpu.memory_space<vmem>> -> memref<128xi32, #tpu.memory_space<vmem>>
      %dma_wait3A_139 = arith.constant 0 : i32
      %dma_wait3A_140 = arith.constant 0 : i32
      %dma_wait3A_141 = tpu.memref_slice %arg2[%dma_wait3A_139, %dma_wait3A_140] : memref<32768x128xf32, #tpu.memory_space<hbm>> -> memref<32768x128xf32, #tpu.memory_space<hbm>>
      tpu.wait_indirect_dma semaphore(%arg10 : memref<!tpu.dma_semaphore, #tpu.memory_space<semaphore_mem>>) src(%dma_wait3A_141 : memref<32768x128xf32, #tpu.memory_space<hbm>>) dst(%dma_wait3A_135 : memref<128x128xf32, #tpu.memory_space<vmem>>)
      %mul3A_142 = arith.constant 16 : i32
      %mul3A_143 = arith.muli %add3A, %mul3A_142 : i32
      %mul3A_144 = arith.constant 4 : i32
      %mul3A_145 = arith.muli %scan3A_9, %mul3A_144 : i32
      %add3A_146 = arith.addi %mul3A_143, %mul3A_145 : i32
      %add3A_147 = arith.constant 3 : i32
      %add3A_148 = arith.addi %add3A_146, %add3A_147 : i32
      %mul3A_149 = arith.constant 128 : i32
      %mul3A_150 = arith.muli %add3A_148, %mul3A_149 : i32
      %run_scoped3A_151 = arith.constant 3 : i32
      "tpu.region"() ({
        %run_scoped3A_153 = tpu.sem_alloc : memref<!tpu.dma_semaphore, #tpu.memory_space<semaphore_mem>>
        %dma_start3A_154 = arith.constant 0 : i32
        %dma_start3A_155 = arith.constant 0 : i32
        %dma_start3A_156 = tpu.memref_slice %arg6[%run_scoped3A_151, %dma_start3A_154, %dma_start3A_155] : memref<4x128x128xf32, #tpu.memory_space<vmem>> -> memref<1x128x128xf32, #tpu.memory_space<vmem>>
        %dma_start3A_157 = tpu.memref_squeeze %dma_start3A_156 : memref<1x128x128xf32, #tpu.memory_space<vmem>> -> memref<128x128xf32, #tpu.memory_space<vmem>>
        %dma_start3A_158 = arith.constant 0 : i32
        %dma_start3A_159 = tpu.memref_slice %arg4[%mul3A_150, %dma_start3A_158] : memref<65536x128xf32, #tpu.memory_space<hbm>> -> memref<128x128xf32, #tpu.memory_space<hbm>>
        %dma_start3A_160 = arith.constant 0 : i32
        %dma_start3A_161 = tpu.memref_slice %arg4[%mul3A_150, %dma_start3A_160] : memref<65536x128xf32, #tpu.memory_space<hbm>> -> memref<128x128xf32, #tpu.memory_space<hbm>>
        %dma_start3A_162 = arith.constant 0 : i32
        %dma_start3A_163 = arith.constant 0 : i32
        %dma_start3A_164 = tpu.memref_slice %arg6[%run_scoped3A_151, %dma_start3A_162, %dma_start3A_163] : memref<4x128x128xf32, #tpu.memory_space<vmem>> -> memref<1x128x128xf32, #tpu.memory_space<vmem>>
        %dma_start3A_165 = tpu.memref_squeeze %dma_start3A_164 : memref<1x128x128xf32, #tpu.memory_space<vmem>> -> memref<128x128xf32, #tpu.memory_space<vmem>>
        tpu.enqueue_dma source(%dma_start3A_165 : memref<128x128xf32, #tpu.memory_space<vmem>>) target(%dma_start3A_161 : memref<128x128xf32, #tpu.memory_space<hbm>>) target_semaphore(%run_scoped3A_153 : memref<!tpu.dma_semaphore, #tpu.memory_space<semaphore_mem>>)
        %dma_wait3A_166 = arith.constant 0 : i32
        %dma_wait3A_167 = arith.constant 0 : i32
        %dma_wait3A_168 = tpu.memref_slice %arg6[%run_scoped3A_151, %dma_wait3A_166, %dma_wait3A_167] : memref<4x128x128xf32, #tpu.memory_space<vmem>> -> memref<1x128x128xf32, #tpu.memory_space<vmem>>
        %dma_wait3A_169 = tpu.memref_squeeze %dma_wait3A_168 : memref<1x128x128xf32, #tpu.memory_space<vmem>> -> memref<128x128xf32, #tpu.memory_space<vmem>>
        %dma_wait3A_170 = arith.constant 0 : i32
        %dma_wait3A_171 = tpu.memref_slice %arg4[%mul3A_150, %dma_wait3A_170] : memref<65536x128xf32, #tpu.memory_space<hbm>> -> memref<128x128xf32, #tpu.memory_space<hbm>>
        %dma_wait3A_172 = arith.constant 0 : i32
        %dma_wait3A_173 = tpu.memref_slice %arg4[%mul3A_150, %dma_wait3A_172] : memref<65536x128xf32, #tpu.memory_space<hbm>> -> memref<128x128xf32, #tpu.memory_space<hbm>>
        %dma_wait3A_174 = arith.constant 0 : i32
        %dma_wait3A_175 = arith.constant 0 : i32
        %dma_wait3A_176 = tpu.memref_slice %arg6[%run_scoped3A_151, %dma_wait3A_174, %dma_wait3A_175] : memref<4x128x128xf32, #tpu.memory_space<vmem>> -> memref<1x128x128xf32, #tpu.memory_space<vmem>>
        %dma_wait3A_177 = tpu.memref_squeeze %dma_wait3A_176 : memref<1x128x128xf32, #tpu.memory_space<vmem>> -> memref<128x128xf32, #tpu.memory_space<vmem>>
        tpu.wait_dma2 semaphore(%run_scoped3A_153 : memref<!tpu.dma_semaphore, #tpu.memory_space<semaphore_mem>>) src(%dma_wait3A_177 : memref<128x128xf32, #tpu.memory_space<vmem>>) dst(%dma_wait3A_173 : memref<128x128xf32, #tpu.memory_space<hbm>>)
        tpu.yield
      }) : () -> ()
      %scan3A_152 = arith.constant 0 : i32
      scf.yield %scan3A_152 : i32
    }
    %scan3A_8 = arith.constant 4 : i32
    return
  }
}

module attributes {stable_mosaic.version = 14 : i64} {
  func.func @_fps_body(%arg0: memref<3x8x4096xf32, #tpu.memory_space<vmem>>, %arg1: memref<8x3x512xf32, #tpu.memory_space<vmem>>, %arg2: memref<8x512xi32, #tpu.memory_space<vmem>>) attributes {dimension_semantics = [], scalar_prefetch = 0 : i64, scratch_operands = 0 : i64, tpu.core_type = #tpu.core_type<tc>} {
    %get3A = arith.constant 0 : index
    %get3A_0 = arith.constant 0 : index
    %get3A_1 = arith.constant 0 : index
    %get3A_2 = vector.load %arg0[%get3A, %get3A_0, %get3A_1] : memref<3x8x4096xf32, #tpu.memory_space<vmem>>, vector<1x8x4096xf32>
    %get3A_3 = vector.shape_cast %get3A_2 : vector<1x8x4096xf32> to vector<8x4096xf32>
    %get3A_4 = arith.constant 1 : index
    %get3A_5 = arith.constant 0 : index
    %get3A_6 = arith.constant 0 : index
    %get3A_7 = vector.load %arg0[%get3A_4, %get3A_5, %get3A_6] : memref<3x8x4096xf32, #tpu.memory_space<vmem>>, vector<1x8x4096xf32>
    %get3A_8 = vector.shape_cast %get3A_7 : vector<1x8x4096xf32> to vector<8x4096xf32>
    %get3A_9 = arith.constant 2 : index
    %get3A_10 = arith.constant 0 : index
    %get3A_11 = arith.constant 0 : index
    %get3A_12 = vector.load %arg0[%get3A_9, %get3A_10, %get3A_11] : memref<3x8x4096xf32, #tpu.memory_space<vmem>>, vector<1x8x4096xf32>
    %get3A_13 = vector.shape_cast %get3A_12 : vector<1x8x4096xf32> to vector<8x4096xf32>
    %iota3A = tpu.iota {dimensions = array<i32: 1>} : vector<8x4096xi32>
    %iota3A_14 = tpu.iota {dimensions = array<i32: 1>} : vector<8x512xi32>
    %broadcast_in_dim3A = arith.constant 1.000000e+10 : f32
    %broadcast_in_dim3A_15 = vector.broadcast %broadcast_in_dim3A : f32 to vector<8x4096xf32>
    %broadcast_in_dim3A_16 = arith.constant 0 : i32
    %broadcast_in_dim3A_17 = vector.broadcast %broadcast_in_dim3A_16 : i32 to vector<8x1xi32>
    %broadcast_in_dim3A_18 = arith.constant 0.000000e+00 : f32
    %broadcast_in_dim3A_19 = vector.broadcast %broadcast_in_dim3A_18 : f32 to vector<8x512xf32>
    %broadcast_in_dim3A_20 = arith.constant 0 : i32
    %broadcast_in_dim3A_21 = vector.broadcast %broadcast_in_dim3A_20 : i32 to vector<8x512xi32>
    %eq3A = vector.broadcast %broadcast_in_dim3A_17 : vector<8x1xi32> to vector<8x4096xi32>
    %eq3A_22 = arith.cmpi eq, %iota3A, %eq3A : vector<8x4096xi32>
    %jit3A = arith.constant 0.000000e+00 : f32
    %broadcast_in_dim3A_23 = vector.broadcast %jit3A : f32 to vector<8x4096xf32>
    %select_n3A = arith.select %eq3A_22, %get3A_3, %broadcast_in_dim3A_23 : vector<8x4096xi1>, vector<8x4096xf32>
    %reduce_sum3A = arith.constant dense<0.000000e+00> : vector<8xf32>
    %reduce_sum3A_24 = vector.multi_reduction <add>, %select_n3A, %reduce_sum3A [1] : vector<8x4096xf32> to vector<8xf32>
    %broadcast_in_dim3A_25 = vector.shape_cast %reduce_sum3A_24 : vector<8xf32> to vector<8x1xf32>
    %jit3A_26 = arith.constant 0.000000e+00 : f32
    %broadcast_in_dim3A_27 = vector.broadcast %jit3A_26 : f32 to vector<8x4096xf32>
    %select_n3A_28 = arith.select %eq3A_22, %get3A_8, %broadcast_in_dim3A_27 : vector<8x4096xi1>, vector<8x4096xf32>
    %reduce_sum3A_29 = arith.constant dense<0.000000e+00> : vector<8xf32>
    %reduce_sum3A_30 = vector.multi_reduction <add>, %select_n3A_28, %reduce_sum3A_29 [1] : vector<8x4096xf32> to vector<8xf32>
    %broadcast_in_dim3A_31 = vector.shape_cast %reduce_sum3A_30 : vector<8xf32> to vector<8x1xf32>
    %jit3A_32 = arith.constant 0.000000e+00 : f32
    %broadcast_in_dim3A_33 = vector.broadcast %jit3A_32 : f32 to vector<8x4096xf32>
    %select_n3A_34 = arith.select %eq3A_22, %get3A_13, %broadcast_in_dim3A_33 : vector<8x4096xi1>, vector<8x4096xf32>
    %reduce_sum3A_35 = arith.constant dense<0.000000e+00> : vector<8xf32>
    %reduce_sum3A_36 = vector.multi_reduction <add>, %select_n3A_34, %reduce_sum3A_35 [1] : vector<8x4096xf32> to vector<8xf32>
    %broadcast_in_dim3A_37 = vector.shape_cast %reduce_sum3A_36 : vector<8xf32> to vector<8x1xf32>
    %eq3A_38 = arith.constant 0 : i32
    %eq3A_39 = vector.broadcast %eq3A_38 : i32 to vector<8x512xi32>
    %eq3A_40 = arith.cmpi eq, %iota3A_14, %eq3A_39 : vector<8x512xi32>
    %broadcast_in_dim3A_41 = arith.constant 0.000000e+00 : f32
    %broadcast_in_dim3A_42 = vector.broadcast %broadcast_in_dim3A_41 : f32 to vector<8x512xf32>
    %add3A = vector.broadcast %broadcast_in_dim3A_25 : vector<8x1xf32> to vector<8x512xf32>
    %add3A_43 = arith.addf %add3A, %broadcast_in_dim3A_42 : vector<8x512xf32>
    %select_n3A_44 = arith.select %eq3A_40, %add3A_43, %broadcast_in_dim3A_19 : vector<8x512xi1>, vector<8x512xf32>
    %add3A_45 = vector.broadcast %broadcast_in_dim3A_31 : vector<8x1xf32> to vector<8x512xf32>
    %add3A_46 = arith.addf %add3A_45, %broadcast_in_dim3A_42 : vector<8x512xf32>
    %select_n3A_47 = arith.select %eq3A_40, %add3A_46, %broadcast_in_dim3A_19 : vector<8x512xi1>, vector<8x512xf32>
    %add3A_48 = vector.broadcast %broadcast_in_dim3A_37 : vector<8x1xf32> to vector<8x512xf32>
    %add3A_49 = arith.addf %add3A_48, %broadcast_in_dim3A_42 : vector<8x512xf32>
    %select_n3A_50 = arith.select %eq3A_40, %add3A_49, %broadcast_in_dim3A_19 : vector<8x512xi1>, vector<8x512xf32>
    %broadcast_in_dim3A_51 = arith.constant 0 : i32
    %broadcast_in_dim3A_52 = vector.broadcast %broadcast_in_dim3A_51 : i32 to vector<8x512xi32>
    %add3A_53 = vector.broadcast %broadcast_in_dim3A_17 : vector<8x1xi32> to vector<8x512xi32>
    %add3A_54 = arith.addi %add3A_53, %broadcast_in_dim3A_52 : vector<8x512xi32>
    %select_n3A_55 = arith.select %eq3A_40, %add3A_54, %broadcast_in_dim3A_21 : vector<8x512xi1>, vector<8x512xi32>
    %sub3A = vector.broadcast %broadcast_in_dim3A_25 : vector<8x1xf32> to vector<8x4096xf32>
    %sub3A_56 = arith.subf %get3A_3, %sub3A : vector<8x4096xf32>
    %sub3A_57 = vector.broadcast %broadcast_in_dim3A_31 : vector<8x1xf32> to vector<8x4096xf32>
    %sub3A_58 = arith.subf %get3A_8, %sub3A_57 : vector<8x4096xf32>
    %sub3A_59 = vector.broadcast %broadcast_in_dim3A_37 : vector<8x1xf32> to vector<8x4096xf32>
    %sub3A_60 = arith.subf %get3A_13, %sub3A_59 : vector<8x4096xf32>
    %mul3A = arith.mulf %sub3A_56, %sub3A_56 : vector<8x4096xf32>
    %mul3A_61 = arith.mulf %sub3A_58, %sub3A_58 : vector<8x4096xf32>
    %add3A_62 = arith.addf %mul3A, %mul3A_61 : vector<8x4096xf32>
    %mul3A_63 = arith.mulf %sub3A_60, %sub3A_60 : vector<8x4096xf32>
    %add3A_64 = arith.addf %add3A_62, %mul3A_63 : vector<8x4096xf32>
    %min3A = arith.minimumf %broadcast_in_dim3A_15, %add3A_64 : vector<8x4096xf32>
    %reduce_max3A = arith.constant dense<0xFF800000> : vector<8xf32>
    %reduce_max3A_65 = vector.multi_reduction <maximumf>, %min3A, %reduce_max3A [1] : vector<8x4096xf32> to vector<8xf32>
    %broadcast_in_dim3A_66 = vector.shape_cast %reduce_max3A_65 : vector<8xf32> to vector<8x1xf32>
    %eq3A_67 = vector.broadcast %broadcast_in_dim3A_66 : vector<8x1xf32> to vector<8x4096xf32>
    %eq3A_68 = arith.cmpf oeq, %min3A, %eq3A_67 : vector<8x4096xf32>
    %jit3A_69 = arith.constant 1073741824 : i32
    %broadcast_in_dim3A_70 = vector.broadcast %jit3A_69 : i32 to vector<8x4096xi32>
    %select_n3A_71 = arith.select %eq3A_68, %iota3A, %broadcast_in_dim3A_70 : vector<8x4096xi1>, vector<8x4096xi32>
    %reduce_min3A = arith.constant dense<2147483647> : vector<8xi32>
    %reduce_min3A_72 = vector.multi_reduction <minsi>, %select_n3A_71, %reduce_min3A [1] : vector<8x4096xi32> to vector<8xi32>
    %broadcast_in_dim3A_73 = vector.shape_cast %reduce_min3A_72 : vector<8xi32> to vector<8x1xi32>
    %scan3A = arith.constant 1 : i32
    %scan3A_74 = arith.constant 511 : i32
    %scan3A_75 = arith.addi %scan3A, %scan3A_74 : i32
    %scan3A_76 = arith.constant 1 : i32
    %scan3A_77:6 = scf.for %scan3A_99 = %scan3A to %scan3A_75 step %scan3A_76 iter_args(%scan3A_100 = %min3A, %scan3A_101 = %broadcast_in_dim3A_73, %scan3A_102 = %select_n3A_44, %scan3A_103 = %select_n3A_47, %scan3A_104 = %select_n3A_50, %scan3A_105 = %select_n3A_55) -> (vector<8x4096xf32>, vector<8x1xi32>, vector<8x512xf32>, vector<8x512xf32>, vector<8x512xf32>, vector<8x512xi32>)  : i32 {
      %eq3A_106 = vector.broadcast %scan3A_101 : vector<8x1xi32> to vector<8x4096xi32>
      %eq3A_107 = arith.cmpi eq, %iota3A, %eq3A_106 : vector<8x4096xi32>
      %jit3A_108 = arith.constant 0.000000e+00 : f32
      %broadcast_in_dim3A_109 = vector.broadcast %jit3A_108 : f32 to vector<8x4096xf32>
      %select_n3A_110 = arith.select %eq3A_107, %get3A_3, %broadcast_in_dim3A_109 : vector<8x4096xi1>, vector<8x4096xf32>
      %reduce_sum3A_111 = arith.constant dense<0.000000e+00> : vector<8xf32>
      %reduce_sum3A_112 = vector.multi_reduction <add>, %select_n3A_110, %reduce_sum3A_111 [1] : vector<8x4096xf32> to vector<8xf32>
      %broadcast_in_dim3A_113 = vector.shape_cast %reduce_sum3A_112 : vector<8xf32> to vector<8x1xf32>
      %jit3A_114 = arith.constant 0.000000e+00 : f32
      %broadcast_in_dim3A_115 = vector.broadcast %jit3A_114 : f32 to vector<8x4096xf32>
      %select_n3A_116 = arith.select %eq3A_107, %get3A_8, %broadcast_in_dim3A_115 : vector<8x4096xi1>, vector<8x4096xf32>
      %reduce_sum3A_117 = arith.constant dense<0.000000e+00> : vector<8xf32>
      %reduce_sum3A_118 = vector.multi_reduction <add>, %select_n3A_116, %reduce_sum3A_117 [1] : vector<8x4096xf32> to vector<8xf32>
      %broadcast_in_dim3A_119 = vector.shape_cast %reduce_sum3A_118 : vector<8xf32> to vector<8x1xf32>
      %jit3A_120 = arith.constant 0.000000e+00 : f32
      %broadcast_in_dim3A_121 = vector.broadcast %jit3A_120 : f32 to vector<8x4096xf32>
      %select_n3A_122 = arith.select %eq3A_107, %get3A_13, %broadcast_in_dim3A_121 : vector<8x4096xi1>, vector<8x4096xf32>
      %reduce_sum3A_123 = arith.constant dense<0.000000e+00> : vector<8xf32>
      %reduce_sum3A_124 = vector.multi_reduction <add>, %select_n3A_122, %reduce_sum3A_123 [1] : vector<8x4096xf32> to vector<8xf32>
      %broadcast_in_dim3A_125 = vector.shape_cast %reduce_sum3A_124 : vector<8xf32> to vector<8x1xf32>
      %eq3A_126 = vector.broadcast %scan3A_99 : i32 to vector<8x512xi32>
      %eq3A_127 = arith.cmpi eq, %iota3A_14, %eq3A_126 : vector<8x512xi32>
      %broadcast_in_dim3A_128 = arith.constant 0.000000e+00 : f32
      %broadcast_in_dim3A_129 = vector.broadcast %broadcast_in_dim3A_128 : f32 to vector<8x512xf32>
      %add3A_130 = vector.broadcast %broadcast_in_dim3A_113 : vector<8x1xf32> to vector<8x512xf32>
      %add3A_131 = arith.addf %add3A_130, %broadcast_in_dim3A_129 : vector<8x512xf32>
      %select_n3A_132 = arith.select %eq3A_127, %add3A_131, %scan3A_102 : vector<8x512xi1>, vector<8x512xf32>
      %add3A_133 = vector.broadcast %broadcast_in_dim3A_119 : vector<8x1xf32> to vector<8x512xf32>
      %add3A_134 = arith.addf %add3A_133, %broadcast_in_dim3A_129 : vector<8x512xf32>
      %select_n3A_135 = arith.select %eq3A_127, %add3A_134, %scan3A_103 : vector<8x512xi1>, vector<8x512xf32>
      %add3A_136 = vector.broadcast %broadcast_in_dim3A_125 : vector<8x1xf32> to vector<8x512xf32>
      %add3A_137 = arith.addf %add3A_136, %broadcast_in_dim3A_129 : vector<8x512xf32>
      %select_n3A_138 = arith.select %eq3A_127, %add3A_137, %scan3A_104 : vector<8x512xi1>, vector<8x512xf32>
      %broadcast_in_dim3A_139 = arith.constant 0 : i32
      %broadcast_in_dim3A_140 = vector.broadcast %broadcast_in_dim3A_139 : i32 to vector<8x512xi32>
      %add3A_141 = vector.broadcast %scan3A_101 : vector<8x1xi32> to vector<8x512xi32>
      %add3A_142 = arith.addi %add3A_141, %broadcast_in_dim3A_140 : vector<8x512xi32>
      %select_n3A_143 = arith.select %eq3A_127, %add3A_142, %scan3A_105 : vector<8x512xi1>, vector<8x512xi32>
      %sub3A_144 = vector.broadcast %broadcast_in_dim3A_113 : vector<8x1xf32> to vector<8x4096xf32>
      %sub3A_145 = arith.subf %get3A_3, %sub3A_144 : vector<8x4096xf32>
      %sub3A_146 = vector.broadcast %broadcast_in_dim3A_119 : vector<8x1xf32> to vector<8x4096xf32>
      %sub3A_147 = arith.subf %get3A_8, %sub3A_146 : vector<8x4096xf32>
      %sub3A_148 = vector.broadcast %broadcast_in_dim3A_125 : vector<8x1xf32> to vector<8x4096xf32>
      %sub3A_149 = arith.subf %get3A_13, %sub3A_148 : vector<8x4096xf32>
      %mul3A_150 = arith.mulf %sub3A_145, %sub3A_145 : vector<8x4096xf32>
      %mul3A_151 = arith.mulf %sub3A_147, %sub3A_147 : vector<8x4096xf32>
      %add3A_152 = arith.addf %mul3A_150, %mul3A_151 : vector<8x4096xf32>
      %mul3A_153 = arith.mulf %sub3A_149, %sub3A_149 : vector<8x4096xf32>
      %add3A_154 = arith.addf %add3A_152, %mul3A_153 : vector<8x4096xf32>
      %min3A_155 = arith.minimumf %scan3A_100, %add3A_154 : vector<8x4096xf32>
      %reduce_max3A_156 = arith.constant dense<0xFF800000> : vector<8xf32>
      %reduce_max3A_157 = vector.multi_reduction <maximumf>, %min3A_155, %reduce_max3A_156 [1] : vector<8x4096xf32> to vector<8xf32>
      %broadcast_in_dim3A_158 = vector.shape_cast %reduce_max3A_157 : vector<8xf32> to vector<8x1xf32>
      %eq3A_159 = vector.broadcast %broadcast_in_dim3A_158 : vector<8x1xf32> to vector<8x4096xf32>
      %eq3A_160 = arith.cmpf oeq, %min3A_155, %eq3A_159 : vector<8x4096xf32>
      %jit3A_161 = arith.constant 1073741824 : i32
      %broadcast_in_dim3A_162 = vector.broadcast %jit3A_161 : i32 to vector<8x4096xi32>
      %select_n3A_163 = arith.select %eq3A_160, %iota3A, %broadcast_in_dim3A_162 : vector<8x4096xi1>, vector<8x4096xi32>
      %reduce_min3A_164 = arith.constant dense<2147483647> : vector<8xi32>
      %reduce_min3A_165 = vector.multi_reduction <minsi>, %select_n3A_163, %reduce_min3A_164 [1] : vector<8x4096xi32> to vector<8xi32>
      %broadcast_in_dim3A_166 = vector.shape_cast %reduce_min3A_165 : vector<8xi32> to vector<8x1xi32>
      scf.yield %min3A_155, %broadcast_in_dim3A_166, %select_n3A_132, %select_n3A_135, %select_n3A_138, %select_n3A_143 : vector<8x4096xf32>, vector<8x1xi32>, vector<8x512xf32>, vector<8x512xf32>, vector<8x512xf32>, vector<8x512xi32>
    }
    %scan3A_78 = arith.constant 511 : i32
    %swap3A = arith.constant 0 : index
    %swap3A_79 = arith.constant 0 : index
    %swap3A_80 = arith.constant 0 : index
    %swap3A_81 = vector.load %arg1[%swap3A, %swap3A_79, %swap3A_80] : memref<8x3x512xf32, #tpu.memory_space<vmem>>, vector<8x1x512xf32>
    %swap3A_82 = vector.shape_cast %swap3A_81 : vector<8x1x512xf32> to vector<8x512xf32>
    %swap3A_83 = vector.shape_cast %scan3A_77#2 : vector<8x512xf32> to vector<8x1x512xf32>
    tpu.vector_store %arg1[%swap3A, %swap3A_79, %swap3A_80], %swap3A_83 {strides = array<i32>} : memref<8x3x512xf32, #tpu.memory_space<vmem>>, vector<8x1x512xf32>,
    %swap3A_84 = arith.constant 0 : index
    %swap3A_85 = arith.constant 1 : index
    %swap3A_86 = arith.constant 0 : index
    %swap3A_87 = vector.load %arg1[%swap3A_84, %swap3A_85, %swap3A_86] : memref<8x3x512xf32, #tpu.memory_space<vmem>>, vector<8x1x512xf32>
    %swap3A_88 = vector.shape_cast %swap3A_87 : vector<8x1x512xf32> to vector<8x512xf32>
    %swap3A_89 = vector.shape_cast %scan3A_77#3 : vector<8x512xf32> to vector<8x1x512xf32>
    tpu.vector_store %arg1[%swap3A_84, %swap3A_85, %swap3A_86], %swap3A_89 {strides = array<i32>} : memref<8x3x512xf32, #tpu.memory_space<vmem>>, vector<8x1x512xf32>,
    %swap3A_90 = arith.constant 0 : index
    %swap3A_91 = arith.constant 2 : index
    %swap3A_92 = arith.constant 0 : index
    %swap3A_93 = vector.load %arg1[%swap3A_90, %swap3A_91, %swap3A_92] : memref<8x3x512xf32, #tpu.memory_space<vmem>>, vector<8x1x512xf32>
    %swap3A_94 = vector.shape_cast %swap3A_93 : vector<8x1x512xf32> to vector<8x512xf32>
    %swap3A_95 = vector.shape_cast %scan3A_77#4 : vector<8x512xf32> to vector<8x1x512xf32>
    tpu.vector_store %arg1[%swap3A_90, %swap3A_91, %swap3A_92], %swap3A_95 {strides = array<i32>} : memref<8x3x512xf32, #tpu.memory_space<vmem>>, vector<8x1x512xf32>,
    %swap3A_96 = arith.constant 0 : index
    %swap3A_97 = arith.constant 0 : index
    %swap3A_98 = vector.load %arg2[%swap3A_96, %swap3A_97] : memref<8x512xi32, #tpu.memory_space<vmem>>, vector<8x512xi32>
    tpu.vector_store %arg2[%swap3A_96, %swap3A_97], %scan3A_77#5 {strides = array<i32>} : memref<8x512xi32, #tpu.memory_space<vmem>>, vector<8x512xi32>,
    return
  }
}

module attributes {stable_mosaic.version = 14 : i64} {
  func.func @_proj_body(%arg0: i32, %arg1: memref<1024x128xf32, #tpu.memory_space<vmem>>, %arg2: memref<128x128xf32, #tpu.memory_space<vmem>>, %arg3: memref<1024x128xf32, #tpu.memory_space<vmem>>) attributes {dimension_semantics = [#tpu.dimension_semantics<arbitrary>], iteration_bounds = array<i64: 36>, scalar_prefetch = 0 : i64, scratch_operands = 0 : i64, tpu.core_type = #tpu.core_type<tc>, window_params = [{transform_indices = @transform_0, window_bounds = array<i64: 1024, 128>}, {pipeline_mode = #tpu.pipeline_mode<synchronous>, transform_indices = @transform_1, window_bounds = array<i64: 128, 128>}, {transform_indices = @transform_2, window_bounds = array<i64: 1024, 128>}]} {
    %get3A = arith.constant 0 : index
    %get3A_0 = arith.constant 0 : index
    %get3A_1 = vector.load %arg1[%get3A, %get3A_0] : memref<1024x128xf32, #tpu.memory_space<vmem>>, vector<1024x128xf32>
    %get3A_2 = arith.constant 0 : index
    %get3A_3 = arith.constant 0 : index
    %get3A_4 = vector.load %arg2[%get3A_2, %get3A_3] : memref<128x128xf32, #tpu.memory_space<vmem>>, vector<128x128xf32>
    %dot_general3A = arith.constant dense<0.000000e+00> : vector<1024x128xf32>
    %dot_general3A_5 = tpu.matmul %get3A_1, %get3A_4, %dot_general3A {dimension_numbers = #tpu.dot_dimension_numbers<[1], [1], [0], [0], [0, 0, 1, 0], [], []>, transpose_lhs_hint = false} : vector<1024x128xf32>, vector<128x128xf32>, vector<1024x128xf32> -> vector<1024x128xf32>
    %swap3A = arith.constant 0 : index
    %swap3A_6 = arith.constant 0 : index
    %swap3A_7 = vector.load %arg3[%swap3A, %swap3A_6] : memref<1024x128xf32, #tpu.memory_space<vmem>>, vector<1024x128xf32>
    tpu.vector_store %arg3[%swap3A, %swap3A_6], %dot_general3A_5 {strides = array<i32>} : memref<1024x128xf32, #tpu.memory_space<vmem>>, vector<1024x128xf32>,
    return
  }
  func.func @transform_0(%arg0: i32) -> (i32, i32) {
    %c0_i32 = arith.constant 0 : i32
    %c0_i32_0 = arith.constant 0 : i32
    return %arg0, %c0_i32 : i32, i32
  }
  func.func @transform_1(%arg0: i32) -> (i32, i32) {
    %c0_i32 = arith.constant 0 : i32
    %c0_i32_0 = arith.constant 0 : i32
    %c0_i32_1 = arith.constant 0 : i32
    return %c0_i32, %c0_i32_0 : i32, i32
  }
  func.func @transform_2(%arg0: i32) -> (i32, i32) {
    %c0_i32 = arith.constant 0 : i32
    %c0_i32_0 = arith.constant 0 : i32
    return %arg0, %c0_i32 : i32, i32
  }
}

module attributes {stable_mosaic.version = 14 : i64} {
  func.func @_bq_body(%arg0: i32, %arg1: memref<1x3x4096xf32, #tpu.memory_space<vmem>>, %arg2: memref<1x256x3xf32, #tpu.memory_space<vmem>>, %arg3: memref<1x1x256x32xi32, #tpu.memory_space<vmem>>) attributes {dimension_semantics = [#tpu.dimension_semantics<arbitrary>], iteration_bounds = array<i64: 8>, scalar_prefetch = 0 : i64, scratch_operands = 0 : i64, tpu.core_type = #tpu.core_type<tc>, window_params = [{transform_indices = @transform_0, window_bounds = array<i64: 1, 3, 4096>}, {transform_indices = @transform_1, window_bounds = array<i64: 1, 256, 3>}, {transform_indices = @transform_2, window_bounds = array<i64: 1, 1, 256, 32>}]} {
    %get3A = arith.constant 0 : index
    %get3A_0 = arith.constant 0 : index
    %get3A_1 = arith.constant 0 : index
    %get3A_2 = vector.load %arg1[%get3A, %get3A_0, %get3A_1] : memref<1x3x4096xf32, #tpu.memory_space<vmem>>, vector<1x1x4096xf32>
    %get3A_3 = vector.shape_cast %get3A_2 : vector<1x1x4096xf32> to vector<1x4096xf32>
    %get3A_4 = arith.constant 0 : index
    %get3A_5 = arith.constant 1 : index
    %get3A_6 = arith.constant 0 : index
    %get3A_7 = vector.load %arg1[%get3A_4, %get3A_5, %get3A_6] : memref<1x3x4096xf32, #tpu.memory_space<vmem>>, vector<1x1x4096xf32>
    %get3A_8 = vector.shape_cast %get3A_7 : vector<1x1x4096xf32> to vector<1x4096xf32>
    %get3A_9 = arith.constant 0 : index
    %get3A_10 = arith.constant 2 : index
    %get3A_11 = arith.constant 0 : index
    %get3A_12 = vector.load %arg1[%get3A_9, %get3A_10, %get3A_11] : memref<1x3x4096xf32, #tpu.memory_space<vmem>>, vector<1x1x4096xf32>
    %get3A_13 = vector.shape_cast %get3A_12 : vector<1x1x4096xf32> to vector<1x4096xf32>
    %get3A_14 = arith.constant 0 : index
    %get3A_15 = arith.constant 0 : index
    %get3A_16 = arith.constant 0 : index
    %get3A_17 = vector.load %arg2[%get3A_14, %get3A_15, %get3A_16] : memref<1x256x3xf32, #tpu.memory_space<vmem>>, vector<1x256x1xf32>
    %get3A_18 = vector.shape_cast %get3A_17 : vector<1x256x1xf32> to vector<256x1xf32>
    %get3A_19 = arith.constant 0 : index
    %get3A_20 = arith.constant 0 : index
    %get3A_21 = arith.constant 1 : index
    %get3A_22 = vector.load %arg2[%get3A_19, %get3A_20, %get3A_21] : memref<1x256x3xf32, #tpu.memory_space<vmem>>, vector<1x256x1xf32>
    %get3A_23 = vector.shape_cast %get3A_22 : vector<1x256x1xf32> to vector<256x1xf32>
    %get3A_24 = arith.constant 0 : index
    %get3A_25 = arith.constant 0 : index
    %get3A_26 = arith.constant 2 : index
    %get3A_27 = vector.load %arg2[%get3A_24, %get3A_25, %get3A_26] : memref<1x256x3xf32, #tpu.memory_space<vmem>>, vector<1x256x1xf32>
    %get3A_28 = vector.shape_cast %get3A_27 : vector<1x256x1xf32> to vector<256x1xf32>
    %sub3A = vector.broadcast %get3A_18 : vector<256x1xf32> to vector<256x4096xf32>
    %sub3A_29 = vector.broadcast %get3A_3 : vector<1x4096xf32> to vector<256x4096xf32>
    %sub3A_30 = arith.subf %sub3A, %sub3A_29 : vector<256x4096xf32>
    %sub3A_31 = vector.broadcast %get3A_23 : vector<256x1xf32> to vector<256x4096xf32>
    %sub3A_32 = vector.broadcast %get3A_8 : vector<1x4096xf32> to vector<256x4096xf32>
    %sub3A_33 = arith.subf %sub3A_31, %sub3A_32 : vector<256x4096xf32>
    %sub3A_34 = vector.broadcast %get3A_28 : vector<256x1xf32> to vector<256x4096xf32>
    %sub3A_35 = vector.broadcast %get3A_13 : vector<1x4096xf32> to vector<256x4096xf32>
    %sub3A_36 = arith.subf %sub3A_34, %sub3A_35 : vector<256x4096xf32>
    %mul3A = arith.mulf %sub3A_30, %sub3A_30 : vector<256x4096xf32>
    %mul3A_37 = arith.mulf %sub3A_33, %sub3A_33 : vector<256x4096xf32>
    %add3A = arith.addf %mul3A, %mul3A_37 : vector<256x4096xf32>
    %mul3A_38 = arith.mulf %sub3A_36, %sub3A_36 : vector<256x4096xf32>
    %add3A_39 = arith.addf %add3A, %mul3A_38 : vector<256x4096xf32>
    %iota3A = tpu.iota {dimensions = array<i32: 1>} : vector<256x4096xi32>
    %bitcast_convert_type3A = tpu.bitcast %add3A_39 : vector<256x4096xf32> -> vector<256x4096xi32>
    %and3A = arith.constant -4096 : i32
    %and3A_40 = vector.broadcast %and3A : i32 to vector<256x4096xi32>
    %and3A_41 = arith.andi %bitcast_convert_type3A, %and3A_40 : vector<256x4096xi32>
    %or3A = arith.ori %and3A_41, %iota3A : vector<256x4096xi32>
    %reduce_min3A = arith.constant dense<2147483647> : vector<256xi32>
    %reduce_min3A_42 = vector.multi_reduction <minsi>, %or3A, %reduce_min3A [1] : vector<256x4096xi32> to vector<256xi32>
    %broadcast_in_dim3A = vector.shape_cast %reduce_min3A_42 : vector<256xi32> to vector<256x1xi32>
    %and3A_43 = arith.constant 4095 : i32
    %and3A_44 = vector.broadcast %and3A_43 : i32 to vector<256x1xi32>
    %and3A_45 = arith.andi %broadcast_in_dim3A, %and3A_44 : vector<256x1xi32>
    %lt3A = arith.constant 4.000000e-02 : f32
    %lt3A_46 = vector.broadcast %lt3A : f32 to vector<256x4096xf32>
    %lt3A_47 = arith.cmpf olt, %add3A_39, %lt3A_46 : vector<256x4096xf32>
    %convert_element_type3A = arith.extui %lt3A_47 : vector<256x4096xi1> to vector<256x4096xi32>
    %reduce_sum3A = arith.constant dense<0> : vector<256xi32>
    %reduce_sum3A_48 = vector.multi_reduction <add>, %convert_element_type3A, %reduce_sum3A [1] : vector<256x4096xi32> to vector<256xi32>
    %broadcast_in_dim3A_49 = vector.shape_cast %reduce_sum3A_48 : vector<256xi32> to vector<256x1xi32>
    %mul3A_50 = arith.constant 1.310720e+07 : f32
    %mul3A_51 = vector.broadcast %mul3A_50 : f32 to vector<256x4096xf32>
    %mul3A_52 = arith.mulf %add3A_39, %mul3A_51 : vector<256x4096xf32>
    %convert_element_type3A_53 = arith.fptosi %mul3A_52 : vector<256x4096xf32> to vector<256x4096xi32>
    %min3A = arith.constant 524287 : i32
    %min3A_54 = vector.broadcast %min3A : i32 to vector<256x4096xi32>
    %min3A_55 = arith.minsi %convert_element_type3A_53, %min3A_54 : vector<256x4096xi32>
    %shift_left3A = arith.constant 12 : i32
    %shift_left3A_56 = vector.broadcast %shift_left3A : i32 to vector<256x4096xi32>
    %shift_left3A_57 = arith.shli %min3A_55, %shift_left3A_56 : vector<256x4096xi32>
    %or3A_58 = arith.ori %shift_left3A_57, %iota3A : vector<256x4096xi32>
    %jit3A = arith.constant 2147483647 : i32
    %broadcast_in_dim3A_59 = vector.broadcast %jit3A : i32 to vector<256x4096xi32>
    %select_n3A = arith.select %lt3A_47, %or3A_58, %broadcast_in_dim3A_59 : vector<256x4096xi1>, vector<256x4096xi32>
    %iota3A_60 = tpu.iota {dimensions = array<i32: 1>} : vector<256x32xi32>
    %broadcast_in_dim3A_61 = arith.constant 0 : i32
    %broadcast_in_dim3A_62 = vector.broadcast %broadcast_in_dim3A_61 : i32 to vector<256x32xi32>
    %reduce_min3A_63 = arith.constant dense<2147483647> : vector<256xi32>
    %reduce_min3A_64 = vector.multi_reduction <minsi>, %select_n3A, %reduce_min3A_63 [1] : vector<256x4096xi32> to vector<256xi32>
    %broadcast_in_dim3A_65 = vector.shape_cast %reduce_min3A_64 : vector<256xi32> to vector<256x1xi32>
    %and3A_66 = arith.constant 4095 : i32
    %and3A_67 = vector.broadcast %and3A_66 : i32 to vector<256x1xi32>
    %and3A_68 = arith.andi %broadcast_in_dim3A_65, %and3A_67 : vector<256x1xi32>
    %eq3A = arith.constant 0 : i32
    %eq3A_69 = vector.broadcast %eq3A : i32 to vector<256x32xi32>
    %eq3A_70 = arith.cmpi eq, %iota3A_60, %eq3A_69 : vector<256x32xi32>
    %broadcast_in_dim3A_71 = arith.constant 0 : i32
    %broadcast_in_dim3A_72 = vector.broadcast %broadcast_in_dim3A_71 : i32 to vector<256x32xi32>
    %add3A_73 = vector.broadcast %and3A_68 : vector<256x1xi32> to vector<256x32xi32>
    %add3A_74 = arith.addi %add3A_73, %broadcast_in_dim3A_72 : vector<256x32xi32>
    %select_n3A_75 = arith.select %eq3A_70, %add3A_74, %broadcast_in_dim3A_62 : vector<256x32xi1>, vector<256x32xi32>
    %eq3A_76 = vector.broadcast %broadcast_in_dim3A_65 : vector<256x1xi32> to vector<256x4096xi32>
    %eq3A_77 = arith.cmpi eq, %select_n3A, %eq3A_76 : vector<256x4096xi32>
    %jit3A_78 = arith.constant 2147483647 : i32
    %broadcast_in_dim3A_79 = vector.broadcast %jit3A_78 : i32 to vector<256x4096xi32>
    %select_n3A_80 = arith.select %eq3A_77, %broadcast_in_dim3A_79, %select_n3A : vector<256x4096xi1>, vector<256x4096xi32>
    %scan3A = arith.constant 1 : i32
    %scan3A_81 = arith.constant 31 : i32
    %scan3A_82 = arith.addi %scan3A, %scan3A_81 : i32
    %scan3A_83 = arith.constant 1 : i32
    %scan3A_84:2 = scf.for %scan3A_353 = %scan3A to %scan3A_82 step %scan3A_83 iter_args(%scan3A_354 = %select_n3A_80, %scan3A_355 = %select_n3A_75) -> (vector<256x4096xi32>, vector<256x32xi32>)  : i32 {
      %reduce_min3A_356 = arith.constant dense<2147483647> : vector<256xi32>
      %reduce_min3A_357 = vector.multi_reduction <minsi>, %scan3A_354, %reduce_min3A_356 [1] : vector<256x4096xi32> to vector<256xi32>
      %broadcast_in_dim3A_358 = vector.shape_cast %reduce_min3A_357 : vector<256xi32> to vector<256x1xi32>
      %and3A_359 = arith.constant 4095 : i32
      %and3A_360 = vector.broadcast %and3A_359 : i32 to vector<256x1xi32>
      %and3A_361 = arith.andi %broadcast_in_dim3A_358, %and3A_360 : vector<256x1xi32>
      %eq3A_362 = vector.broadcast %scan3A_353 : i32 to vector<256x32xi32>
      %eq3A_363 = arith.cmpi eq, %iota3A_60, %eq3A_362 : vector<256x32xi32>
      %broadcast_in_dim3A_364 = arith.constant 0 : i32
      %broadcast_in_dim3A_365 = vector.broadcast %broadcast_in_dim3A_364 : i32 to vector<256x32xi32>
      %add3A_366 = vector.broadcast %and3A_361 : vector<256x1xi32> to vector<256x32xi32>
      %add3A_367 = arith.addi %add3A_366, %broadcast_in_dim3A_365 : vector<256x32xi32>
      %select_n3A_368 = arith.select %eq3A_363, %add3A_367, %scan3A_355 : vector<256x32xi1>, vector<256x32xi32>
      %eq3A_369 = vector.broadcast %broadcast_in_dim3A_358 : vector<256x1xi32> to vector<256x4096xi32>
      %eq3A_370 = arith.cmpi eq, %scan3A_354, %eq3A_369 : vector<256x4096xi32>
      %jit3A_371 = arith.constant 2147483647 : i32
      %broadcast_in_dim3A_372 = vector.broadcast %jit3A_371 : i32 to vector<256x4096xi32>
      %select_n3A_373 = arith.select %eq3A_370, %broadcast_in_dim3A_372, %scan3A_354 : vector<256x4096xi1>, vector<256x4096xi32>
      scf.yield %select_n3A_373, %select_n3A_368 : vector<256x4096xi32>, vector<256x32xi32>
    }
    %scan3A_85 = arith.constant 31 : i32
    %max3A = arith.constant 1 : i32
    %max3A_86 = vector.broadcast %max3A : i32 to vector<256x1xi32>
    %max3A_87 = arith.maxsi %broadcast_in_dim3A_49, %max3A_86 : vector<256x1xi32>
    %eq3A_88 = arith.constant 0 : i32
    %eq3A_89 = vector.broadcast %eq3A_88 : i32 to vector<256x1xi32>
    %eq3A_90 = arith.cmpi eq, %max3A_87, %eq3A_89 : vector<256x1xi32>
    %broadcast_in_dim3A_91 = arith.constant 1 : i32
    %broadcast_in_dim3A_92 = vector.broadcast %broadcast_in_dim3A_91 : i32 to vector<256x1xi32>
    %select_n3A_93 = arith.select %eq3A_90, %broadcast_in_dim3A_92, %max3A_87 : vector<256x1xi1>, vector<256x1xi32>
    %rem3A = vector.broadcast %select_n3A_93 : vector<256x1xi32> to vector<256x32xi32>
    %rem3A_94 = arith.remsi %iota3A_60, %rem3A : vector<256x32xi32>
    %ne3A = arith.constant 0 : i32
    %ne3A_95 = vector.broadcast %ne3A : i32 to vector<256x32xi32>
    %ne3A_96 = arith.cmpi ne, %rem3A_94, %ne3A_95 : vector<256x32xi32>
    %lt3A_97 = arith.constant 0 : i32
    %lt3A_98 = vector.broadcast %lt3A_97 : i32 to vector<256x32xi32>
    %lt3A_99 = arith.cmpi slt, %rem3A_94, %lt3A_98 : vector<256x32xi32>
    %lt3A_100 = arith.constant 0 : i32
    %lt3A_101 = vector.broadcast %lt3A_100 : i32 to vector<256x1xi32>
    %lt3A_102 = arith.cmpi slt, %select_n3A_93, %lt3A_101 : vector<256x1xi32>
    %ne3A_103 = vector.broadcast %lt3A_102 : vector<256x1xi1> to vector<256x32xi1>
    %ne3A_104 = vector.broadcast %ne3A_103 : vector<256x32xi1> to vector<256x32xi1>
    %ne3A_105 = arith.xori %lt3A_99, %ne3A_104 : vector<256x32xi1>
    %and3A_106 = arith.andi %ne3A_105, %ne3A_96 : vector<256x32xi1>
    %add3A_107 = vector.broadcast %select_n3A_93 : vector<256x1xi32> to vector<256x32xi32>
    %add3A_108 = arith.addi %rem3A_94, %add3A_107 : vector<256x32xi32>
    %select_n3A_109 = arith.select %and3A_106, %add3A_108, %rem3A_94 : vector<256x32xi1>, vector<256x32xi32>
    %broadcast_in_dim3A_110 = arith.constant 0 : i32
    %broadcast_in_dim3A_111 = vector.broadcast %broadcast_in_dim3A_110 : i32 to vector<256x32xi32>
    %eq3A_112 = arith.constant 0 : i32
    %eq3A_113 = vector.broadcast %eq3A_112 : i32 to vector<256x32xi32>
    %eq3A_114 = arith.cmpi eq, %select_n3A_109, %eq3A_113 : vector<256x32xi32>
    %slice3A = vector.extract_strided_slice %scan3A_84#1 {offsets = [0, 0], sizes = [256, 1], strides = [1, 1]} : vector<256x32xi32> to vector<256x1xi32>
    %add3A_115 = vector.broadcast %slice3A : vector<256x1xi32> to vector<256x32xi32>
    %add3A_116 = arith.addi %add3A_115, %broadcast_in_dim3A_111 : vector<256x32xi32>
    %select_n3A_117 = arith.select %eq3A_114, %add3A_116, %broadcast_in_dim3A_111 : vector<256x32xi1>, vector<256x32xi32>
    %eq3A_118 = arith.constant 1 : i32
    %eq3A_119 = vector.broadcast %eq3A_118 : i32 to vector<256x32xi32>
    %eq3A_120 = arith.cmpi eq, %select_n3A_109, %eq3A_119 : vector<256x32xi32>
    %slice3A_121 = vector.extract_strided_slice %scan3A_84#1 {offsets = [0, 1], sizes = [256, 1], strides = [1, 1]} : vector<256x32xi32> to vector<256x1xi32>
    %add3A_122 = vector.broadcast %slice3A_121 : vector<256x1xi32> to vector<256x32xi32>
    %add3A_123 = arith.addi %add3A_122, %broadcast_in_dim3A_111 : vector<256x32xi32>
    %select_n3A_124 = arith.select %eq3A_120, %add3A_123, %select_n3A_117 : vector<256x32xi1>, vector<256x32xi32>
    %eq3A_125 = arith.constant 2 : i32
    %eq3A_126 = vector.broadcast %eq3A_125 : i32 to vector<256x32xi32>
    %eq3A_127 = arith.cmpi eq, %select_n3A_109, %eq3A_126 : vector<256x32xi32>
    %slice3A_128 = vector.extract_strided_slice %scan3A_84#1 {offsets = [0, 2], sizes = [256, 1], strides = [1, 1]} : vector<256x32xi32> to vector<256x1xi32>
    %add3A_129 = vector.broadcast %slice3A_128 : vector<256x1xi32> to vector<256x32xi32>
    %add3A_130 = arith.addi %add3A_129, %broadcast_in_dim3A_111 : vector<256x32xi32>
    %select_n3A_131 = arith.select %eq3A_127, %add3A_130, %select_n3A_124 : vector<256x32xi1>, vector<256x32xi32>
    %eq3A_132 = arith.constant 3 : i32
    %eq3A_133 = vector.broadcast %eq3A_132 : i32 to vector<256x32xi32>
    %eq3A_134 = arith.cmpi eq, %select_n3A_109, %eq3A_133 : vector<256x32xi32>
    %slice3A_135 = vector.extract_strided_slice %scan3A_84#1 {offsets = [0, 3], sizes = [256, 1], strides = [1, 1]} : vector<256x32xi32> to vector<256x1xi32>
    %add3A_136 = vector.broadcast %slice3A_135 : vector<256x1xi32> to vector<256x32xi32>
    %add3A_137 = arith.addi %add3A_136, %broadcast_in_dim3A_111 : vector<256x32xi32>
    %select_n3A_138 = arith.select %eq3A_134, %add3A_137, %select_n3A_131 : vector<256x32xi1>, vector<256x32xi32>
    %eq3A_139 = arith.constant 4 : i32
    %eq3A_140 = vector.broadcast %eq3A_139 : i32 to vector<256x32xi32>
    %eq3A_141 = arith.cmpi eq, %select_n3A_109, %eq3A_140 : vector<256x32xi32>
    %slice3A_142 = vector.extract_strided_slice %scan3A_84#1 {offsets = [0, 4], sizes = [256, 1], strides = [1, 1]} : vector<256x32xi32> to vector<256x1xi32>
    %add3A_143 = vector.broadcast %slice3A_142 : vector<256x1xi32> to vector<256x32xi32>
    %add3A_144 = arith.addi %add3A_143, %broadcast_in_dim3A_111 : vector<256x32xi32>
    %select_n3A_145 = arith.select %eq3A_141, %add3A_144, %select_n3A_138 : vector<256x32xi1>, vector<256x32xi32>
    %eq3A_146 = arith.constant 5 : i32
    %eq3A_147 = vector.broadcast %eq3A_146 : i32 to vector<256x32xi32>
    %eq3A_148 = arith.cmpi eq, %select_n3A_109, %eq3A_147 : vector<256x32xi32>
    %slice3A_149 = vector.extract_strided_slice %scan3A_84#1 {offsets = [0, 5], sizes = [256, 1], strides = [1, 1]} : vector<256x32xi32> to vector<256x1xi32>
    %add3A_150 = vector.broadcast %slice3A_149 : vector<256x1xi32> to vector<256x32xi32>
    %add3A_151 = arith.addi %add3A_150, %broadcast_in_dim3A_111 : vector<256x32xi32>
    %select_n3A_152 = arith.select %eq3A_148, %add3A_151, %select_n3A_145 : vector<256x32xi1>, vector<256x32xi32>
    %eq3A_153 = arith.constant 6 : i32
    %eq3A_154 = vector.broadcast %eq3A_153 : i32 to vector<256x32xi32>
    %eq3A_155 = arith.cmpi eq, %select_n3A_109, %eq3A_154 : vector<256x32xi32>
    %slice3A_156 = vector.extract_strided_slice %scan3A_84#1 {offsets = [0, 6], sizes = [256, 1], strides = [1, 1]} : vector<256x32xi32> to vector<256x1xi32>
    %add3A_157 = vector.broadcast %slice3A_156 : vector<256x1xi32> to vector<256x32xi32>
    %add3A_158 = arith.addi %add3A_157, %broadcast_in_dim3A_111 : vector<256x32xi32>
    %select_n3A_159 = arith.select %eq3A_155, %add3A_158, %select_n3A_152 : vector<256x32xi1>, vector<256x32xi32>
    %eq3A_160 = arith.constant 7 : i32
    %eq3A_161 = vector.broadcast %eq3A_160 : i32 to vector<256x32xi32>
    %eq3A_162 = arith.cmpi eq, %select_n3A_109, %eq3A_161 : vector<256x32xi32>
    %slice3A_163 = vector.extract_strided_slice %scan3A_84#1 {offsets = [0, 7], sizes = [256, 1], strides = [1, 1]} : vector<256x32xi32> to vector<256x1xi32>
    %add3A_164 = vector.broadcast %slice3A_163 : vector<256x1xi32> to vector<256x32xi32>
    %add3A_165 = arith.addi %add3A_164, %broadcast_in_dim3A_111 : vector<256x32xi32>
    %select_n3A_166 = arith.select %eq3A_162, %add3A_165, %select_n3A_159 : vector<256x32xi1>, vector<256x32xi32>
    %eq3A_167 = arith.constant 8 : i32
    %eq3A_168 = vector.broadcast %eq3A_167 : i32 to vector<256x32xi32>
    %eq3A_169 = arith.cmpi eq, %select_n3A_109, %eq3A_168 : vector<256x32xi32>
    %slice3A_170 = vector.extract_strided_slice %scan3A_84#1 {offsets = [0, 8], sizes = [256, 1], strides = [1, 1]} : vector<256x32xi32> to vector<256x1xi32>
    %add3A_171 = vector.broadcast %slice3A_170 : vector<256x1xi32> to vector<256x32xi32>
    %add3A_172 = arith.addi %add3A_171, %broadcast_in_dim3A_111 : vector<256x32xi32>
    %select_n3A_173 = arith.select %eq3A_169, %add3A_172, %select_n3A_166 : vector<256x32xi1>, vector<256x32xi32>
    %eq3A_174 = arith.constant 9 : i32
    %eq3A_175 = vector.broadcast %eq3A_174 : i32 to vector<256x32xi32>
    %eq3A_176 = arith.cmpi eq, %select_n3A_109, %eq3A_175 : vector<256x32xi32>
    %slice3A_177 = vector.extract_strided_slice %scan3A_84#1 {offsets = [0, 9], sizes = [256, 1], strides = [1, 1]} : vector<256x32xi32> to vector<256x1xi32>
    %add3A_178 = vector.broadcast %slice3A_177 : vector<256x1xi32> to vector<256x32xi32>
    %add3A_179 = arith.addi %add3A_178, %broadcast_in_dim3A_111 : vector<256x32xi32>
    %select_n3A_180 = arith.select %eq3A_176, %add3A_179, %select_n3A_173 : vector<256x32xi1>, vector<256x32xi32>
    %eq3A_181 = arith.constant 10 : i32
    %eq3A_182 = vector.broadcast %eq3A_181 : i32 to vector<256x32xi32>
    %eq3A_183 = arith.cmpi eq, %select_n3A_109, %eq3A_182 : vector<256x32xi32>
    %slice3A_184 = vector.extract_strided_slice %scan3A_84#1 {offsets = [0, 10], sizes = [256, 1], strides = [1, 1]} : vector<256x32xi32> to vector<256x1xi32>
    %add3A_185 = vector.broadcast %slice3A_184 : vector<256x1xi32> to vector<256x32xi32>
    %add3A_186 = arith.addi %add3A_185, %broadcast_in_dim3A_111 : vector<256x32xi32>
    %select_n3A_187 = arith.select %eq3A_183, %add3A_186, %select_n3A_180 : vector<256x32xi1>, vector<256x32xi32>
    %eq3A_188 = arith.constant 11 : i32
    %eq3A_189 = vector.broadcast %eq3A_188 : i32 to vector<256x32xi32>
    %eq3A_190 = arith.cmpi eq, %select_n3A_109, %eq3A_189 : vector<256x32xi32>
    %slice3A_191 = vector.extract_strided_slice %scan3A_84#1 {offsets = [0, 11], sizes = [256, 1], strides = [1, 1]} : vector<256x32xi32> to vector<256x1xi32>
    %add3A_192 = vector.broadcast %slice3A_191 : vector<256x1xi32> to vector<256x32xi32>
    %add3A_193 = arith.addi %add3A_192, %broadcast_in_dim3A_111 : vector<256x32xi32>
    %select_n3A_194 = arith.select %eq3A_190, %add3A_193, %select_n3A_187 : vector<256x32xi1>, vector<256x32xi32>
    %eq3A_195 = arith.constant 12 : i32
    %eq3A_196 = vector.broadcast %eq3A_195 : i32 to vector<256x32xi32>
    %eq3A_197 = arith.cmpi eq, %select_n3A_109, %eq3A_196 : vector<256x32xi32>
    %slice3A_198 = vector.extract_strided_slice %scan3A_84#1 {offsets = [0, 12], sizes = [256, 1], strides = [1, 1]} : vector<256x32xi32> to vector<256x1xi32>
    %add3A_199 = vector.broadcast %slice3A_198 : vector<256x1xi32> to vector<256x32xi32>
    %add3A_200 = arith.addi %add3A_199, %broadcast_in_dim3A_111 : vector<256x32xi32>
    %select_n3A_201 = arith.select %eq3A_197, %add3A_200, %select_n3A_194 : vector<256x32xi1>, vector<256x32xi32>
    %eq3A_202 = arith.constant 13 : i32
    %eq3A_203 = vector.broadcast %eq3A_202 : i32 to vector<256x32xi32>
    %eq3A_204 = arith.cmpi eq, %select_n3A_109, %eq3A_203 : vector<256x32xi32>
    %slice3A_205 = vector.extract_strided_slice %scan3A_84#1 {offsets = [0, 13], sizes = [256, 1], strides = [1, 1]} : vector<256x32xi32> to vector<256x1xi32>
    %add3A_206 = vector.broadcast %slice3A_205 : vector<256x1xi32> to vector<256x32xi32>
    %add3A_207 = arith.addi %add3A_206, %broadcast_in_dim3A_111 : vector<256x32xi32>
    %select_n3A_208 = arith.select %eq3A_204, %add3A_207, %select_n3A_201 : vector<256x32xi1>, vector<256x32xi32>
    %eq3A_209 = arith.constant 14 : i32
    %eq3A_210 = vector.broadcast %eq3A_209 : i32 to vector<256x32xi32>
    %eq3A_211 = arith.cmpi eq, %select_n3A_109, %eq3A_210 : vector<256x32xi32>
    %slice3A_212 = vector.extract_strided_slice %scan3A_84#1 {offsets = [0, 14], sizes = [256, 1], strides = [1, 1]} : vector<256x32xi32> to vector<256x1xi32>
    %add3A_213 = vector.broadcast %slice3A_212 : vector<256x1xi32> to vector<256x32xi32>
    %add3A_214 = arith.addi %add3A_213, %broadcast_in_dim3A_111 : vector<256x32xi32>
    %select_n3A_215 = arith.select %eq3A_211, %add3A_214, %select_n3A_208 : vector<256x32xi1>, vector<256x32xi32>
    %eq3A_216 = arith.constant 15 : i32
    %eq3A_217 = vector.broadcast %eq3A_216 : i32 to vector<256x32xi32>
    %eq3A_218 = arith.cmpi eq, %select_n3A_109, %eq3A_217 : vector<256x32xi32>
    %slice3A_219 = vector.extract_strided_slice %scan3A_84#1 {offsets = [0, 15], sizes = [256, 1], strides = [1, 1]} : vector<256x32xi32> to vector<256x1xi32>
    %add3A_220 = vector.broadcast %slice3A_219 : vector<256x1xi32> to vector<256x32xi32>
    %add3A_221 = arith.addi %add3A_220, %broadcast_in_dim3A_111 : vector<256x32xi32>
    %select_n3A_222 = arith.select %eq3A_218, %add3A_221, %select_n3A_215 : vector<256x32xi1>, vector<256x32xi32>
    %eq3A_223 = arith.constant 16 : i32
    %eq3A_224 = vector.broadcast %eq3A_223 : i32 to vector<256x32xi32>
    %eq3A_225 = arith.cmpi eq, %select_n3A_109, %eq3A_224 : vector<256x32xi32>
    %slice3A_226 = vector.extract_strided_slice %scan3A_84#1 {offsets = [0, 16], sizes = [256, 1], strides = [1, 1]} : vector<256x32xi32> to vector<256x1xi32>
    %add3A_227 = vector.broadcast %slice3A_226 : vector<256x1xi32> to vector<256x32xi32>
    %add3A_228 = arith.addi %add3A_227, %broadcast_in_dim3A_111 : vector<256x32xi32>
    %select_n3A_229 = arith.select %eq3A_225, %add3A_228, %select_n3A_222 : vector<256x32xi1>, vector<256x32xi32>
    %eq3A_230 = arith.constant 17 : i32
    %eq3A_231 = vector.broadcast %eq3A_230 : i32 to vector<256x32xi32>
    %eq3A_232 = arith.cmpi eq, %select_n3A_109, %eq3A_231 : vector<256x32xi32>
    %slice3A_233 = vector.extract_strided_slice %scan3A_84#1 {offsets = [0, 17], sizes = [256, 1], strides = [1, 1]} : vector<256x32xi32> to vector<256x1xi32>
    %add3A_234 = vector.broadcast %slice3A_233 : vector<256x1xi32> to vector<256x32xi32>
    %add3A_235 = arith.addi %add3A_234, %broadcast_in_dim3A_111 : vector<256x32xi32>
    %select_n3A_236 = arith.select %eq3A_232, %add3A_235, %select_n3A_229 : vector<256x32xi1>, vector<256x32xi32>
    %eq3A_237 = arith.constant 18 : i32
    %eq3A_238 = vector.broadcast %eq3A_237 : i32 to vector<256x32xi32>
    %eq3A_239 = arith.cmpi eq, %select_n3A_109, %eq3A_238 : vector<256x32xi32>
    %slice3A_240 = vector.extract_strided_slice %scan3A_84#1 {offsets = [0, 18], sizes = [256, 1], strides = [1, 1]} : vector<256x32xi32> to vector<256x1xi32>
    %add3A_241 = vector.broadcast %slice3A_240 : vector<256x1xi32> to vector<256x32xi32>
    %add3A_242 = arith.addi %add3A_241, %broadcast_in_dim3A_111 : vector<256x32xi32>
    %select_n3A_243 = arith.select %eq3A_239, %add3A_242, %select_n3A_236 : vector<256x32xi1>, vector<256x32xi32>
    %eq3A_244 = arith.constant 19 : i32
    %eq3A_245 = vector.broadcast %eq3A_244 : i32 to vector<256x32xi32>
    %eq3A_246 = arith.cmpi eq, %select_n3A_109, %eq3A_245 : vector<256x32xi32>
    %slice3A_247 = vector.extract_strided_slice %scan3A_84#1 {offsets = [0, 19], sizes = [256, 1], strides = [1, 1]} : vector<256x32xi32> to vector<256x1xi32>
    %add3A_248 = vector.broadcast %slice3A_247 : vector<256x1xi32> to vector<256x32xi32>
    %add3A_249 = arith.addi %add3A_248, %broadcast_in_dim3A_111 : vector<256x32xi32>
    %select_n3A_250 = arith.select %eq3A_246, %add3A_249, %select_n3A_243 : vector<256x32xi1>, vector<256x32xi32>
    %eq3A_251 = arith.constant 20 : i32
    %eq3A_252 = vector.broadcast %eq3A_251 : i32 to vector<256x32xi32>
    %eq3A_253 = arith.cmpi eq, %select_n3A_109, %eq3A_252 : vector<256x32xi32>
    %slice3A_254 = vector.extract_strided_slice %scan3A_84#1 {offsets = [0, 20], sizes = [256, 1], strides = [1, 1]} : vector<256x32xi32> to vector<256x1xi32>
    %add3A_255 = vector.broadcast %slice3A_254 : vector<256x1xi32> to vector<256x32xi32>
    %add3A_256 = arith.addi %add3A_255, %broadcast_in_dim3A_111 : vector<256x32xi32>
    %select_n3A_257 = arith.select %eq3A_253, %add3A_256, %select_n3A_250 : vector<256x32xi1>, vector<256x32xi32>
    %eq3A_258 = arith.constant 21 : i32
    %eq3A_259 = vector.broadcast %eq3A_258 : i32 to vector<256x32xi32>
    %eq3A_260 = arith.cmpi eq, %select_n3A_109, %eq3A_259 : vector<256x32xi32>
    %slice3A_261 = vector.extract_strided_slice %scan3A_84#1 {offsets = [0, 21], sizes = [256, 1], strides = [1, 1]} : vector<256x32xi32> to vector<256x1xi32>
    %add3A_262 = vector.broadcast %slice3A_261 : vector<256x1xi32> to vector<256x32xi32>
    %add3A_263 = arith.addi %add3A_262, %broadcast_in_dim3A_111 : vector<256x32xi32>
    %select_n3A_264 = arith.select %eq3A_260, %add3A_263, %select_n3A_257 : vector<256x32xi1>, vector<256x32xi32>
    %eq3A_265 = arith.constant 22 : i32
    %eq3A_266 = vector.broadcast %eq3A_265 : i32 to vector<256x32xi32>
    %eq3A_267 = arith.cmpi eq, %select_n3A_109, %eq3A_266 : vector<256x32xi32>
    %slice3A_268 = vector.extract_strided_slice %scan3A_84#1 {offsets = [0, 22], sizes = [256, 1], strides = [1, 1]} : vector<256x32xi32> to vector<256x1xi32>
    %add3A_269 = vector.broadcast %slice3A_268 : vector<256x1xi32> to vector<256x32xi32>
    %add3A_270 = arith.addi %add3A_269, %broadcast_in_dim3A_111 : vector<256x32xi32>
    %select_n3A_271 = arith.select %eq3A_267, %add3A_270, %select_n3A_264 : vector<256x32xi1>, vector<256x32xi32>
    %eq3A_272 = arith.constant 23 : i32
    %eq3A_273 = vector.broadcast %eq3A_272 : i32 to vector<256x32xi32>
    %eq3A_274 = arith.cmpi eq, %select_n3A_109, %eq3A_273 : vector<256x32xi32>
    %slice3A_275 = vector.extract_strided_slice %scan3A_84#1 {offsets = [0, 23], sizes = [256, 1], strides = [1, 1]} : vector<256x32xi32> to vector<256x1xi32>
    %add3A_276 = vector.broadcast %slice3A_275 : vector<256x1xi32> to vector<256x32xi32>
    %add3A_277 = arith.addi %add3A_276, %broadcast_in_dim3A_111 : vector<256x32xi32>
    %select_n3A_278 = arith.select %eq3A_274, %add3A_277, %select_n3A_271 : vector<256x32xi1>, vector<256x32xi32>
    %eq3A_279 = arith.constant 24 : i32
    %eq3A_280 = vector.broadcast %eq3A_279 : i32 to vector<256x32xi32>
    %eq3A_281 = arith.cmpi eq, %select_n3A_109, %eq3A_280 : vector<256x32xi32>
    %slice3A_282 = vector.extract_strided_slice %scan3A_84#1 {offsets = [0, 24], sizes = [256, 1], strides = [1, 1]} : vector<256x32xi32> to vector<256x1xi32>
    %add3A_283 = vector.broadcast %slice3A_282 : vector<256x1xi32> to vector<256x32xi32>
    %add3A_284 = arith.addi %add3A_283, %broadcast_in_dim3A_111 : vector<256x32xi32>
    %select_n3A_285 = arith.select %eq3A_281, %add3A_284, %select_n3A_278 : vector<256x32xi1>, vector<256x32xi32>
    %eq3A_286 = arith.constant 25 : i32
    %eq3A_287 = vector.broadcast %eq3A_286 : i32 to vector<256x32xi32>
    %eq3A_288 = arith.cmpi eq, %select_n3A_109, %eq3A_287 : vector<256x32xi32>
    %slice3A_289 = vector.extract_strided_slice %scan3A_84#1 {offsets = [0, 25], sizes = [256, 1], strides = [1, 1]} : vector<256x32xi32> to vector<256x1xi32>
    %add3A_290 = vector.broadcast %slice3A_289 : vector<256x1xi32> to vector<256x32xi32>
    %add3A_291 = arith.addi %add3A_290, %broadcast_in_dim3A_111 : vector<256x32xi32>
    %select_n3A_292 = arith.select %eq3A_288, %add3A_291, %select_n3A_285 : vector<256x32xi1>, vector<256x32xi32>
    %eq3A_293 = arith.constant 26 : i32
    %eq3A_294 = vector.broadcast %eq3A_293 : i32 to vector<256x32xi32>
    %eq3A_295 = arith.cmpi eq, %select_n3A_109, %eq3A_294 : vector<256x32xi32>
    %slice3A_296 = vector.extract_strided_slice %scan3A_84#1 {offsets = [0, 26], sizes = [256, 1], strides = [1, 1]} : vector<256x32xi32> to vector<256x1xi32>
    %add3A_297 = vector.broadcast %slice3A_296 : vector<256x1xi32> to vector<256x32xi32>
    %add3A_298 = arith.addi %add3A_297, %broadcast_in_dim3A_111 : vector<256x32xi32>
    %select_n3A_299 = arith.select %eq3A_295, %add3A_298, %select_n3A_292 : vector<256x32xi1>, vector<256x32xi32>
    %eq3A_300 = arith.constant 27 : i32
    %eq3A_301 = vector.broadcast %eq3A_300 : i32 to vector<256x32xi32>
    %eq3A_302 = arith.cmpi eq, %select_n3A_109, %eq3A_301 : vector<256x32xi32>
    %slice3A_303 = vector.extract_strided_slice %scan3A_84#1 {offsets = [0, 27], sizes = [256, 1], strides = [1, 1]} : vector<256x32xi32> to vector<256x1xi32>
    %add3A_304 = vector.broadcast %slice3A_303 : vector<256x1xi32> to vector<256x32xi32>
    %add3A_305 = arith.addi %add3A_304, %broadcast_in_dim3A_111 : vector<256x32xi32>
    %select_n3A_306 = arith.select %eq3A_302, %add3A_305, %select_n3A_299 : vector<256x32xi1>, vector<256x32xi32>
    %eq3A_307 = arith.constant 28 : i32
    %eq3A_308 = vector.broadcast %eq3A_307 : i32 to vector<256x32xi32>
    %eq3A_309 = arith.cmpi eq, %select_n3A_109, %eq3A_308 : vector<256x32xi32>
    %slice3A_310 = vector.extract_strided_slice %scan3A_84#1 {offsets = [0, 28], sizes = [256, 1], strides = [1, 1]} : vector<256x32xi32> to vector<256x1xi32>
    %add3A_311 = vector.broadcast %slice3A_310 : vector<256x1xi32> to vector<256x32xi32>
    %add3A_312 = arith.addi %add3A_311, %broadcast_in_dim3A_111 : vector<256x32xi32>
    %select_n3A_313 = arith.select %eq3A_309, %add3A_312, %select_n3A_306 : vector<256x32xi1>, vector<256x32xi32>
    %eq3A_314 = arith.constant 29 : i32
    %eq3A_315 = vector.broadcast %eq3A_314 : i32 to vector<256x32xi32>
    %eq3A_316 = arith.cmpi eq, %select_n3A_109, %eq3A_315 : vector<256x32xi32>
    %slice3A_317 = vector.extract_strided_slice %scan3A_84#1 {offsets = [0, 29], sizes = [256, 1], strides = [1, 1]} : vector<256x32xi32> to vector<256x1xi32>
    %add3A_318 = vector.broadcast %slice3A_317 : vector<256x1xi32> to vector<256x32xi32>
    %add3A_319 = arith.addi %add3A_318, %broadcast_in_dim3A_111 : vector<256x32xi32>
    %select_n3A_320 = arith.select %eq3A_316, %add3A_319, %select_n3A_313 : vector<256x32xi1>, vector<256x32xi32>
    %eq3A_321 = arith.constant 30 : i32
    %eq3A_322 = vector.broadcast %eq3A_321 : i32 to vector<256x32xi32>
    %eq3A_323 = arith.cmpi eq, %select_n3A_109, %eq3A_322 : vector<256x32xi32>
    %slice3A_324 = vector.extract_strided_slice %scan3A_84#1 {offsets = [0, 30], sizes = [256, 1], strides = [1, 1]} : vector<256x32xi32> to vector<256x1xi32>
    %add3A_325 = vector.broadcast %slice3A_324 : vector<256x1xi32> to vector<256x32xi32>
    %add3A_326 = arith.addi %add3A_325, %broadcast_in_dim3A_111 : vector<256x32xi32>
    %select_n3A_327 = arith.select %eq3A_323, %add3A_326, %select_n3A_320 : vector<256x32xi1>, vector<256x32xi32>
    %eq3A_328 = arith.constant 31 : i32
    %eq3A_329 = vector.broadcast %eq3A_328 : i32 to vector<256x32xi32>
    %eq3A_330 = arith.cmpi eq, %select_n3A_109, %eq3A_329 : vector<256x32xi32>
    %slice3A_331 = vector.extract_strided_slice %scan3A_84#1 {offsets = [0, 31], sizes = [256, 1], strides = [1, 1]} : vector<256x32xi32> to vector<256x1xi32>
    %add3A_332 = vector.broadcast %slice3A_331 : vector<256x1xi32> to vector<256x32xi32>
    %add3A_333 = arith.addi %add3A_332, %broadcast_in_dim3A_111 : vector<256x32xi32>
    %select_n3A_334 = arith.select %eq3A_330, %add3A_333, %select_n3A_327 : vector<256x32xi1>, vector<256x32xi32>
    %eq3A_335 = arith.constant 0 : i32
    %eq3A_336 = vector.broadcast %eq3A_335 : i32 to vector<256x1xi32>
    %eq3A_337 = arith.cmpi eq, %broadcast_in_dim3A_49, %eq3A_336 : vector<256x1xi32>
    %add3A_338 = vector.broadcast %and3A_45 : vector<256x1xi32> to vector<256x32xi32>
    %add3A_339 = arith.addi %add3A_338, %broadcast_in_dim3A_111 : vector<256x32xi32>
    %broadcast_in_dim3A_340 = vector.shape_cast %eq3A_337 : vector<256x1xi1> to vector<256x1xi1>
    %broadcast_in_dim3A_341 = vector.broadcast %broadcast_in_dim3A_340 : vector<256x1xi1> to vector<256x32xi1>
    %select_n3A_342 = arith.select %broadcast_in_dim3A_341, %add3A_339, %select_n3A_334 : vector<256x32xi1>, vector<256x32xi32>
    %mul3A_343 = arith.constant 4096 : i32
    %mul3A_344 = arith.muli %arg0, %mul3A_343 : i32
    %add3A_345 = vector.broadcast %mul3A_344 : i32 to vector<256x32xi32>
    %add3A_346 = arith.addi %select_n3A_342, %add3A_345 : vector<256x32xi32>
    %swap3A = arith.constant 0 : index
    %swap3A_347 = arith.constant 0 : index
    %swap3A_348 = arith.constant 0 : index
    %swap3A_349 = arith.constant 0 : index
    %swap3A_350 = vector.load %arg3[%swap3A, %swap3A_347, %swap3A_348, %swap3A_349] : memref<1x1x256x32xi32, #tpu.memory_space<vmem>>, vector<1x1x256x32xi32>
    %swap3A_351 = vector.shape_cast %swap3A_350 : vector<1x1x256x32xi32> to vector<256x32xi32>
    %swap3A_352 = vector.shape_cast %add3A_346 : vector<256x32xi32> to vector<1x1x256x32xi32>
    tpu.vector_store %arg3[%swap3A, %swap3A_347, %swap3A_348, %swap3A_349], %swap3A_352 {strides = array<i32>} : memref<1x1x256x32xi32, #tpu.memory_space<vmem>>, vector<1x1x256x32xi32>,
    return
  }
  func.func @transform_0(%arg0: i32) -> (i32, i32, i32) {
    %c0_i32 = arith.constant 0 : i32
    %c0_i32_0 = arith.constant 0 : i32
    %c0_i32_1 = arith.constant 0 : i32
    return %arg0, %c0_i32, %c0_i32_0 : i32, i32, i32
  }
  func.func @transform_1(%arg0: i32) -> (i32, i32, i32) {
    %c0_i32 = arith.constant 0 : i32
    %c0_i32_0 = arith.constant 0 : i32
    %c0_i32_1 = arith.constant 0 : i32
    return %arg0, %c0_i32, %c0_i32_0 : i32, i32, i32
  }
  func.func @transform_2(%arg0: i32) -> (i32, i32, i32, i32) {
    %c0_i32 = arith.constant 0 : i32
    %c0_i32_0 = arith.constant 0 : i32
    %c0_i32_1 = arith.constant 0 : i32
    %c0_i32_2 = arith.constant 0 : i32
    return %arg0, %c0_i32, %c0_i32_0, %c0_i32_1 : i32, i32, i32, i32
  }
}

module attributes {stable_mosaic.version = 14 : i64} {
  func.func @_bq_body(%arg0: i32, %arg1: memref<1x3x4096xf32, #tpu.memory_space<vmem>>, %arg2: memref<1x256x3xf32, #tpu.memory_space<vmem>>, %arg3: memref<1x1x256x32xi32, #tpu.memory_space<vmem>>) attributes {dimension_semantics = [#tpu.dimension_semantics<arbitrary>], iteration_bounds = array<i64: 8>, scalar_prefetch = 0 : i64, scratch_operands = 0 : i64, tpu.core_type = #tpu.core_type<tc>, window_params = [{transform_indices = @transform_0, window_bounds = array<i64: 1, 3, 4096>}, {transform_indices = @transform_1, window_bounds = array<i64: 1, 256, 3>}, {transform_indices = @transform_2, window_bounds = array<i64: 1, 1, 256, 32>}]} {
    %get3A = arith.constant 0 : index
    %get3A_0 = arith.constant 0 : index
    %get3A_1 = arith.constant 0 : index
    %get3A_2 = vector.load %arg1[%get3A, %get3A_0, %get3A_1] : memref<1x3x4096xf32, #tpu.memory_space<vmem>>, vector<1x1x4096xf32>
    %get3A_3 = vector.shape_cast %get3A_2 : vector<1x1x4096xf32> to vector<1x4096xf32>
    %get3A_4 = arith.constant 0 : index
    %get3A_5 = arith.constant 1 : index
    %get3A_6 = arith.constant 0 : index
    %get3A_7 = vector.load %arg1[%get3A_4, %get3A_5, %get3A_6] : memref<1x3x4096xf32, #tpu.memory_space<vmem>>, vector<1x1x4096xf32>
    %get3A_8 = vector.shape_cast %get3A_7 : vector<1x1x4096xf32> to vector<1x4096xf32>
    %get3A_9 = arith.constant 0 : index
    %get3A_10 = arith.constant 2 : index
    %get3A_11 = arith.constant 0 : index
    %get3A_12 = vector.load %arg1[%get3A_9, %get3A_10, %get3A_11] : memref<1x3x4096xf32, #tpu.memory_space<vmem>>, vector<1x1x4096xf32>
    %get3A_13 = vector.shape_cast %get3A_12 : vector<1x1x4096xf32> to vector<1x4096xf32>
    %get3A_14 = arith.constant 0 : index
    %get3A_15 = arith.constant 0 : index
    %get3A_16 = arith.constant 0 : index
    %get3A_17 = vector.load %arg2[%get3A_14, %get3A_15, %get3A_16] : memref<1x256x3xf32, #tpu.memory_space<vmem>>, vector<1x256x1xf32>
    %get3A_18 = vector.shape_cast %get3A_17 : vector<1x256x1xf32> to vector<256x1xf32>
    %get3A_19 = arith.constant 0 : index
    %get3A_20 = arith.constant 0 : index
    %get3A_21 = arith.constant 1 : index
    %get3A_22 = vector.load %arg2[%get3A_19, %get3A_20, %get3A_21] : memref<1x256x3xf32, #tpu.memory_space<vmem>>, vector<1x256x1xf32>
    %get3A_23 = vector.shape_cast %get3A_22 : vector<1x256x1xf32> to vector<256x1xf32>
    %get3A_24 = arith.constant 0 : index
    %get3A_25 = arith.constant 0 : index
    %get3A_26 = arith.constant 2 : index
    %get3A_27 = vector.load %arg2[%get3A_24, %get3A_25, %get3A_26] : memref<1x256x3xf32, #tpu.memory_space<vmem>>, vector<1x256x1xf32>
    %get3A_28 = vector.shape_cast %get3A_27 : vector<1x256x1xf32> to vector<256x1xf32>
    %sub3A = vector.broadcast %get3A_18 : vector<256x1xf32> to vector<256x4096xf32>
    %sub3A_29 = vector.broadcast %get3A_3 : vector<1x4096xf32> to vector<256x4096xf32>
    %sub3A_30 = arith.subf %sub3A, %sub3A_29 : vector<256x4096xf32>
    %sub3A_31 = vector.broadcast %get3A_23 : vector<256x1xf32> to vector<256x4096xf32>
    %sub3A_32 = vector.broadcast %get3A_8 : vector<1x4096xf32> to vector<256x4096xf32>
    %sub3A_33 = arith.subf %sub3A_31, %sub3A_32 : vector<256x4096xf32>
    %sub3A_34 = vector.broadcast %get3A_28 : vector<256x1xf32> to vector<256x4096xf32>
    %sub3A_35 = vector.broadcast %get3A_13 : vector<1x4096xf32> to vector<256x4096xf32>
    %sub3A_36 = arith.subf %sub3A_34, %sub3A_35 : vector<256x4096xf32>
    %mul3A = arith.mulf %sub3A_30, %sub3A_30 : vector<256x4096xf32>
    %mul3A_37 = arith.mulf %sub3A_33, %sub3A_33 : vector<256x4096xf32>
    %add3A = arith.addf %mul3A, %mul3A_37 : vector<256x4096xf32>
    %mul3A_38 = arith.mulf %sub3A_36, %sub3A_36 : vector<256x4096xf32>
    %add3A_39 = arith.addf %add3A, %mul3A_38 : vector<256x4096xf32>
    %iota3A = tpu.iota {dimensions = array<i32: 1>} : vector<256x4096xi32>
    %bitcast_convert_type3A = tpu.bitcast %add3A_39 : vector<256x4096xf32> -> vector<256x4096xi32>
    %and3A = arith.constant -4096 : i32
    %and3A_40 = vector.broadcast %and3A : i32 to vector<256x4096xi32>
    %and3A_41 = arith.andi %bitcast_convert_type3A, %and3A_40 : vector<256x4096xi32>
    %or3A = arith.ori %and3A_41, %iota3A : vector<256x4096xi32>
    %reduce_min3A = arith.constant dense<2147483647> : vector<256xi32>
    %reduce_min3A_42 = vector.multi_reduction <minsi>, %or3A, %reduce_min3A [1] : vector<256x4096xi32> to vector<256xi32>
    %broadcast_in_dim3A = vector.shape_cast %reduce_min3A_42 : vector<256xi32> to vector<256x1xi32>
    %and3A_43 = arith.constant 4095 : i32
    %and3A_44 = vector.broadcast %and3A_43 : i32 to vector<256x1xi32>
    %and3A_45 = arith.andi %broadcast_in_dim3A, %and3A_44 : vector<256x1xi32>
    %lt3A = arith.constant 4.000000e-02 : f32
    %lt3A_46 = vector.broadcast %lt3A : f32 to vector<256x4096xf32>
    %lt3A_47 = arith.cmpf olt, %add3A_39, %lt3A_46 : vector<256x4096xf32>
    %convert_element_type3A = arith.extui %lt3A_47 : vector<256x4096xi1> to vector<256x4096xi32>
    %reduce_sum3A = arith.constant dense<0> : vector<256xi32>
    %reduce_sum3A_48 = vector.multi_reduction <add>, %convert_element_type3A, %reduce_sum3A [1] : vector<256x4096xi32> to vector<256xi32>
    %broadcast_in_dim3A_49 = vector.shape_cast %reduce_sum3A_48 : vector<256xi32> to vector<256x1xi32>
    %mul3A_50 = arith.constant 1.310720e+07 : f32
    %mul3A_51 = vector.broadcast %mul3A_50 : f32 to vector<256x4096xf32>
    %mul3A_52 = arith.mulf %add3A_39, %mul3A_51 : vector<256x4096xf32>
    %convert_element_type3A_53 = arith.fptosi %mul3A_52 : vector<256x4096xf32> to vector<256x4096xi32>
    %min3A = arith.constant 524287 : i32
    %min3A_54 = vector.broadcast %min3A : i32 to vector<256x4096xi32>
    %min3A_55 = arith.minsi %convert_element_type3A_53, %min3A_54 : vector<256x4096xi32>
    %shift_left3A = arith.constant 12 : i32
    %shift_left3A_56 = vector.broadcast %shift_left3A : i32 to vector<256x4096xi32>
    %shift_left3A_57 = arith.shli %min3A_55, %shift_left3A_56 : vector<256x4096xi32>
    %or3A_58 = arith.ori %shift_left3A_57, %iota3A : vector<256x4096xi32>
    %jit3A = arith.constant 2147483647 : i32
    %broadcast_in_dim3A_59 = vector.broadcast %jit3A : i32 to vector<256x4096xi32>
    %select_n3A = arith.select %lt3A_47, %or3A_58, %broadcast_in_dim3A_59 : vector<256x4096xi1>, vector<256x4096xi32>
    %iota3A_60 = tpu.iota {dimensions = array<i32: 1>} : vector<256x32xi32>
    %broadcast_in_dim3A_61 = arith.constant 0 : i32
    %broadcast_in_dim3A_62 = vector.broadcast %broadcast_in_dim3A_61 : i32 to vector<256x32xi32>
    %reduce_min3A_63 = arith.constant dense<2147483647> : vector<256xi32>
    %reduce_min3A_64 = vector.multi_reduction <minsi>, %select_n3A, %reduce_min3A_63 [1] : vector<256x4096xi32> to vector<256xi32>
    %broadcast_in_dim3A_65 = vector.shape_cast %reduce_min3A_64 : vector<256xi32> to vector<256x1xi32>
    %and3A_66 = arith.constant 4095 : i32
    %and3A_67 = vector.broadcast %and3A_66 : i32 to vector<256x1xi32>
    %and3A_68 = arith.andi %broadcast_in_dim3A_65, %and3A_67 : vector<256x1xi32>
    %eq3A = arith.constant 0 : i32
    %eq3A_69 = vector.broadcast %eq3A : i32 to vector<256x32xi32>
    %eq3A_70 = arith.cmpi eq, %iota3A_60, %eq3A_69 : vector<256x32xi32>
    %broadcast_in_dim3A_71 = arith.constant 0 : i32
    %broadcast_in_dim3A_72 = vector.broadcast %broadcast_in_dim3A_71 : i32 to vector<256x32xi32>
    %add3A_73 = vector.broadcast %and3A_68 : vector<256x1xi32> to vector<256x32xi32>
    %add3A_74 = arith.addi %add3A_73, %broadcast_in_dim3A_72 : vector<256x32xi32>
    %select_n3A_75 = arith.select %eq3A_70, %add3A_74, %broadcast_in_dim3A_62 : vector<256x32xi1>, vector<256x32xi32>
    %eq3A_76 = vector.broadcast %broadcast_in_dim3A_65 : vector<256x1xi32> to vector<256x4096xi32>
    %eq3A_77 = arith.cmpi eq, %select_n3A, %eq3A_76 : vector<256x4096xi32>
    %jit3A_78 = arith.constant 2147483647 : i32
    %broadcast_in_dim3A_79 = vector.broadcast %jit3A_78 : i32 to vector<256x4096xi32>
    %select_n3A_80 = arith.select %eq3A_77, %broadcast_in_dim3A_79, %select_n3A : vector<256x4096xi1>, vector<256x4096xi32>
    %scan3A = arith.constant 1 : i32
    %scan3A_81 = arith.constant 31 : i32
    %scan3A_82 = arith.addi %scan3A, %scan3A_81 : i32
    %scan3A_83 = arith.constant 1 : i32
    %scan3A_84:2 = scf.for %scan3A_353 = %scan3A to %scan3A_82 step %scan3A_83 iter_args(%scan3A_354 = %select_n3A_80, %scan3A_355 = %select_n3A_75) -> (vector<256x4096xi32>, vector<256x32xi32>)  : i32 {
      %reduce_min3A_356 = arith.constant dense<2147483647> : vector<256xi32>
      %reduce_min3A_357 = vector.multi_reduction <minsi>, %scan3A_354, %reduce_min3A_356 [1] : vector<256x4096xi32> to vector<256xi32>
      %broadcast_in_dim3A_358 = vector.shape_cast %reduce_min3A_357 : vector<256xi32> to vector<256x1xi32>
      %and3A_359 = arith.constant 4095 : i32
      %and3A_360 = vector.broadcast %and3A_359 : i32 to vector<256x1xi32>
      %and3A_361 = arith.andi %broadcast_in_dim3A_358, %and3A_360 : vector<256x1xi32>
      %eq3A_362 = vector.broadcast %scan3A_353 : i32 to vector<256x32xi32>
      %eq3A_363 = arith.cmpi eq, %iota3A_60, %eq3A_362 : vector<256x32xi32>
      %broadcast_in_dim3A_364 = arith.constant 0 : i32
      %broadcast_in_dim3A_365 = vector.broadcast %broadcast_in_dim3A_364 : i32 to vector<256x32xi32>
      %add3A_366 = vector.broadcast %and3A_361 : vector<256x1xi32> to vector<256x32xi32>
      %add3A_367 = arith.addi %add3A_366, %broadcast_in_dim3A_365 : vector<256x32xi32>
      %select_n3A_368 = arith.select %eq3A_363, %add3A_367, %scan3A_355 : vector<256x32xi1>, vector<256x32xi32>
      %eq3A_369 = vector.broadcast %broadcast_in_dim3A_358 : vector<256x1xi32> to vector<256x4096xi32>
      %eq3A_370 = arith.cmpi eq, %scan3A_354, %eq3A_369 : vector<256x4096xi32>
      %jit3A_371 = arith.constant 2147483647 : i32
      %broadcast_in_dim3A_372 = vector.broadcast %jit3A_371 : i32 to vector<256x4096xi32>
      %select_n3A_373 = arith.select %eq3A_370, %broadcast_in_dim3A_372, %scan3A_354 : vector<256x4096xi1>, vector<256x4096xi32>
      scf.yield %select_n3A_373, %select_n3A_368 : vector<256x4096xi32>, vector<256x32xi32>
    }
    %scan3A_85 = arith.constant 31 : i32
    %max3A = arith.constant 1 : i32
    %max3A_86 = vector.broadcast %max3A : i32 to vector<256x1xi32>
    %max3A_87 = arith.maxsi %broadcast_in_dim3A_49, %max3A_86 : vector<256x1xi32>
    %eq3A_88 = arith.constant 0 : i32
    %eq3A_89 = vector.broadcast %eq3A_88 : i32 to vector<256x1xi32>
    %eq3A_90 = arith.cmpi eq, %max3A_87, %eq3A_89 : vector<256x1xi32>
    %broadcast_in_dim3A_91 = arith.constant 1 : i32
    %broadcast_in_dim3A_92 = vector.broadcast %broadcast_in_dim3A_91 : i32 to vector<256x1xi32>
    %select_n3A_93 = arith.select %eq3A_90, %broadcast_in_dim3A_92, %max3A_87 : vector<256x1xi1>, vector<256x1xi32>
    %rem3A = vector.broadcast %select_n3A_93 : vector<256x1xi32> to vector<256x32xi32>
    %rem3A_94 = arith.remsi %iota3A_60, %rem3A : vector<256x32xi32>
    %ne3A = arith.constant 0 : i32
    %ne3A_95 = vector.broadcast %ne3A : i32 to vector<256x32xi32>
    %ne3A_96 = arith.cmpi ne, %rem3A_94, %ne3A_95 : vector<256x32xi32>
    %lt3A_97 = arith.constant 0 : i32
    %lt3A_98 = vector.broadcast %lt3A_97 : i32 to vector<256x32xi32>
    %lt3A_99 = arith.cmpi slt, %rem3A_94, %lt3A_98 : vector<256x32xi32>
    %lt3A_100 = arith.constant 0 : i32
    %lt3A_101 = vector.broadcast %lt3A_100 : i32 to vector<256x1xi32>
    %lt3A_102 = arith.cmpi slt, %select_n3A_93, %lt3A_101 : vector<256x1xi32>
    %ne3A_103 = vector.broadcast %lt3A_102 : vector<256x1xi1> to vector<256x32xi1>
    %ne3A_104 = vector.broadcast %ne3A_103 : vector<256x32xi1> to vector<256x32xi1>
    %ne3A_105 = arith.xori %lt3A_99, %ne3A_104 : vector<256x32xi1>
    %and3A_106 = arith.andi %ne3A_105, %ne3A_96 : vector<256x32xi1>
    %add3A_107 = vector.broadcast %select_n3A_93 : vector<256x1xi32> to vector<256x32xi32>
    %add3A_108 = arith.addi %rem3A_94, %add3A_107 : vector<256x32xi32>
    %select_n3A_109 = arith.select %and3A_106, %add3A_108, %rem3A_94 : vector<256x32xi1>, vector<256x32xi32>
    %broadcast_in_dim3A_110 = arith.constant 0 : i32
    %broadcast_in_dim3A_111 = vector.broadcast %broadcast_in_dim3A_110 : i32 to vector<256x32xi32>
    %eq3A_112 = arith.constant 0 : i32
    %eq3A_113 = vector.broadcast %eq3A_112 : i32 to vector<256x32xi32>
    %eq3A_114 = arith.cmpi eq, %select_n3A_109, %eq3A_113 : vector<256x32xi32>
    %slice3A = vector.extract_strided_slice %scan3A_84#1 {offsets = [0, 0], sizes = [256, 1], strides = [1, 1]} : vector<256x32xi32> to vector<256x1xi32>
    %add3A_115 = vector.broadcast %slice3A : vector<256x1xi32> to vector<256x32xi32>
    %add3A_116 = arith.addi %add3A_115, %broadcast_in_dim3A_111 : vector<256x32xi32>
    %select_n3A_117 = arith.select %eq3A_114, %add3A_116, %broadcast_in_dim3A_111 : vector<256x32xi1>, vector<256x32xi32>
    %eq3A_118 = arith.constant 1 : i32
    %eq3A_119 = vector.broadcast %eq3A_118 : i32 to vector<256x32xi32>
    %eq3A_120 = arith.cmpi eq, %select_n3A_109, %eq3A_119 : vector<256x32xi32>
    %slice3A_121 = vector.extract_strided_slice %scan3A_84#1 {offsets = [0, 1], sizes = [256, 1], strides = [1, 1]} : vector<256x32xi32> to vector<256x1xi32>
    %add3A_122 = vector.broadcast %slice3A_121 : vector<256x1xi32> to vector<256x32xi32>
    %add3A_123 = arith.addi %add3A_122, %broadcast_in_dim3A_111 : vector<256x32xi32>
    %select_n3A_124 = arith.select %eq3A_120, %add3A_123, %select_n3A_117 : vector<256x32xi1>, vector<256x32xi32>
    %eq3A_125 = arith.constant 2 : i32
    %eq3A_126 = vector.broadcast %eq3A_125 : i32 to vector<256x32xi32>
    %eq3A_127 = arith.cmpi eq, %select_n3A_109, %eq3A_126 : vector<256x32xi32>
    %slice3A_128 = vector.extract_strided_slice %scan3A_84#1 {offsets = [0, 2], sizes = [256, 1], strides = [1, 1]} : vector<256x32xi32> to vector<256x1xi32>
    %add3A_129 = vector.broadcast %slice3A_128 : vector<256x1xi32> to vector<256x32xi32>
    %add3A_130 = arith.addi %add3A_129, %broadcast_in_dim3A_111 : vector<256x32xi32>
    %select_n3A_131 = arith.select %eq3A_127, %add3A_130, %select_n3A_124 : vector<256x32xi1>, vector<256x32xi32>
    %eq3A_132 = arith.constant 3 : i32
    %eq3A_133 = vector.broadcast %eq3A_132 : i32 to vector<256x32xi32>
    %eq3A_134 = arith.cmpi eq, %select_n3A_109, %eq3A_133 : vector<256x32xi32>
    %slice3A_135 = vector.extract_strided_slice %scan3A_84#1 {offsets = [0, 3], sizes = [256, 1], strides = [1, 1]} : vector<256x32xi32> to vector<256x1xi32>
    %add3A_136 = vector.broadcast %slice3A_135 : vector<256x1xi32> to vector<256x32xi32>
    %add3A_137 = arith.addi %add3A_136, %broadcast_in_dim3A_111 : vector<256x32xi32>
    %select_n3A_138 = arith.select %eq3A_134, %add3A_137, %select_n3A_131 : vector<256x32xi1>, vector<256x32xi32>
    %eq3A_139 = arith.constant 4 : i32
    %eq3A_140 = vector.broadcast %eq3A_139 : i32 to vector<256x32xi32>
    %eq3A_141 = arith.cmpi eq, %select_n3A_109, %eq3A_140 : vector<256x32xi32>
    %slice3A_142 = vector.extract_strided_slice %scan3A_84#1 {offsets = [0, 4], sizes = [256, 1], strides = [1, 1]} : vector<256x32xi32> to vector<256x1xi32>
    %add3A_143 = vector.broadcast %slice3A_142 : vector<256x1xi32> to vector<256x32xi32>
    %add3A_144 = arith.addi %add3A_143, %broadcast_in_dim3A_111 : vector<256x32xi32>
    %select_n3A_145 = arith.select %eq3A_141, %add3A_144, %select_n3A_138 : vector<256x32xi1>, vector<256x32xi32>
    %eq3A_146 = arith.constant 5 : i32
    %eq3A_147 = vector.broadcast %eq3A_146 : i32 to vector<256x32xi32>
    %eq3A_148 = arith.cmpi eq, %select_n3A_109, %eq3A_147 : vector<256x32xi32>
    %slice3A_149 = vector.extract_strided_slice %scan3A_84#1 {offsets = [0, 5], sizes = [256, 1], strides = [1, 1]} : vector<256x32xi32> to vector<256x1xi32>
    %add3A_150 = vector.broadcast %slice3A_149 : vector<256x1xi32> to vector<256x32xi32>
    %add3A_151 = arith.addi %add3A_150, %broadcast_in_dim3A_111 : vector<256x32xi32>
    %select_n3A_152 = arith.select %eq3A_148, %add3A_151, %select_n3A_145 : vector<256x32xi1>, vector<256x32xi32>
    %eq3A_153 = arith.constant 6 : i32
    %eq3A_154 = vector.broadcast %eq3A_153 : i32 to vector<256x32xi32>
    %eq3A_155 = arith.cmpi eq, %select_n3A_109, %eq3A_154 : vector<256x32xi32>
    %slice3A_156 = vector.extract_strided_slice %scan3A_84#1 {offsets = [0, 6], sizes = [256, 1], strides = [1, 1]} : vector<256x32xi32> to vector<256x1xi32>
    %add3A_157 = vector.broadcast %slice3A_156 : vector<256x1xi32> to vector<256x32xi32>
    %add3A_158 = arith.addi %add3A_157, %broadcast_in_dim3A_111 : vector<256x32xi32>
    %select_n3A_159 = arith.select %eq3A_155, %add3A_158, %select_n3A_152 : vector<256x32xi1>, vector<256x32xi32>
    %eq3A_160 = arith.constant 7 : i32
    %eq3A_161 = vector.broadcast %eq3A_160 : i32 to vector<256x32xi32>
    %eq3A_162 = arith.cmpi eq, %select_n3A_109, %eq3A_161 : vector<256x32xi32>
    %slice3A_163 = vector.extract_strided_slice %scan3A_84#1 {offsets = [0, 7], sizes = [256, 1], strides = [1, 1]} : vector<256x32xi32> to vector<256x1xi32>
    %add3A_164 = vector.broadcast %slice3A_163 : vector<256x1xi32> to vector<256x32xi32>
    %add3A_165 = arith.addi %add3A_164, %broadcast_in_dim3A_111 : vector<256x32xi32>
    %select_n3A_166 = arith.select %eq3A_162, %add3A_165, %select_n3A_159 : vector<256x32xi1>, vector<256x32xi32>
    %eq3A_167 = arith.constant 8 : i32
    %eq3A_168 = vector.broadcast %eq3A_167 : i32 to vector<256x32xi32>
    %eq3A_169 = arith.cmpi eq, %select_n3A_109, %eq3A_168 : vector<256x32xi32>
    %slice3A_170 = vector.extract_strided_slice %scan3A_84#1 {offsets = [0, 8], sizes = [256, 1], strides = [1, 1]} : vector<256x32xi32> to vector<256x1xi32>
    %add3A_171 = vector.broadcast %slice3A_170 : vector<256x1xi32> to vector<256x32xi32>
    %add3A_172 = arith.addi %add3A_171, %broadcast_in_dim3A_111 : vector<256x32xi32>
    %select_n3A_173 = arith.select %eq3A_169, %add3A_172, %select_n3A_166 : vector<256x32xi1>, vector<256x32xi32>
    %eq3A_174 = arith.constant 9 : i32
    %eq3A_175 = vector.broadcast %eq3A_174 : i32 to vector<256x32xi32>
    %eq3A_176 = arith.cmpi eq, %select_n3A_109, %eq3A_175 : vector<256x32xi32>
    %slice3A_177 = vector.extract_strided_slice %scan3A_84#1 {offsets = [0, 9], sizes = [256, 1], strides = [1, 1]} : vector<256x32xi32> to vector<256x1xi32>
    %add3A_178 = vector.broadcast %slice3A_177 : vector<256x1xi32> to vector<256x32xi32>
    %add3A_179 = arith.addi %add3A_178, %broadcast_in_dim3A_111 : vector<256x32xi32>
    %select_n3A_180 = arith.select %eq3A_176, %add3A_179, %select_n3A_173 : vector<256x32xi1>, vector<256x32xi32>
    %eq3A_181 = arith.constant 10 : i32
    %eq3A_182 = vector.broadcast %eq3A_181 : i32 to vector<256x32xi32>
    %eq3A_183 = arith.cmpi eq, %select_n3A_109, %eq3A_182 : vector<256x32xi32>
    %slice3A_184 = vector.extract_strided_slice %scan3A_84#1 {offsets = [0, 10], sizes = [256, 1], strides = [1, 1]} : vector<256x32xi32> to vector<256x1xi32>
    %add3A_185 = vector.broadcast %slice3A_184 : vector<256x1xi32> to vector<256x32xi32>
    %add3A_186 = arith.addi %add3A_185, %broadcast_in_dim3A_111 : vector<256x32xi32>
    %select_n3A_187 = arith.select %eq3A_183, %add3A_186, %select_n3A_180 : vector<256x32xi1>, vector<256x32xi32>
    %eq3A_188 = arith.constant 11 : i32
    %eq3A_189 = vector.broadcast %eq3A_188 : i32 to vector<256x32xi32>
    %eq3A_190 = arith.cmpi eq, %select_n3A_109, %eq3A_189 : vector<256x32xi32>
    %slice3A_191 = vector.extract_strided_slice %scan3A_84#1 {offsets = [0, 11], sizes = [256, 1], strides = [1, 1]} : vector<256x32xi32> to vector<256x1xi32>
    %add3A_192 = vector.broadcast %slice3A_191 : vector<256x1xi32> to vector<256x32xi32>
    %add3A_193 = arith.addi %add3A_192, %broadcast_in_dim3A_111 : vector<256x32xi32>
    %select_n3A_194 = arith.select %eq3A_190, %add3A_193, %select_n3A_187 : vector<256x32xi1>, vector<256x32xi32>
    %eq3A_195 = arith.constant 12 : i32
    %eq3A_196 = vector.broadcast %eq3A_195 : i32 to vector<256x32xi32>
    %eq3A_197 = arith.cmpi eq, %select_n3A_109, %eq3A_196 : vector<256x32xi32>
    %slice3A_198 = vector.extract_strided_slice %scan3A_84#1 {offsets = [0, 12], sizes = [256, 1], strides = [1, 1]} : vector<256x32xi32> to vector<256x1xi32>
    %add3A_199 = vector.broadcast %slice3A_198 : vector<256x1xi32> to vector<256x32xi32>
    %add3A_200 = arith.addi %add3A_199, %broadcast_in_dim3A_111 : vector<256x32xi32>
    %select_n3A_201 = arith.select %eq3A_197, %add3A_200, %select_n3A_194 : vector<256x32xi1>, vector<256x32xi32>
    %eq3A_202 = arith.constant 13 : i32
    %eq3A_203 = vector.broadcast %eq3A_202 : i32 to vector<256x32xi32>
    %eq3A_204 = arith.cmpi eq, %select_n3A_109, %eq3A_203 : vector<256x32xi32>
    %slice3A_205 = vector.extract_strided_slice %scan3A_84#1 {offsets = [0, 13], sizes = [256, 1], strides = [1, 1]} : vector<256x32xi32> to vector<256x1xi32>
    %add3A_206 = vector.broadcast %slice3A_205 : vector<256x1xi32> to vector<256x32xi32>
    %add3A_207 = arith.addi %add3A_206, %broadcast_in_dim3A_111 : vector<256x32xi32>
    %select_n3A_208 = arith.select %eq3A_204, %add3A_207, %select_n3A_201 : vector<256x32xi1>, vector<256x32xi32>
    %eq3A_209 = arith.constant 14 : i32
    %eq3A_210 = vector.broadcast %eq3A_209 : i32 to vector<256x32xi32>
    %eq3A_211 = arith.cmpi eq, %select_n3A_109, %eq3A_210 : vector<256x32xi32>
    %slice3A_212 = vector.extract_strided_slice %scan3A_84#1 {offsets = [0, 14], sizes = [256, 1], strides = [1, 1]} : vector<256x32xi32> to vector<256x1xi32>
    %add3A_213 = vector.broadcast %slice3A_212 : vector<256x1xi32> to vector<256x32xi32>
    %add3A_214 = arith.addi %add3A_213, %broadcast_in_dim3A_111 : vector<256x32xi32>
    %select_n3A_215 = arith.select %eq3A_211, %add3A_214, %select_n3A_208 : vector<256x32xi1>, vector<256x32xi32>
    %eq3A_216 = arith.constant 15 : i32
    %eq3A_217 = vector.broadcast %eq3A_216 : i32 to vector<256x32xi32>
    %eq3A_218 = arith.cmpi eq, %select_n3A_109, %eq3A_217 : vector<256x32xi32>
    %slice3A_219 = vector.extract_strided_slice %scan3A_84#1 {offsets = [0, 15], sizes = [256, 1], strides = [1, 1]} : vector<256x32xi32> to vector<256x1xi32>
    %add3A_220 = vector.broadcast %slice3A_219 : vector<256x1xi32> to vector<256x32xi32>
    %add3A_221 = arith.addi %add3A_220, %broadcast_in_dim3A_111 : vector<256x32xi32>
    %select_n3A_222 = arith.select %eq3A_218, %add3A_221, %select_n3A_215 : vector<256x32xi1>, vector<256x32xi32>
    %eq3A_223 = arith.constant 16 : i32
    %eq3A_224 = vector.broadcast %eq3A_223 : i32 to vector<256x32xi32>
    %eq3A_225 = arith.cmpi eq, %select_n3A_109, %eq3A_224 : vector<256x32xi32>
    %slice3A_226 = vector.extract_strided_slice %scan3A_84#1 {offsets = [0, 16], sizes = [256, 1], strides = [1, 1]} : vector<256x32xi32> to vector<256x1xi32>
    %add3A_227 = vector.broadcast %slice3A_226 : vector<256x1xi32> to vector<256x32xi32>
    %add3A_228 = arith.addi %add3A_227, %broadcast_in_dim3A_111 : vector<256x32xi32>
    %select_n3A_229 = arith.select %eq3A_225, %add3A_228, %select_n3A_222 : vector<256x32xi1>, vector<256x32xi32>
    %eq3A_230 = arith.constant 17 : i32
    %eq3A_231 = vector.broadcast %eq3A_230 : i32 to vector<256x32xi32>
    %eq3A_232 = arith.cmpi eq, %select_n3A_109, %eq3A_231 : vector<256x32xi32>
    %slice3A_233 = vector.extract_strided_slice %scan3A_84#1 {offsets = [0, 17], sizes = [256, 1], strides = [1, 1]} : vector<256x32xi32> to vector<256x1xi32>
    %add3A_234 = vector.broadcast %slice3A_233 : vector<256x1xi32> to vector<256x32xi32>
    %add3A_235 = arith.addi %add3A_234, %broadcast_in_dim3A_111 : vector<256x32xi32>
    %select_n3A_236 = arith.select %eq3A_232, %add3A_235, %select_n3A_229 : vector<256x32xi1>, vector<256x32xi32>
    %eq3A_237 = arith.constant 18 : i32
    %eq3A_238 = vector.broadcast %eq3A_237 : i32 to vector<256x32xi32>
    %eq3A_239 = arith.cmpi eq, %select_n3A_109, %eq3A_238 : vector<256x32xi32>
    %slice3A_240 = vector.extract_strided_slice %scan3A_84#1 {offsets = [0, 18], sizes = [256, 1], strides = [1, 1]} : vector<256x32xi32> to vector<256x1xi32>
    %add3A_241 = vector.broadcast %slice3A_240 : vector<256x1xi32> to vector<256x32xi32>
    %add3A_242 = arith.addi %add3A_241, %broadcast_in_dim3A_111 : vector<256x32xi32>
    %select_n3A_243 = arith.select %eq3A_239, %add3A_242, %select_n3A_236 : vector<256x32xi1>, vector<256x32xi32>
    %eq3A_244 = arith.constant 19 : i32
    %eq3A_245 = vector.broadcast %eq3A_244 : i32 to vector<256x32xi32>
    %eq3A_246 = arith.cmpi eq, %select_n3A_109, %eq3A_245 : vector<256x32xi32>
    %slice3A_247 = vector.extract_strided_slice %scan3A_84#1 {offsets = [0, 19], sizes = [256, 1], strides = [1, 1]} : vector<256x32xi32> to vector<256x1xi32>
    %add3A_248 = vector.broadcast %slice3A_247 : vector<256x1xi32> to vector<256x32xi32>
    %add3A_249 = arith.addi %add3A_248, %broadcast_in_dim3A_111 : vector<256x32xi32>
    %select_n3A_250 = arith.select %eq3A_246, %add3A_249, %select_n3A_243 : vector<256x32xi1>, vector<256x32xi32>
    %eq3A_251 = arith.constant 20 : i32
    %eq3A_252 = vector.broadcast %eq3A_251 : i32 to vector<256x32xi32>
    %eq3A_253 = arith.cmpi eq, %select_n3A_109, %eq3A_252 : vector<256x32xi32>
    %slice3A_254 = vector.extract_strided_slice %scan3A_84#1 {offsets = [0, 20], sizes = [256, 1], strides = [1, 1]} : vector<256x32xi32> to vector<256x1xi32>
    %add3A_255 = vector.broadcast %slice3A_254 : vector<256x1xi32> to vector<256x32xi32>
    %add3A_256 = arith.addi %add3A_255, %broadcast_in_dim3A_111 : vector<256x32xi32>
    %select_n3A_257 = arith.select %eq3A_253, %add3A_256, %select_n3A_250 : vector<256x32xi1>, vector<256x32xi32>
    %eq3A_258 = arith.constant 21 : i32
    %eq3A_259 = vector.broadcast %eq3A_258 : i32 to vector<256x32xi32>
    %eq3A_260 = arith.cmpi eq, %select_n3A_109, %eq3A_259 : vector<256x32xi32>
    %slice3A_261 = vector.extract_strided_slice %scan3A_84#1 {offsets = [0, 21], sizes = [256, 1], strides = [1, 1]} : vector<256x32xi32> to vector<256x1xi32>
    %add3A_262 = vector.broadcast %slice3A_261 : vector<256x1xi32> to vector<256x32xi32>
    %add3A_263 = arith.addi %add3A_262, %broadcast_in_dim3A_111 : vector<256x32xi32>
    %select_n3A_264 = arith.select %eq3A_260, %add3A_263, %select_n3A_257 : vector<256x32xi1>, vector<256x32xi32>
    %eq3A_265 = arith.constant 22 : i32
    %eq3A_266 = vector.broadcast %eq3A_265 : i32 to vector<256x32xi32>
    %eq3A_267 = arith.cmpi eq, %select_n3A_109, %eq3A_266 : vector<256x32xi32>
    %slice3A_268 = vector.extract_strided_slice %scan3A_84#1 {offsets = [0, 22], sizes = [256, 1], strides = [1, 1]} : vector<256x32xi32> to vector<256x1xi32>
    %add3A_269 = vector.broadcast %slice3A_268 : vector<256x1xi32> to vector<256x32xi32>
    %add3A_270 = arith.addi %add3A_269, %broadcast_in_dim3A_111 : vector<256x32xi32>
    %select_n3A_271 = arith.select %eq3A_267, %add3A_270, %select_n3A_264 : vector<256x32xi1>, vector<256x32xi32>
    %eq3A_272 = arith.constant 23 : i32
    %eq3A_273 = vector.broadcast %eq3A_272 : i32 to vector<256x32xi32>
    %eq3A_274 = arith.cmpi eq, %select_n3A_109, %eq3A_273 : vector<256x32xi32>
    %slice3A_275 = vector.extract_strided_slice %scan3A_84#1 {offsets = [0, 23], sizes = [256, 1], strides = [1, 1]} : vector<256x32xi32> to vector<256x1xi32>
    %add3A_276 = vector.broadcast %slice3A_275 : vector<256x1xi32> to vector<256x32xi32>
    %add3A_277 = arith.addi %add3A_276, %broadcast_in_dim3A_111 : vector<256x32xi32>
    %select_n3A_278 = arith.select %eq3A_274, %add3A_277, %select_n3A_271 : vector<256x32xi1>, vector<256x32xi32>
    %eq3A_279 = arith.constant 24 : i32
    %eq3A_280 = vector.broadcast %eq3A_279 : i32 to vector<256x32xi32>
    %eq3A_281 = arith.cmpi eq, %select_n3A_109, %eq3A_280 : vector<256x32xi32>
    %slice3A_282 = vector.extract_strided_slice %scan3A_84#1 {offsets = [0, 24], sizes = [256, 1], strides = [1, 1]} : vector<256x32xi32> to vector<256x1xi32>
    %add3A_283 = vector.broadcast %slice3A_282 : vector<256x1xi32> to vector<256x32xi32>
    %add3A_284 = arith.addi %add3A_283, %broadcast_in_dim3A_111 : vector<256x32xi32>
    %select_n3A_285 = arith.select %eq3A_281, %add3A_284, %select_n3A_278 : vector<256x32xi1>, vector<256x32xi32>
    %eq3A_286 = arith.constant 25 : i32
    %eq3A_287 = vector.broadcast %eq3A_286 : i32 to vector<256x32xi32>
    %eq3A_288 = arith.cmpi eq, %select_n3A_109, %eq3A_287 : vector<256x32xi32>
    %slice3A_289 = vector.extract_strided_slice %scan3A_84#1 {offsets = [0, 25], sizes = [256, 1], strides = [1, 1]} : vector<256x32xi32> to vector<256x1xi32>
    %add3A_290 = vector.broadcast %slice3A_289 : vector<256x1xi32> to vector<256x32xi32>
    %add3A_291 = arith.addi %add3A_290, %broadcast_in_dim3A_111 : vector<256x32xi32>
    %select_n3A_292 = arith.select %eq3A_288, %add3A_291, %select_n3A_285 : vector<256x32xi1>, vector<256x32xi32>
    %eq3A_293 = arith.constant 26 : i32
    %eq3A_294 = vector.broadcast %eq3A_293 : i32 to vector<256x32xi32>
    %eq3A_295 = arith.cmpi eq, %select_n3A_109, %eq3A_294 : vector<256x32xi32>
    %slice3A_296 = vector.extract_strided_slice %scan3A_84#1 {offsets = [0, 26], sizes = [256, 1], strides = [1, 1]} : vector<256x32xi32> to vector<256x1xi32>
    %add3A_297 = vector.broadcast %slice3A_296 : vector<256x1xi32> to vector<256x32xi32>
    %add3A_298 = arith.addi %add3A_297, %broadcast_in_dim3A_111 : vector<256x32xi32>
    %select_n3A_299 = arith.select %eq3A_295, %add3A_298, %select_n3A_292 : vector<256x32xi1>, vector<256x32xi32>
    %eq3A_300 = arith.constant 27 : i32
    %eq3A_301 = vector.broadcast %eq3A_300 : i32 to vector<256x32xi32>
    %eq3A_302 = arith.cmpi eq, %select_n3A_109, %eq3A_301 : vector<256x32xi32>
    %slice3A_303 = vector.extract_strided_slice %scan3A_84#1 {offsets = [0, 27], sizes = [256, 1], strides = [1, 1]} : vector<256x32xi32> to vector<256x1xi32>
    %add3A_304 = vector.broadcast %slice3A_303 : vector<256x1xi32> to vector<256x32xi32>
    %add3A_305 = arith.addi %add3A_304, %broadcast_in_dim3A_111 : vector<256x32xi32>
    %select_n3A_306 = arith.select %eq3A_302, %add3A_305, %select_n3A_299 : vector<256x32xi1>, vector<256x32xi32>
    %eq3A_307 = arith.constant 28 : i32
    %eq3A_308 = vector.broadcast %eq3A_307 : i32 to vector<256x32xi32>
    %eq3A_309 = arith.cmpi eq, %select_n3A_109, %eq3A_308 : vector<256x32xi32>
    %slice3A_310 = vector.extract_strided_slice %scan3A_84#1 {offsets = [0, 28], sizes = [256, 1], strides = [1, 1]} : vector<256x32xi32> to vector<256x1xi32>
    %add3A_311 = vector.broadcast %slice3A_310 : vector<256x1xi32> to vector<256x32xi32>
    %add3A_312 = arith.addi %add3A_311, %broadcast_in_dim3A_111 : vector<256x32xi32>
    %select_n3A_313 = arith.select %eq3A_309, %add3A_312, %select_n3A_306 : vector<256x32xi1>, vector<256x32xi32>
    %eq3A_314 = arith.constant 29 : i32
    %eq3A_315 = vector.broadcast %eq3A_314 : i32 to vector<256x32xi32>
    %eq3A_316 = arith.cmpi eq, %select_n3A_109, %eq3A_315 : vector<256x32xi32>
    %slice3A_317 = vector.extract_strided_slice %scan3A_84#1 {offsets = [0, 29], sizes = [256, 1], strides = [1, 1]} : vector<256x32xi32> to vector<256x1xi32>
    %add3A_318 = vector.broadcast %slice3A_317 : vector<256x1xi32> to vector<256x32xi32>
    %add3A_319 = arith.addi %add3A_318, %broadcast_in_dim3A_111 : vector<256x32xi32>
    %select_n3A_320 = arith.select %eq3A_316, %add3A_319, %select_n3A_313 : vector<256x32xi1>, vector<256x32xi32>
    %eq3A_321 = arith.constant 30 : i32
    %eq3A_322 = vector.broadcast %eq3A_321 : i32 to vector<256x32xi32>
    %eq3A_323 = arith.cmpi eq, %select_n3A_109, %eq3A_322 : vector<256x32xi32>
    %slice3A_324 = vector.extract_strided_slice %scan3A_84#1 {offsets = [0, 30], sizes = [256, 1], strides = [1, 1]} : vector<256x32xi32> to vector<256x1xi32>
    %add3A_325 = vector.broadcast %slice3A_324 : vector<256x1xi32> to vector<256x32xi32>
    %add3A_326 = arith.addi %add3A_325, %broadcast_in_dim3A_111 : vector<256x32xi32>
    %select_n3A_327 = arith.select %eq3A_323, %add3A_326, %select_n3A_320 : vector<256x32xi1>, vector<256x32xi32>
    %eq3A_328 = arith.constant 31 : i32
    %eq3A_329 = vector.broadcast %eq3A_328 : i32 to vector<256x32xi32>
    %eq3A_330 = arith.cmpi eq, %select_n3A_109, %eq3A_329 : vector<256x32xi32>
    %slice3A_331 = vector.extract_strided_slice %scan3A_84#1 {offsets = [0, 31], sizes = [256, 1], strides = [1, 1]} : vector<256x32xi32> to vector<256x1xi32>
    %add3A_332 = vector.broadcast %slice3A_331 : vector<256x1xi32> to vector<256x32xi32>
    %add3A_333 = arith.addi %add3A_332, %broadcast_in_dim3A_111 : vector<256x32xi32>
    %select_n3A_334 = arith.select %eq3A_330, %add3A_333, %select_n3A_327 : vector<256x32xi1>, vector<256x32xi32>
    %eq3A_335 = arith.constant 0 : i32
    %eq3A_336 = vector.broadcast %eq3A_335 : i32 to vector<256x1xi32>
    %eq3A_337 = arith.cmpi eq, %broadcast_in_dim3A_49, %eq3A_336 : vector<256x1xi32>
    %add3A_338 = vector.broadcast %and3A_45 : vector<256x1xi32> to vector<256x32xi32>
    %add3A_339 = arith.addi %add3A_338, %broadcast_in_dim3A_111 : vector<256x32xi32>
    %broadcast_in_dim3A_340 = vector.shape_cast %eq3A_337 : vector<256x1xi1> to vector<256x1xi1>
    %broadcast_in_dim3A_341 = vector.broadcast %broadcast_in_dim3A_340 : vector<256x1xi1> to vector<256x32xi1>
    %select_n3A_342 = arith.select %broadcast_in_dim3A_341, %add3A_339, %select_n3A_334 : vector<256x32xi1>, vector<256x32xi32>
    %mul3A_343 = arith.constant 4096 : i32
    %mul3A_344 = arith.muli %arg0, %mul3A_343 : i32
    %add3A_345 = vector.broadcast %mul3A_344 : i32 to vector<256x32xi32>
    %add3A_346 = arith.addi %select_n3A_342, %add3A_345 : vector<256x32xi32>
    %swap3A = arith.constant 0 : index
    %swap3A_347 = arith.constant 0 : index
    %swap3A_348 = arith.constant 0 : index
    %swap3A_349 = arith.constant 0 : index
    %swap3A_350 = vector.load %arg3[%swap3A, %swap3A_347, %swap3A_348, %swap3A_349] : memref<1x1x256x32xi32, #tpu.memory_space<vmem>>, vector<1x1x256x32xi32>
    %swap3A_351 = vector.shape_cast %swap3A_350 : vector<1x1x256x32xi32> to vector<256x32xi32>
    %swap3A_352 = vector.shape_cast %add3A_346 : vector<256x32xi32> to vector<1x1x256x32xi32>
    tpu.vector_store %arg3[%swap3A, %swap3A_347, %swap3A_348, %swap3A_349], %swap3A_352 {strides = array<i32>} : memref<1x1x256x32xi32, #tpu.memory_space<vmem>>, vector<1x1x256x32xi32>,
    return
  }
  func.func @transform_0(%arg0: i32) -> (i32, i32, i32) {
    %c0_i32 = arith.constant 0 : i32
    %c0_i32_0 = arith.constant 0 : i32
    %c0_i32_1 = arith.constant 0 : i32
    return %arg0, %c0_i32, %c0_i32_0 : i32, i32, i32
  }
  func.func @transform_1(%arg0: i32) -> (i32, i32, i32) {
    %c1_i32 = arith.constant 1 : i32
    %c0_i32 = arith.constant 0 : i32
    %c0_i32_0 = arith.constant 0 : i32
    return %arg0, %c1_i32, %c0_i32 : i32, i32, i32
  }
  func.func @transform_2(%arg0: i32) -> (i32, i32, i32, i32) {
    %c0_i32 = arith.constant 0 : i32
    %c0_i32_0 = arith.constant 0 : i32
    %c0_i32_1 = arith.constant 0 : i32
    %c0_i32_2 = arith.constant 0 : i32
    return %arg0, %c0_i32, %c0_i32_0, %c0_i32_1 : i32, i32, i32, i32
  }
}

module attributes {stable_mosaic.version = 14 : i64} {
  func.func @_stats0_body(%arg0: i32, %arg1: memref<64x32x128xf32, #tpu.memory_space<vmem>>, %arg2: memref<64x128xf32, #tpu.memory_space<vmem>>, %arg3: memref<2x64xf32, #tpu.memory_space<vmem>>) attributes {dimension_semantics = [#tpu.dimension_semantics<arbitrary>], iteration_bounds = array<i64: 32>, scalar_prefetch = 0 : i64, scratch_operands = 0 : i64, tpu.core_type = #tpu.core_type<tc>, window_params = [{transform_indices = @transform_0, window_bounds = array<i64: 64, 32, 128>}, {transform_indices = @transform_1, window_bounds = array<i64: 64, 128>}, {pipeline_mode = #tpu.pipeline_mode<synchronous>, transform_indices = @transform_2, window_bounds = array<i64: 2, 64>}]} {
    %get3A = arith.constant 0 : index
    %get3A_0 = arith.constant 0 : index
    %get3A_1 = arith.constant 0 : index
    %get3A_2 = vector.load %arg1[%get3A, %get3A_0, %get3A_1] : memref<64x32x128xf32, #tpu.memory_space<vmem>>, vector<64x32x64xf32>
    %get3A_3 = arith.constant 0 : index
    %get3A_4 = arith.constant 0 : index
    %get3A_5 = vector.load %arg2[%get3A_3, %get3A_4] : memref<64x128xf32, #tpu.memory_space<vmem>>, vector<64x64xf32>
    %broadcast_in_dim3A = vector.shape_cast %get3A_5 : vector<64x64xf32> to vector<64x1x64xf32>
    %sub3A = vector.broadcast %broadcast_in_dim3A : vector<64x1x64xf32> to vector<64x32x64xf32>
    %sub3A_6 = arith.subf %get3A_2, %sub3A : vector<64x32x64xf32>
    %reduce_sum3A = arith.constant dense<0.000000e+00> : vector<64xf32>
    %reduce_sum3A_7 = vector.multi_reduction <add>, %sub3A_6, %reduce_sum3A [0, 1] : vector<64x32x64xf32> to vector<64xf32>
    %mul3A = arith.mulf %sub3A_6, %sub3A_6 : vector<64x32x64xf32>
    %reduce_sum3A_8 = arith.constant dense<0.000000e+00> : vector<64xf32>
    %reduce_sum3A_9 = vector.multi_reduction <add>, %mul3A, %reduce_sum3A_8 [0, 1] : vector<64x32x64xf32> to vector<64xf32>
    %stack3A = vector.shape_cast %reduce_sum3A_7 : vector<64xf32> to vector<1x64xf32>
    %stack3A_10 = vector.shape_cast %reduce_sum3A_9 : vector<64xf32> to vector<1x64xf32>
    %stack3A_11 = tpu.concatenate %stack3A, %stack3A_10 in 0 : vector<1x64xf32>, vector<1x64xf32> -> vector<2x64xf32>
    %eq3A = arith.constant 0 : i32
    %eq3A_12 = arith.cmpi eq, %arg0, %eq3A : i32
    %convert_element_type3A = arith.extui %eq3A_12 : i1 to i32
    %cond3A = arith.constant 0 : i32
    %cond3A_13 = arith.cmpi ne, %convert_element_type3A, %cond3A : i32
    scf.if %cond3A_13 {
      %broadcast_in_dim3A_19 = arith.constant 0.000000e+00 : f32
      %broadcast_in_dim3A_20 = vector.broadcast %broadcast_in_dim3A_19 : f32 to vector<2x64xf32>
      %swap3A_21 = arith.constant 0 : index
      %swap3A_22 = arith.constant 0 : index
      %swap3A_23 = vector.load %arg3[%swap3A_21, %swap3A_22] : memref<2x64xf32, #tpu.memory_space<vmem>>, vector<2x64xf32>
      tpu.vector_store %arg3[%swap3A_21, %swap3A_22], %broadcast_in_dim3A_20 {strides = array<i32>} : memref<2x64xf32, #tpu.memory_space<vmem>>, vector<2x64xf32>,
    } else {
    }
    %get3A_14 = arith.constant 0 : index
    %get3A_15 = arith.constant 0 : index
    %get3A_16 = vector.load %arg3[%get3A_14, %get3A_15] : memref<2x64xf32, #tpu.memory_space<vmem>>, vector<2x64xf32>
    %add3A = arith.addf %get3A_16, %stack3A_11 : vector<2x64xf32>
    %swap3A = arith.constant 0 : index
    %swap3A_17 = arith.constant 0 : index
    %swap3A_18 = vector.load %arg3[%swap3A, %swap3A_17] : memref<2x64xf32, #tpu.memory_space<vmem>>, vector<2x64xf32>
    tpu.vector_store %arg3[%swap3A, %swap3A_17], %add3A {strides = array<i32>} : memref<2x64xf32, #tpu.memory_space<vmem>>, vector<2x64xf32>,
    return
  }
  func.func @transform_0(%arg0: i32) -> (i32, i32, i32) {
    %c0_i32 = arith.constant 0 : i32
    %c0_i32_0 = arith.constant 0 : i32
    %c0_i32_1 = arith.constant 0 : i32
    return %arg0, %c0_i32, %c0_i32_0 : i32, i32, i32
  }
  func.func @transform_1(%arg0: i32) -> (i32, i32) {
    %c0_i32 = arith.constant 0 : i32
    %c0_i32_0 = arith.constant 0 : i32
    return %arg0, %c0_i32 : i32, i32
  }
  func.func @transform_2(%arg0: i32) -> (i32, i32) {
    %c0_i32 = arith.constant 0 : i32
    %c0_i32_0 = arith.constant 0 : i32
    %c0_i32_1 = arith.constant 0 : i32
    return %c0_i32, %c0_i32_0 : i32, i32
  }
}

module attributes {stable_mosaic.version = 14 : i64} {
  func.func @_layer_body(%arg0: i32, %arg1: memref<64x32x128xf32, #tpu.memory_space<vmem>>, %arg2: memref<64x128xf32, #tpu.memory_space<vmem>>, %arg3: memref<2x64xf32, #tpu.memory_space<vmem>>, %arg4: memref<64x64xf32, #tpu.memory_space<vmem>>, %arg5: memref<1x64xf32, #tpu.memory_space<vmem>>, %arg6: memref<1x64xf32, #tpu.memory_space<vmem>>, %arg7: memref<64x32x64xf32, #tpu.memory_space<vmem>>, %arg8: memref<2x64xf32, #tpu.memory_space<vmem>>) attributes {dimension_semantics = [#tpu.dimension_semantics<arbitrary>], iteration_bounds = array<i64: 32>, scalar_prefetch = 0 : i64, scratch_operands = 0 : i64, tpu.core_type = #tpu.core_type<tc>, window_params = [{transform_indices = @transform_0, window_bounds = array<i64: 64, 32, 128>}, {transform_indices = @transform_1, window_bounds = array<i64: 64, 128>}, {pipeline_mode = #tpu.pipeline_mode<synchronous>, transform_indices = @transform_2, window_bounds = array<i64: 2, 64>}, {pipeline_mode = #tpu.pipeline_mode<synchronous>, transform_indices = @transform_3, window_bounds = array<i64: 64, 64>}, {pipeline_mode = #tpu.pipeline_mode<synchronous>, transform_indices = @transform_4, window_bounds = array<i64: 1, 64>}, {pipeline_mode = #tpu.pipeline_mode<synchronous>, transform_indices = @transform_5, window_bounds = array<i64: 1, 64>}, {transform_indices = @transform_6, window_bounds = array<i64: 64, 32, 64>}, {pipeline_mode = #tpu.pipeline_mode<synchronous>, transform_indices = @transform_7, window_bounds = array<i64: 2, 64>}]} {
    %get3A = arith.constant 0 : index
    %get3A_0 = arith.constant 0 : index
    %get3A_1 = vector.load %arg3[%get3A, %get3A_0] : memref<2x64xf32, #tpu.memory_space<vmem>>, vector<2x64xf32>
    %get3A_2 = arith.constant 0 : index
    %get3A_3 = arith.constant 0 : index
    %get3A_4 = vector.load %arg5[%get3A_2, %get3A_3] : memref<1x64xf32, #tpu.memory_space<vmem>>, vector<1x64xf32>
    %get3A_5 = vector.shape_cast %get3A_4 : vector<1x64xf32> to vector<64xf32>
    %get3A_6 = arith.constant 0 : index
    %get3A_7 = arith.constant 0 : index
    %get3A_8 = vector.load %arg6[%get3A_6, %get3A_7] : memref<1x64xf32, #tpu.memory_space<vmem>>, vector<1x64xf32>
    %get3A_9 = vector.shape_cast %get3A_8 : vector<1x64xf32> to vector<64xf32>
    %slice3A = vector.extract_strided_slice %get3A_1 {offsets = [0, 0], sizes = [1, 64], strides = [1, 1]} : vector<2x64xf32> to vector<1x64xf32>
    %squeeze3A = vector.shape_cast %slice3A : vector<1x64xf32> to vector<64xf32>
    %div3A = arith.constant 1.310720e+05 : f32
    %div3A_10 = vector.broadcast %div3A : f32 to vector<64xf32>
    %div3A_11 = arith.divf %squeeze3A, %div3A_10 : vector<64xf32>
    %slice3A_12 = vector.extract_strided_slice %get3A_1 {offsets = [1, 0], sizes = [1, 64], strides = [1, 1]} : vector<2x64xf32> to vector<1x64xf32>
    %squeeze3A_13 = vector.shape_cast %slice3A_12 : vector<1x64xf32> to vector<64xf32>
    %div3A_14 = arith.constant 1.310720e+05 : f32
    %div3A_15 = vector.broadcast %div3A_14 : f32 to vector<64xf32>
    %div3A_16 = arith.divf %squeeze3A_13, %div3A_15 : vector<64xf32>
    %mul3A = arith.mulf %div3A_11, %div3A_11 : vector<64xf32>
    %sub3A = arith.subf %div3A_16, %mul3A : vector<64xf32>
    %add3A = arith.constant 9.99999974E-6 : f32
    %add3A_17 = vector.broadcast %add3A : f32 to vector<64xf32>
    %add3A_18 = arith.addf %sub3A, %add3A_17 : vector<64xf32>
    %sqrt3A = math.sqrt %add3A_18 : vector<64xf32>
    %div3A_19 = arith.divf %get3A_5, %sqrt3A : vector<64xf32>
    %mul3A_20 = arith.mulf %div3A_11, %div3A_19 : vector<64xf32>
    %sub3A_21 = arith.subf %get3A_9, %mul3A_20 : vector<64xf32>
    %get3A_22 = arith.constant 0 : index
    %get3A_23 = arith.constant 0 : index
    %get3A_24 = arith.constant 0 : index
    %get3A_25 = vector.load %arg1[%get3A_22, %get3A_23, %get3A_24] : memref<64x32x128xf32, #tpu.memory_space<vmem>>, vector<64x32x64xf32>
    %get3A_26 = arith.constant 0 : index
    %get3A_27 = arith.constant 0 : index
    %get3A_28 = vector.load %arg2[%get3A_26, %get3A_27] : memref<64x128xf32, #tpu.memory_space<vmem>>, vector<64x64xf32>
    %broadcast_in_dim3A = vector.shape_cast %get3A_28 : vector<64x64xf32> to vector<64x1x64xf32>
    %sub3A_29 = vector.broadcast %broadcast_in_dim3A : vector<64x1x64xf32> to vector<64x32x64xf32>
    %sub3A_30 = arith.subf %get3A_25, %sub3A_29 : vector<64x32x64xf32>
    %broadcast_in_dim3A_31 = vector.shape_cast %div3A_19 : vector<64xf32> to vector<1x1x64xf32>
    %mul3A_32 = vector.broadcast %broadcast_in_dim3A_31 : vector<1x1x64xf32> to vector<64x32x64xf32>
    %mul3A_33 = arith.mulf %sub3A_30, %mul3A_32 : vector<64x32x64xf32>
    %broadcast_in_dim3A_34 = vector.shape_cast %sub3A_21 : vector<64xf32> to vector<1x1x64xf32>
    %add3A_35 = vector.broadcast %broadcast_in_dim3A_34 : vector<1x1x64xf32> to vector<64x32x64xf32>
    %add3A_36 = arith.addf %mul3A_33, %add3A_35 : vector<64x32x64xf32>
    %max3A = arith.constant 0.000000e+00 : f32
    %max3A_37 = vector.broadcast %max3A : f32 to vector<64x32x64xf32>
    %max3A_38 = arith.maximumf %add3A_36, %max3A_37 : vector<64x32x64xf32>
    %reshape3A = vector.shape_cast %max3A_38 : vector<64x32x64xf32> to vector<2048x64xf32>
    %get3A_39 = arith.constant 0 : index
    %get3A_40 = arith.constant 0 : index
    %get3A_41 = vector.load %arg4[%get3A_39, %get3A_40] : memref<64x64xf32, #tpu.memory_space<vmem>>, vector<64x64xf32>
    %dot_general3A = arith.constant dense<0.000000e+00> : vector<2048x64xf32>
    %dot_general3A_42 = tpu.matmul %reshape3A, %get3A_41, %dot_general3A {dimension_numbers = #tpu.dot_dimension_numbers<[1], [1], [0], [0], [0, 0, 1, 0], [], []>, transpose_lhs_hint = false} : vector<2048x64xf32>, vector<64x64xf32>, vector<2048x64xf32> -> vector<2048x64xf32>
    %reshape3A_43 = vector.shape_cast %dot_general3A_42 : vector<2048x64xf32> to vector<64x32x64xf32>
    %swap3A = arith.constant 0 : index
    %swap3A_44 = arith.constant 0 : index
    %swap3A_45 = arith.constant 0 : index
    %swap3A_46 = vector.load %arg7[%swap3A, %swap3A_44, %swap3A_45] : memref<64x32x64xf32, #tpu.memory_space<vmem>>, vector<64x32x64xf32>
    tpu.vector_store %arg7[%swap3A, %swap3A_44, %swap3A_45], %reshape3A_43 {strides = array<i32>} : memref<64x32x64xf32, #tpu.memory_space<vmem>>, vector<64x32x64xf32>,
    %reduce_sum3A = arith.constant dense<0.000000e+00> : vector<64xf32>
    %reduce_sum3A_47 = vector.multi_reduction <add>, %dot_general3A_42, %reduce_sum3A [0] : vector<2048x64xf32> to vector<64xf32>
    %mul3A_48 = arith.mulf %dot_general3A_42, %dot_general3A_42 : vector<2048x64xf32>
    %reduce_sum3A_49 = arith.constant dense<0.000000e+00> : vector<64xf32>
    %reduce_sum3A_50 = vector.multi_reduction <add>, %mul3A_48, %reduce_sum3A_49 [0] : vector<2048x64xf32> to vector<64xf32>
    %stack3A = vector.shape_cast %reduce_sum3A_47 : vector<64xf32> to vector<1x64xf32>
    %stack3A_51 = vector.shape_cast %reduce_sum3A_50 : vector<64xf32> to vector<1x64xf32>
    %stack3A_52 = tpu.concatenate %stack3A, %stack3A_51 in 0 : vector<1x64xf32>, vector<1x64xf32> -> vector<2x64xf32>
    %eq3A = arith.constant 0 : i32
    %eq3A_53 = arith.cmpi eq, %arg0, %eq3A : i32
    %convert_element_type3A = arith.extui %eq3A_53 : i1 to i32
    %cond3A = arith.constant 0 : i32
    %cond3A_54 = arith.cmpi ne, %convert_element_type3A, %cond3A : i32
    scf.if %cond3A_54 {
      %broadcast_in_dim3A_62 = arith.constant 0.000000e+00 : f32
      %broadcast_in_dim3A_63 = vector.broadcast %broadcast_in_dim3A_62 : f32 to vector<2x64xf32>
      %swap3A_64 = arith.constant 0 : index
      %swap3A_65 = arith.constant 0 : index
      %swap3A_66 = vector.load %arg8[%swap3A_64, %swap3A_65] : memref<2x64xf32, #tpu.memory_space<vmem>>, vector<2x64xf32>
      tpu.vector_store %arg8[%swap3A_64, %swap3A_65], %broadcast_in_dim3A_63 {strides = array<i32>} : memref<2x64xf32, #tpu.memory_space<vmem>>, vector<2x64xf32>,
    } else {
    }
    %get3A_55 = arith.constant 0 : index
    %get3A_56 = arith.constant 0 : index
    %get3A_57 = vector.load %arg8[%get3A_55, %get3A_56] : memref<2x64xf32, #tpu.memory_space<vmem>>, vector<2x64xf32>
    %add3A_58 = arith.addf %get3A_57, %stack3A_52 : vector<2x64xf32>
    %swap3A_59 = arith.constant 0 : index
    %swap3A_60 = arith.constant 0 : index
    %swap3A_61 = vector.load %arg8[%swap3A_59, %swap3A_60] : memref<2x64xf32, #tpu.memory_space<vmem>>, vector<2x64xf32>
    tpu.vector_store %arg8[%swap3A_59, %swap3A_60], %add3A_58 {strides = array<i32>} : memref<2x64xf32, #tpu.memory_space<vmem>>, vector<2x64xf32>,
    return
  }
  func.func @transform_0(%arg0: i32) -> (i32, i32, i32) {
    %c0_i32 = arith.constant 0 : i32
    %c0_i32_0 = arith.constant 0 : i32
    %c0_i32_1 = arith.constant 0 : i32
    return %arg0, %c0_i32, %c0_i32_0 : i32, i32, i32
  }
  func.func @transform_1(%arg0: i32) -> (i32, i32) {
    %c0_i32 = arith.constant 0 : i32
    %c0_i32_0 = arith.constant 0 : i32
    return %arg0, %c0_i32 : i32, i32
  }
  func.func @transform_2(%arg0: i32) -> (i32, i32) {
    %c0_i32 = arith.constant 0 : i32
    %c0_i32_0 = arith.constant 0 : i32
    %c0_i32_1 = arith.constant 0 : i32
    return %c0_i32, %c0_i32_0 : i32, i32
  }
  func.func @transform_3(%arg0: i32) -> (i32, i32) {
    %c0_i32 = arith.constant 0 : i32
    %c0_i32_0 = arith.constant 0 : i32
    %c0_i32_1 = arith.constant 0 : i32
    return %c0_i32, %c0_i32_0 : i32, i32
  }
  func.func @transform_4(%arg0: i32) -> (i32, i32) {
    %c0_i32 = arith.constant 0 : i32
    %c0_i32_0 = arith.constant 0 : i32
    %c0_i32_1 = arith.constant 0 : i32
    return %c0_i32, %c0_i32_0 : i32, i32
  }
  func.func @transform_5(%arg0: i32) -> (i32, i32) {
    %c0_i32 = arith.constant 0 : i32
    %c0_i32_0 = arith.constant 0 : i32
    %c0_i32_1 = arith.constant 0 : i32
    return %c0_i32, %c0_i32_0 : i32, i32
  }
  func.func @transform_6(%arg0: i32) -> (i32, i32, i32) {
    %c0_i32 = arith.constant 0 : i32
    %c0_i32_0 = arith.constant 0 : i32
    %c0_i32_1 = arith.constant 0 : i32
    return %arg0, %c0_i32, %c0_i32_0 : i32, i32, i32
  }
  func.func @transform_7(%arg0: i32) -> (i32, i32) {
    %c0_i32 = arith.constant 0 : i32
    %c0_i32_0 = arith.constant 0 : i32
    %c0_i32_1 = arith.constant 0 : i32
    return %c0_i32, %c0_i32_0 : i32, i32
  }
}

module attributes {stable_mosaic.version = 14 : i64} {
  func.func @_layer_body(%arg0: i32, %arg1: memref<64x32x64xf32, #tpu.memory_space<vmem>>, %arg2: memref<64x128xf32, #tpu.memory_space<vmem>>, %arg3: memref<2x64xf32, #tpu.memory_space<vmem>>, %arg4: memref<128x64xf32, #tpu.memory_space<vmem>>, %arg5: memref<1x64xf32, #tpu.memory_space<vmem>>, %arg6: memref<1x64xf32, #tpu.memory_space<vmem>>, %arg7: memref<64x32x128xf32, #tpu.memory_space<vmem>>, %arg8: memref<2x128xf32, #tpu.memory_space<vmem>>) attributes {dimension_semantics = [#tpu.dimension_semantics<arbitrary>], iteration_bounds = array<i64: 32>, scalar_prefetch = 0 : i64, scratch_operands = 0 : i64, tpu.core_type = #tpu.core_type<tc>, window_params = [{transform_indices = @transform_0, window_bounds = array<i64: 64, 32, 64>}, {transform_indices = @transform_1, window_bounds = array<i64: 64, 128>}, {pipeline_mode = #tpu.pipeline_mode<synchronous>, transform_indices = @transform_2, window_bounds = array<i64: 2, 64>}, {pipeline_mode = #tpu.pipeline_mode<synchronous>, transform_indices = @transform_3, window_bounds = array<i64: 128, 64>}, {pipeline_mode = #tpu.pipeline_mode<synchronous>, transform_indices = @transform_4, window_bounds = array<i64: 1, 64>}, {pipeline_mode = #tpu.pipeline_mode<synchronous>, transform_indices = @transform_5, window_bounds = array<i64: 1, 64>}, {transform_indices = @transform_6, window_bounds = array<i64: 64, 32, 128>}, {pipeline_mode = #tpu.pipeline_mode<synchronous>, transform_indices = @transform_7, window_bounds = array<i64: 2, 128>}]} {
    %get3A = arith.constant 0 : index
    %get3A_0 = arith.constant 0 : index
    %get3A_1 = vector.load %arg3[%get3A, %get3A_0] : memref<2x64xf32, #tpu.memory_space<vmem>>, vector<2x64xf32>
    %get3A_2 = arith.constant 0 : index
    %get3A_3 = arith.constant 0 : index
    %get3A_4 = vector.load %arg5[%get3A_2, %get3A_3] : memref<1x64xf32, #tpu.memory_space<vmem>>, vector<1x64xf32>
    %get3A_5 = vector.shape_cast %get3A_4 : vector<1x64xf32> to vector<64xf32>
    %get3A_6 = arith.constant 0 : index
    %get3A_7 = arith.constant 0 : index
    %get3A_8 = vector.load %arg6[%get3A_6, %get3A_7] : memref<1x64xf32, #tpu.memory_space<vmem>>, vector<1x64xf32>
    %get3A_9 = vector.shape_cast %get3A_8 : vector<1x64xf32> to vector<64xf32>
    %slice3A = vector.extract_strided_slice %get3A_1 {offsets = [0, 0], sizes = [1, 64], strides = [1, 1]} : vector<2x64xf32> to vector<1x64xf32>
    %squeeze3A = vector.shape_cast %slice3A : vector<1x64xf32> to vector<64xf32>
    %div3A = arith.constant 1.310720e+05 : f32
    %div3A_10 = vector.broadcast %div3A : f32 to vector<64xf32>
    %div3A_11 = arith.divf %squeeze3A, %div3A_10 : vector<64xf32>
    %slice3A_12 = vector.extract_strided_slice %get3A_1 {offsets = [1, 0], sizes = [1, 64], strides = [1, 1]} : vector<2x64xf32> to vector<1x64xf32>
    %squeeze3A_13 = vector.shape_cast %slice3A_12 : vector<1x64xf32> to vector<64xf32>
    %div3A_14 = arith.constant 1.310720e+05 : f32
    %div3A_15 = vector.broadcast %div3A_14 : f32 to vector<64xf32>
    %div3A_16 = arith.divf %squeeze3A_13, %div3A_15 : vector<64xf32>
    %mul3A = arith.mulf %div3A_11, %div3A_11 : vector<64xf32>
    %sub3A = arith.subf %div3A_16, %mul3A : vector<64xf32>
    %add3A = arith.constant 9.99999974E-6 : f32
    %add3A_17 = vector.broadcast %add3A : f32 to vector<64xf32>
    %add3A_18 = arith.addf %sub3A, %add3A_17 : vector<64xf32>
    %sqrt3A = math.sqrt %add3A_18 : vector<64xf32>
    %div3A_19 = arith.divf %get3A_5, %sqrt3A : vector<64xf32>
    %mul3A_20 = arith.mulf %div3A_11, %div3A_19 : vector<64xf32>
    %sub3A_21 = arith.subf %get3A_9, %mul3A_20 : vector<64xf32>
    %get3A_22 = arith.constant 0 : index
    %get3A_23 = arith.constant 0 : index
    %get3A_24 = arith.constant 0 : index
    %get3A_25 = vector.load %arg1[%get3A_22, %get3A_23, %get3A_24] : memref<64x32x64xf32, #tpu.memory_space<vmem>>, vector<64x32x64xf32>
    %broadcast_in_dim3A = vector.shape_cast %div3A_19 : vector<64xf32> to vector<1x1x64xf32>
    %mul3A_26 = vector.broadcast %broadcast_in_dim3A : vector<1x1x64xf32> to vector<64x32x64xf32>
    %mul3A_27 = arith.mulf %get3A_25, %mul3A_26 : vector<64x32x64xf32>
    %broadcast_in_dim3A_28 = vector.shape_cast %sub3A_21 : vector<64xf32> to vector<1x1x64xf32>
    %add3A_29 = vector.broadcast %broadcast_in_dim3A_28 : vector<1x1x64xf32> to vector<64x32x64xf32>
    %add3A_30 = arith.addf %mul3A_27, %add3A_29 : vector<64x32x64xf32>
    %max3A = arith.constant 0.000000e+00 : f32
    %max3A_31 = vector.broadcast %max3A : f32 to vector<64x32x64xf32>
    %max3A_32 = arith.maximumf %add3A_30, %max3A_31 : vector<64x32x64xf32>
    %reshape3A = vector.shape_cast %max3A_32 : vector<64x32x64xf32> to vector<2048x64xf32>
    %get3A_33 = arith.constant 0 : index
    %get3A_34 = arith.constant 0 : index
    %get3A_35 = vector.load %arg4[%get3A_33, %get3A_34] : memref<128x64xf32, #tpu.memory_space<vmem>>, vector<128x64xf32>
    %dot_general3A = arith.constant dense<0.000000e+00> : vector<2048x128xf32>
    %dot_general3A_36 = tpu.matmul %reshape3A, %get3A_35, %dot_general3A {dimension_numbers = #tpu.dot_dimension_numbers<[1], [1], [0], [0], [0, 0, 1, 0], [], []>, transpose_lhs_hint = false} : vector<2048x64xf32>, vector<128x64xf32>, vector<2048x128xf32> -> vector<2048x128xf32>
    %reshape3A_37 = vector.shape_cast %dot_general3A_36 : vector<2048x128xf32> to vector<64x32x128xf32>
    %swap3A = arith.constant 0 : index
    %swap3A_38 = arith.constant 0 : index
    %swap3A_39 = arith.constant 0 : index
    %swap3A_40 = vector.load %arg7[%swap3A, %swap3A_38, %swap3A_39] : memref<64x32x128xf32, #tpu.memory_space<vmem>>, vector<64x32x128xf32>
    tpu.vector_store %arg7[%swap3A, %swap3A_38, %swap3A_39], %reshape3A_37 {strides = array<i32>} : memref<64x32x128xf32, #tpu.memory_space<vmem>>, vector<64x32x128xf32>,
    %reduce_sum3A = arith.constant dense<0.000000e+00> : vector<128xf32>
    %reduce_sum3A_41 = vector.multi_reduction <add>, %dot_general3A_36, %reduce_sum3A [0] : vector<2048x128xf32> to vector<128xf32>
    %mul3A_42 = arith.mulf %dot_general3A_36, %dot_general3A_36 : vector<2048x128xf32>
    %reduce_sum3A_43 = arith.constant dense<0.000000e+00> : vector<128xf32>
    %reduce_sum3A_44 = vector.multi_reduction <add>, %mul3A_42, %reduce_sum3A_43 [0] : vector<2048x128xf32> to vector<128xf32>
    %stack3A = vector.shape_cast %reduce_sum3A_41 : vector<128xf32> to vector<1x128xf32>
    %stack3A_45 = vector.shape_cast %reduce_sum3A_44 : vector<128xf32> to vector<1x128xf32>
    %stack3A_46 = tpu.concatenate %stack3A, %stack3A_45 in 0 : vector<1x128xf32>, vector<1x128xf32> -> vector<2x128xf32>
    %eq3A = arith.constant 0 : i32
    %eq3A_47 = arith.cmpi eq, %arg0, %eq3A : i32
    %convert_element_type3A = arith.extui %eq3A_47 : i1 to i32
    %cond3A = arith.constant 0 : i32
    %cond3A_48 = arith.cmpi ne, %convert_element_type3A, %cond3A : i32
    scf.if %cond3A_48 {
      %broadcast_in_dim3A_56 = arith.constant 0.000000e+00 : f32
      %broadcast_in_dim3A_57 = vector.broadcast %broadcast_in_dim3A_56 : f32 to vector<2x128xf32>
      %swap3A_58 = arith.constant 0 : index
      %swap3A_59 = arith.constant 0 : index
      %swap3A_60 = vector.load %arg8[%swap3A_58, %swap3A_59] : memref<2x128xf32, #tpu.memory_space<vmem>>, vector<2x128xf32>
      tpu.vector_store %arg8[%swap3A_58, %swap3A_59], %broadcast_in_dim3A_57 {strides = array<i32>} : memref<2x128xf32, #tpu.memory_space<vmem>>, vector<2x128xf32>,
    } else {
    }
    %get3A_49 = arith.constant 0 : index
    %get3A_50 = arith.constant 0 : index
    %get3A_51 = vector.load %arg8[%get3A_49, %get3A_50] : memref<2x128xf32, #tpu.memory_space<vmem>>, vector<2x128xf32>
    %add3A_52 = arith.addf %get3A_51, %stack3A_46 : vector<2x128xf32>
    %swap3A_53 = arith.constant 0 : index
    %swap3A_54 = arith.constant 0 : index
    %swap3A_55 = vector.load %arg8[%swap3A_53, %swap3A_54] : memref<2x128xf32, #tpu.memory_space<vmem>>, vector<2x128xf32>
    tpu.vector_store %arg8[%swap3A_53, %swap3A_54], %add3A_52 {strides = array<i32>} : memref<2x128xf32, #tpu.memory_space<vmem>>, vector<2x128xf32>,
    return
  }
  func.func @transform_0(%arg0: i32) -> (i32, i32, i32) {
    %c0_i32 = arith.constant 0 : i32
    %c0_i32_0 = arith.constant 0 : i32
    %c0_i32_1 = arith.constant 0 : i32
    return %arg0, %c0_i32, %c0_i32_0 : i32, i32, i32
  }
  func.func @transform_1(%arg0: i32) -> (i32, i32) {
    %c0_i32 = arith.constant 0 : i32
    %c0_i32_0 = arith.constant 0 : i32
    return %arg0, %c0_i32 : i32, i32
  }
  func.func @transform_2(%arg0: i32) -> (i32, i32) {
    %c0_i32 = arith.constant 0 : i32
    %c0_i32_0 = arith.constant 0 : i32
    %c0_i32_1 = arith.constant 0 : i32
    return %c0_i32, %c0_i32_0 : i32, i32
  }
  func.func @transform_3(%arg0: i32) -> (i32, i32) {
    %c0_i32 = arith.constant 0 : i32
    %c0_i32_0 = arith.constant 0 : i32
    %c0_i32_1 = arith.constant 0 : i32
    return %c0_i32, %c0_i32_0 : i32, i32
  }
  func.func @transform_4(%arg0: i32) -> (i32, i32) {
    %c0_i32 = arith.constant 0 : i32
    %c0_i32_0 = arith.constant 0 : i32
    %c0_i32_1 = arith.constant 0 : i32
    return %c0_i32, %c0_i32_0 : i32, i32
  }
  func.func @transform_5(%arg0: i32) -> (i32, i32) {
    %c0_i32 = arith.constant 0 : i32
    %c0_i32_0 = arith.constant 0 : i32
    %c0_i32_1 = arith.constant 0 : i32
    return %c0_i32, %c0_i32_0 : i32, i32
  }
  func.func @transform_6(%arg0: i32) -> (i32, i32, i32) {
    %c0_i32 = arith.constant 0 : i32
    %c0_i32_0 = arith.constant 0 : i32
    %c0_i32_1 = arith.constant 0 : i32
    return %arg0, %c0_i32, %c0_i32_0 : i32, i32, i32
  }
  func.func @transform_7(%arg0: i32) -> (i32, i32) {
    %c0_i32 = arith.constant 0 : i32
    %c0_i32_0 = arith.constant 0 : i32
    %c0_i32_1 = arith.constant 0 : i32
    return %c0_i32, %c0_i32_0 : i32, i32
  }
}

module attributes {stable_mosaic.version = 14 : i64} {
  func.func @_final_body(%arg0: i32, %arg1: memref<64x32x128xf32, #tpu.memory_space<vmem>>, %arg2: memref<2x128xf32, #tpu.memory_space<vmem>>, %arg3: memref<1x128xf32, #tpu.memory_space<vmem>>, %arg4: memref<1x128xf32, #tpu.memory_space<vmem>>, %arg5: memref<64x128xf32, #tpu.memory_space<vmem>>) attributes {dimension_semantics = [#tpu.dimension_semantics<arbitrary>], iteration_bounds = array<i64: 32>, scalar_prefetch = 0 : i64, scratch_operands = 0 : i64, tpu.core_type = #tpu.core_type<tc>, window_params = [{transform_indices = @transform_0, window_bounds = array<i64: 64, 32, 128>}, {pipeline_mode = #tpu.pipeline_mode<synchronous>, transform_indices = @transform_1, window_bounds = array<i64: 2, 128>}, {pipeline_mode = #tpu.pipeline_mode<synchronous>, transform_indices = @transform_2, window_bounds = array<i64: 1, 128>}, {pipeline_mode = #tpu.pipeline_mode<synchronous>, transform_indices = @transform_3, window_bounds = array<i64: 1, 128>}, {transform_indices = @transform_4, window_bounds = array<i64: 64, 128>}]} {
    %get3A = arith.constant 0 : index
    %get3A_0 = arith.constant 0 : index
    %get3A_1 = vector.load %arg2[%get3A, %get3A_0] : memref<2x128xf32, #tpu.memory_space<vmem>>, vector<2x128xf32>
    %get3A_2 = arith.constant 0 : index
    %get3A_3 = arith.constant 0 : index
    %get3A_4 = vector.load %arg3[%get3A_2, %get3A_3] : memref<1x128xf32, #tpu.memory_space<vmem>>, vector<1x128xf32>
    %get3A_5 = vector.shape_cast %get3A_4 : vector<1x128xf32> to vector<128xf32>
    %get3A_6 = arith.constant 0 : index
    %get3A_7 = arith.constant 0 : index
    %get3A_8 = vector.load %arg4[%get3A_6, %get3A_7] : memref<1x128xf32, #tpu.memory_space<vmem>>, vector<1x128xf32>
    %get3A_9 = vector.shape_cast %get3A_8 : vector<1x128xf32> to vector<128xf32>
    %slice3A = vector.extract_strided_slice %get3A_1 {offsets = [0, 0], sizes = [1, 128], strides = [1, 1]} : vector<2x128xf32> to vector<1x128xf32>
    %squeeze3A = vector.shape_cast %slice3A : vector<1x128xf32> to vector<128xf32>
    %div3A = arith.constant 1.310720e+05 : f32
    %div3A_10 = vector.broadcast %div3A : f32 to vector<128xf32>
    %div3A_11 = arith.divf %squeeze3A, %div3A_10 : vector<128xf32>
    %slice3A_12 = vector.extract_strided_slice %get3A_1 {offsets = [1, 0], sizes = [1, 128], strides = [1, 1]} : vector<2x128xf32> to vector<1x128xf32>
    %squeeze3A_13 = vector.shape_cast %slice3A_12 : vector<1x128xf32> to vector<128xf32>
    %div3A_14 = arith.constant 1.310720e+05 : f32
    %div3A_15 = vector.broadcast %div3A_14 : f32 to vector<128xf32>
    %div3A_16 = arith.divf %squeeze3A_13, %div3A_15 : vector<128xf32>
    %mul3A = arith.mulf %div3A_11, %div3A_11 : vector<128xf32>
    %sub3A = arith.subf %div3A_16, %mul3A : vector<128xf32>
    %add3A = arith.constant 9.99999974E-6 : f32
    %add3A_17 = vector.broadcast %add3A : f32 to vector<128xf32>
    %add3A_18 = arith.addf %sub3A, %add3A_17 : vector<128xf32>
    %sqrt3A = math.sqrt %add3A_18 : vector<128xf32>
    %div3A_19 = arith.divf %get3A_5, %sqrt3A : vector<128xf32>
    %mul3A_20 = arith.mulf %div3A_11, %div3A_19 : vector<128xf32>
    %sub3A_21 = arith.subf %get3A_9, %mul3A_20 : vector<128xf32>
    %get3A_22 = arith.constant 0 : index
    %get3A_23 = arith.constant 0 : index
    %get3A_24 = arith.constant 0 : index
    %get3A_25 = vector.load %arg1[%get3A_22, %get3A_23, %get3A_24] : memref<64x32x128xf32, #tpu.memory_space<vmem>>, vector<64x32x128xf32>
    %broadcast_in_dim3A = vector.shape_cast %div3A_19 : vector<128xf32> to vector<1x1x128xf32>
    %mul3A_26 = vector.broadcast %broadcast_in_dim3A : vector<1x1x128xf32> to vector<64x32x128xf32>
    %mul3A_27 = arith.mulf %get3A_25, %mul3A_26 : vector<64x32x128xf32>
    %broadcast_in_dim3A_28 = vector.shape_cast %sub3A_21 : vector<128xf32> to vector<1x1x128xf32>
    %add3A_29 = vector.broadcast %broadcast_in_dim3A_28 : vector<1x1x128xf32> to vector<64x32x128xf32>
    %add3A_30 = arith.addf %mul3A_27, %add3A_29 : vector<64x32x128xf32>
    %max3A = arith.constant 0.000000e+00 : f32
    %max3A_31 = vector.broadcast %max3A : f32 to vector<64x32x128xf32>
    %max3A_32 = arith.maximumf %add3A_30, %max3A_31 : vector<64x32x128xf32>
    %reduce_max3A = arith.constant dense<0xFF800000> : vector<64x128xf32>
    %reduce_max3A_33 = vector.multi_reduction <maximumf>, %max3A_32, %reduce_max3A [1] : vector<64x32x128xf32> to vector<64x128xf32>
    %swap3A = arith.constant 0 : index
    %swap3A_34 = arith.constant 0 : index
    %swap3A_35 = vector.load %arg5[%swap3A, %swap3A_34] : memref<64x128xf32, #tpu.memory_space<vmem>>, vector<64x128xf32>
    tpu.vector_store %arg5[%swap3A, %swap3A_34], %reduce_max3A_33 {strides = array<i32>} : memref<64x128xf32, #tpu.memory_space<vmem>>, vector<64x128xf32>,
    return
  }
  func.func @transform_0(%arg0: i32) -> (i32, i32, i32) {
    %c0_i32 = arith.constant 0 : i32
    %c0_i32_0 = arith.constant 0 : i32
    %c0_i32_1 = arith.constant 0 : i32
    return %arg0, %c0_i32, %c0_i32_0 : i32, i32, i32
  }
  func.func @transform_1(%arg0: i32) -> (i32, i32) {
    %c0_i32 = arith.constant 0 : i32
    %c0_i32_0 = arith.constant 0 : i32
    %c0_i32_1 = arith.constant 0 : i32
    return %c0_i32, %c0_i32_0 : i32, i32
  }
  func.func @transform_2(%arg0: i32) -> (i32, i32) {
    %c0_i32 = arith.constant 0 : i32
    %c0_i32_0 = arith.constant 0 : i32
    %c0_i32_1 = arith.constant 0 : i32
    return %c0_i32, %c0_i32_0 : i32, i32
  }
  func.func @transform_3(%arg0: i32) -> (i32, i32) {
    %c0_i32 = arith.constant 0 : i32
    %c0_i32_0 = arith.constant 0 : i32
    %c0_i32_1 = arith.constant 0 : i32
    return %c0_i32, %c0_i32_0 : i32, i32
  }
  func.func @transform_4(%arg0: i32) -> (i32, i32) {
    %c0_i32 = arith.constant 0 : i32
    %c0_i32_0 = arith.constant 0 : i32
    return %arg0, %c0_i32 : i32, i32
  }
}

</mosaic_0001>

<sc_bundles>
// kernel: kernel.16.cloned.1.call-start
scs
__scs_entry_jumppad:
0x0: {  	(pc) =	sbr.rel $0x88, $3  }
0x1: {  	(tag) =	ssettag $0x0;
	lr =	simm.s32 $0x1  }
0x2: {  	[smem:$0x3F96] =	sst lr;
	_ =	strace $0xD0000000  }
0x3: {  	_ = 	snop  }
0x4: {  	_ = 	snop  }
0x5: {  	_ = 	snop  }
0x6: {  	_ = 	snop  }
0x7: {  	_ = 	snop  }
__scs_overlays_trampoline_lowered:
0x8: {  	[smem:$0x3FA5] =	sst s0  }
0x9: {  	[smem:$0x3FA6] =	sst s1  }
0xa: {  	[smem:$0x3FA7] =	sst s2  }
0xb: {  	[smem:$0x3FA8] =	sst s3  }
0xc: {  	[smem:$0x3FA9] =	sst s4  }
0xd: {  	[smem:$0x3FAA] =	sst s5  }
0xe: {  	[smem:$0x3FAB] =	sst s6  }
0xf: {  	[smem:$0x3FAC] =	sst s7  }
0x10: {  	[smem:$0x3FAD] =	sst s8  }
0x11: {  	[smem:$0x3FAE] =	sst s9;
	s0 =	simm.s32 @!p0 $0x0  }
0x12: {  	s1 =	sld [smem:$0x3F94];
	s0 =	simm.s32 @p0 $0x1  }
0x13: {  	[smem:$0x3FAF] =	sst s0;
	s0 =	simm.s32 @!p1 $0x0  }
0x14: {  	s2 =	sld [smem:$0x3F93];
	s0 =	simm.s32 @p1 $0x1  }
0x15: {  	[smem:$0x3FB0] =	sst s0;
	s0 =	simm.s32 @!p2 $0x0  }
0x16: {  	s3 =	sld [smem:$0x3FDB];
	s0 =	simm.s32 @p2 $0x1  }
0x17: {  	s4 =	simm.s32 $0x1BF5;
	[smem:$0x3FB2] =	sst s0  }
0x18: {  	s0 =	sld [smem:$0x3F95];
	_ =	swait.ge [sflag:s4], $0x0  }
0x19: {  	s7 =	sld [smem:$0x3F96]  }
0x1a: {  	s8 =	sadd.s32 $0xFFFFE003, lr  }
0x1b: {  	s9 =	sadd.s32 $0xFFFFFEF7, lr;
	s5 =	simm.s32 $0xFFFFFFFF;
	p2 =	slt.u32 s8, $0xFFFFF086  }
0x1c: {  	p1 =	slt.u32 s9, $0xF7A;
	s5 =	simm.s32 @!p2 $0x0  }
0x1d: {  	s5 =	simm.s32 @p1 $0x1;
	p0 =	seq.s32 s7, s2  }
0x1e: {  	s7 =	smul.u32 @!p0 $0xF7A, s2;
	p2 =	seq.s32 @!p0 s5, $0x0  }
0x1f: {  	s9 =	smul.u32 $0xF7A, s1;
	s8 =	simm.s32 @!p0 $0x1BF5;
	p2 =	por !p2, p0  }
0x20: {  	[sflag:s8] =	ssyncset.s32 @!p0 $0xFFFFF086;
	s6 =	sadd.s32 @!p0 s3, s7;
	s7 =	simm.s32 @!p0 $0x108  }
0x21: {  	s3 =	sadd.s32 s3, s9;
	s6 =	sadd.s32 @!p0 $0x88, s6;
	s7 =	simm.s32 @p2 $0x1082  }
0x22: {  	[simem:s7], [sflag:s8] =	dma.local @!p0 [hbm:s6], $0xF7A  }
0x23: {  	s9 =	sor.u32 $0xD0000000, s2;
	s6 =	simm.s32 $0x108;
	_ =	swait.ge @!p0 [sflag:s8], $0x0  }
0x24: {  	s3 =	sadd.s32 $0x88, s3;
	s6 =	simm.s32 @!p1 $0x1082;
	[sflag:s4] =	ssyncset.s32 $0xFFFFF086  }
0x25: {  	[simem:s6], [sflag:s4] =	dma.local [hbm:s3], $0xF7A  }
0x26: {  	[smem:$0x3F96] =	sst s1;
	(tag) =	ssettag s2;
	_ =	strace s9  }
0x27: {  	s1 =	sld [smem:$0x3FA6]  }
0x28: {  	s2 =	sld [smem:$0x3FA7]  }
0x29: {  	s4 =	sld [smem:$0x3FA9]  }
0x2a: {  	p0 =	seq.s32 s5, $0x0;
	s5 =	sld [smem:$0x3FAA]  }
0x2b: {  	s6 =	sld [smem:$0x3FAB]  }
0x2c: {  	s7 =	sld [smem:$0x3FAC]  }
0x2d: {  	s3 =	simm.s32 $0x108;
	s8 =	sld [smem:$0x3FAD]  }
0x2e: {  	s3 =	simm.s32 @!p0 $0x1082;
	s9 =	sld [smem:$0x3FAE]  }
0x2f: {  	lr =	sadd.s32 s0, s3;
	s0 =	sld [smem:$0x3FA5]  }
0x30: {  	s3 =	sld [smem:$0x3FA8]  }
0x31: {  	[smem:$0x3FB1] =	sst s10  }
0x32: {  	s10 =	sld [smem:$0x3FAF];
	_ =	sdelay $0x3  }
0x33: {  	p0 =	seq.s32 s10, $0x1;
	s10 =	sld [smem:$0x3FB1];
	_ =	sdelay $0x3  }
0x34: {  	[smem:$0x3FB1] =	sst s10  }
0x35: {  	s10 =	sld [smem:$0x3FB0];
	_ =	sdelay $0x3  }
0x36: {  	p1 =	seq.s32 s10, $0x1;
	s10 =	sld [smem:$0x3FB1];
	_ =	sdelay $0x3  }
0x37: {  	[smem:$0x3FB1] =	sst s10  }
0x38: {  	s10 =	sld [smem:$0x3FB2]  }
0x39: {  	_ = 	snop;
	(pc) =	sbr.ind lr, $3  }
0x3a: {  	_ = 	snop  }
0x3b: {  	_ = 	snop  }
0x3c: {  	p2 =	seq.s32 s10, $0x1;
	s10 =	sld [smem:$0x3FB1]  }
0x3d: {  	_ =	shalt  }
0x3e: {  	_ =	shalt  }
0x3f: {  	_ =	shalt  }
0x40: {  	_ =	shalt  }
0x41: {  	_ =	shalt  }
0x42: {  	_ =	shalt  }
0x43: {  	_ =	shalt  }
0x44: {  	_ =	shalt  }
0x45: {  	_ =	shalt  }
0x46: {  	_ =	shalt  }
0x47: {  	_ =	shalt  }
0x48: {  	_ =	shalt  }
0x49: {  	_ =	shalt  }
0x4a: {  	_ =	shalt  }
0x4b: {  	_ =	shalt  }
0x4c: {  	_ =	shalt  }
0x4d: {  	_ =	shalt  }
0x4e: {  	_ =	shalt  }
0x4f: {  	_ =	shalt  }
0x50: {  	_ =	shalt  }
0x51: {  	_ =	shalt  }
0x52: {  	_ =	shalt  }
0x53: {  	_ =	shalt  }
0x54: {  	_ =	shalt  }
0x55: {  	_ =	shalt  }
0x56: {  	_ =	shalt  }
0x57: {  	_ =	shalt  }
0x58: {  	_ =	shalt  }
0x59: {  	_ =	shalt  }
0x5a: {  	_ =	shalt  }
0x5b: {  	_ =	shalt  }
0x5c: {  	_ =	shalt  }
0x5d: {  	_ =	shalt  }
0x5e: {  	_ =	shalt  }
0x5f: {  	_ =	shalt  }
0x60: {  	_ =	shalt  }
0x61: {  	_ =	shalt  }
0x62: {  	_ =	shalt  }
0x63: {  	_ =	shalt  }
0x64: {  	_ =	shalt  }
0x65: {  	_ =	shalt  }
0x66: {  	_ =	shalt  }
0x67: {  	_ =	shalt  }
0x68: {  	_ =	shalt  }
0x69: {  	_ =	shalt  }
0x6a: {  	_ =	shalt  }
0x6b: {  	_ =	shalt  }
0x6c: {  	_ =	shalt  }
0x6d: {  	_ =	shalt  }
0x6e: {  	_ =	shalt  }
0x6f: {  	_ =	shalt  }
0x70: {  	_ =	shalt  }
0x71: {  	_ =	shalt  }
0x72: {  	_ =	shalt  }
0x73: {  	_ =	shalt  }
0x74: {  	_ =	shalt  }
0x75: {  	_ =	shalt  }
0x76: {  	_ =	shalt  }
0x77: {  	_ =	shalt  }
0x78: {  	_ =	shalt  }
0x79: {  	_ =	shalt  }
0x7a: {  	_ =	shalt  }
0x7b: {  	_ =	shalt  }
0x7c: {  	_ =	shalt  }
0x7d: {  	_ =	shalt  }
0x7e: {  	_ =	shalt  }
0x7f: {  	_ =	shalt  }
0x80: {  	_ =	shalt  }
0x81: {  	_ =	shalt  }
0x82: {  	_ =	shalt  }
0x83: {  	_ =	shalt  }
0x84: {  	_ =	shalt  }
0x85: {  	_ =	shalt  }
0x86: {  	_ =	shalt  }
0x87: {  	_ =	shalt  }
.Lfunc_end0:
.L_simem_size_0:
called_computation_lowered:
.L_overlay_start_0:
0x88: {  	s2 =	sld [smem:$0x3FD9]  }
0x89: {  	s3 =	sld [smem:$0x3FFE];
	_ =	sdelay $0x1  }
0x8a: {  	s1 =	srdreg.scid  }
0x8b: {  	s0 =	sand.u32 $0x1, s1  }
0x8c: {  	s16 =	sshll.u32 s0, $0xA;
	s2 =	sadd.s32 s3, s2  }
0x8d: {  	s2 =	sadd.s32 s2, s16  }
0x8e: {  	[smem:$0x3FBD] =	sst s2  }
0x8f: {  	_ = 	snop  }
0x90: {  	(tm) =	ssettm $0x1  }
0x91: {  	s17 =	sld [smem:$0x3FFB];
	_ =	sdelay $0x3  }
0x92: {  	_ =	strace s17  }
0x93: {  	s2 =	sld [smem:$0x3FFC];
	_ =	sdelay $0x3  }
0x94: {  	_ =	strace s2  }
0x95: {  	s2 =	sld [smem:$0x3FFD];
	_ =	sdelay $0x3  }
0x96: {  	_ =	strace s2  }
0x97: {  	_ =	strace $0x8FFFFFFF  }
0x98: {  	s18 =	sld [smem:$0x3FDB];
	_ =	sdelay $0x1  }
0x99: {  	s19 =	simm.s32 $_scs_section_size  }
0x9a: {  	s4 =	simm.s32 $_size__tile_overlayer_lowered;
	s5 =	simm.s32 $_tile_overlayer_lowered  }
0x9b: {  	s22 =	simm.s32 $0x1BFF;
	s21 =	sshll.u32 s5, $0x1;
	s2 =	sadd.s32 s19, s18  }
0x9c: {  	s6 =	simm.s32 $0x0;
	s20 =	sshll.u32 s4, $0x1;
	s4 =	sadd.s32 s21, s2  }
0x9d: {  	[timem:s6], [sflag:s22] =	dma.local [hbm:s4], s20  }
0x9e: {  	_ =	swait.ge [sflag:s22], s20  }
0x9f: {  	s3 =	ssub.s32 $0x0, s20;
	[sflag:s22] =	ssyncset.done $0x0  }
0xa0: {  	[sflag:s22] =	ssyncadd.s32 s3;
	_ =	sdelay $0x1  }
0xa1: {  	s23 =	simm.s32 $0x1B8B  }
0xa2: {  	_ =	swait.ge [sflag:s23], $0x1  }
0xa3: {  	[sflag:s23] =	ssyncset.done $0x0  }
0xa4: {  	s25 =	simm.s32 $0x1B8E;
	s24 =	sld [smem:$0x3FFE];
	[sflag:s23] =	ssyncadd.s32 $0xFFFFFFFF  }
0xa5: {  	s26 =	simm.s32 $execute0_lowered;
	[smem:$0x3FD2] =	sst s25  }
0xa6: {  	s4 =	sshll.u32 s26, $0x1;
	_ =	strace $0x80000046;
	[dreg:$0x1] =	wrdreg $0xFFFFFFFF  }
0xa7: {  	s28 =	simm.s32 $_size_execute0_lowered;
	s2 =	sadd.s32 s2, s4;
	[dreg:$0x0] =	wrdreg $0x0  }
0xa8: {  	s4 =	sshll.u32 s28, $0x1;
	[dreg:$0x2] =	wrdreg s2  }
0xa9: {  	[dreg:$0x3] =	wrdreg s4  }
0xaa: {  	[dreg:$0x4] =	wrdreg $0xC0  }
0xab: {  	_ =	task [dreg:s6], $0x5FFFF  }
0xac: {  	[dreg:$0x1] =	wrdreg $0xFFFFFFFF  }
0xad: {  	[dreg:$0x0] =	wrdreg $0x60  }
0xae: {  	[dreg:$0x2] =	wrdreg s24  }
0xaf: {  	[dreg:$0x3] =	wrdreg $0x9  }
0xb0: {  	_ =	task.clear_ibuf [dreg:s6], $0x4FFFF;
	_ =	strace $0x90000046  }
0xb1: {  	s29 =	simm.s32 $0x9;
	_ =	strace $0x80000048  }
0xb2: {  	_ =	swait.ge [sflag:s29], $0x1  }
0xb3: {  	[sflag:s29] =	ssyncadd.s32 $0xFFFFFFFF  }
0xb4: {  	_ =	strace $0x90000048  }
0xb5: {  	_ =	sfence  }
0xb6: {  	s30 =	sld [smem:$0x0];
	_ =	sdelay $0x2  }
0xb7: {  	s31 =	sshll.u32 s1, $0xD;
	s1 =	sshrl.u32 s1, $0x2  }
0xb8: {  	s3 =	sand.u32 $0x4000, s31;
	s1 =	sadd.s32 s1, s30  }
0xb9: {  	s0 =	sor.u32 s3, s0;
	s1 =	sshll.u32 s1, $0x11  }
0xba: {  	s0 =	sor.u32 s1, s0  }
0xbb: {  	s0 =	sadd.s32 $0x8F2B, s0  }
0xbc: {  	[sflag:s0] =	ssyncadd.remote.s32 $0x1  }
0xbd: {  	_ =	sfence.sel $0xFFFF  }
0xbe: {  	[dreg:$0x0] =	wrdreg $0xFFFFFFFF;
	(pc) =	sbr.abs _section_cstart, $3  }
0xbf: {  	[dreg:$0x1] =	wrdreg $0xFFFFFFFF  }
0xc0: {  	_ =	task.clear_ibuf [dreg:s6], $0x2FFFF;
	_ =	strace $0x9FFFFFFF  }
0xc1: {  	(tm) =	ssettm $0x7FFFFFFF  }
tec
execute0_lowered:
.L_overlay_start_1:
0x0: {  	(tag) =	ssettag $0x1  }
0x1: {  	s4 =	rddreg [dreg:$0x0]  }
0x2: {  	s0 =	rddreg [dreg:$0x1];
	s2 =	simm.s32 $0x0;
	s3 =	srdreg.scid  }
0x3: {  	s1 =	stileid.u32;
	s10 =	simm.s32 $0x4800;
	s11 =	simm.s32 $0x8800  }
0x4: {  	s12 =	simm.s32 $0xC800;
	s13 =	simm.s32 $0x1;
	s14 =	simm.s32 $0x2  }
0x5: {  	s15 =	simm.s32 $0x3;
	s16 =	simm.s32 $0x4;
	s17 =	simm.s32 $0x0  }
0x6: {  	[smem:$0x7FF] =	sst s2;
	s5 =	sand.u32 $0x1, s3;
	s6 =	sshll.u32 s1, $0x9  }
0x7: {  	s3 =	sadd.s32 $0x2800, s4;
	s8 =	sshll.u32 s1, $0x10;
	_ =	strace $0x80000047  }
0x8: {  	s7 =	sshll.u32 s5, $0x8;
	s29 =	ssub.s32 $0x2, s5;
	s8 =	sadd.s32 s8, s4  }
0x9: {  	s30 =	sshll.u32 s5, $0xF;
	s6 =	sor.u32 s7, s6;
	s9 =	sshrl.u32 s29, $0x1  }
0xa: {  	s31 =	sadd.s32 s30, s8;
	s8 =	simm.s32 $0x80;
	s6 =	sadd.s32 s6, s4  }
0xb: {  	s7 =	ssub.s32 s29, s9;
	s9 =	simm.s32 $0x800;
	s4 =	sadd.s32 $0x82800, s6  }
0xc: {  	s5 =	smax.u32 s7, $0x1;
	s6 =	sadd.s32 $0x86000, s31;
	s7 =	simm.s32 $0x5  }
.LBB2_1:
0xd: {  	[tilespmem:s2], [sflag:$0x5] =	stream.linear.gather [hbm4b:s4+s2], $0x800, $0x38;
	[tilespmem:$0x10800] =	vst v63  }
0xe: {  	_ =	swait.ge [sflag:s7], $0x800  }
0xf: {  	[sflag:s7] =	ssyncset.done $0x0  }
0x10: {  	s18 =	simm.s32 $0x0;
	[sflag:s7] =	ssyncadd.s32 $0xFFFFF800  }
0x11: {  	[tilespmem:s9], [sflag:$0x1] =	stream.indirect.gather [hbm4b:s3+s8], $0x80, s18, s8, $0xb8;
	[tilespmem:$0x10800] =	vst v63  }
0x12: {  	s25 =	simm.s32 $0x80  }
0x13: {  	[tilespmem:s10], [sflag:$0x2] =	stream.indirect.gather [hbm4b:s3+s8], $0x80, s25, s8, $0xb8;
	[tilespmem:$0x10800] =	vst v63  }
0x14: {  	s26 =	simm.s32 $0x100  }
0x15: {  	[tilespmem:s11], [sflag:$0x3] =	stream.indirect.gather [hbm4b:s3+s8], $0x80, s26, s8, $0xb8;
	[tilespmem:$0x10800] =	vst v63  }
0x16: {  	s28 =	simm.s32 $0x180  }
0x17: {  	[tilespmem:s12], [sflag:$0x4] =	stream.indirect.gather [hbm4b:s3+s8], $0x80, s28, s8, $0xb8;
	[tilespmem:$0x10800] =	vst v63  }
0x18: {  	_ =	swait.ge [sflag:s13], $0x4000  }
0x19: {  	[sflag:s13] =	ssyncset.done $0x0  }
0x1a: {  	s29 =	sadd.s32 $0xFFFFE800, s6;
	[sflag:s13] =	ssyncadd.s32 $0xFFFFC000  }
0x1b: {  	[hbm4b:s29+s2] =	stream.linear.scatter [tilespmem:s9], [sflag:$0x5], $0x4000, $0x38;
	[tilespmem:$0x10800] =	vst v63  }
0x1c: {  	_ =	swait.ge [sflag:s7], $0x4000  }
0x1d: {  	[sflag:s7] =	ssyncset.done $0x0  }
0x1e: {  	[sflag:s7] =	ssyncadd.s32 $0xFFFFC000  }
0x1f: {  	_ =	swait.ge [sflag:s14], $0x4000  }
0x20: {  	[sflag:s14] =	ssyncset.done $0x0  }
0x21: {  	s30 =	sadd.s32 $0xFFFFF000, s6;
	[sflag:s14] =	ssyncadd.s32 $0xFFFFC000  }
0x22: {  	[hbm4b:s30+s2] =	stream.linear.scatter [tilespmem:s10], [sflag:$0x5], $0x4000, $0x38;
	[tilespmem:$0x10800] =	vst v63  }
0x23: {  	_ =	swait.ge [sflag:s7], $0x4000  }
0x24: {  	[sflag:s7] =	ssyncset.done $0x0  }
0x25: {  	[sflag:s7] =	ssyncadd.s32 $0xFFFFC000  }
0x26: {  	_ =	swait.ge [sflag:s15], $0x4000  }
0x27: {  	[sflag:s15] =	ssyncset.done $0x0  }
0x28: {  	s31 =	sadd.s32 $0xFFFFF800, s6;
	[sflag:s15] =	ssyncadd.s32 $0xFFFFC000  }
0x29: {  	[hbm4b:s31+s2] =	stream.linear.scatter [tilespmem:s11], [sflag:$0x5], $0x4000, $0x38;
	[tilespmem:$0x10800] =	vst v63  }
0x2a: {  	_ =	swait.ge [sflag:s7], $0x4000  }
0x2b: {  	[sflag:s7] =	ssyncset.done $0x0  }
0x2c: {  	[sflag:s7] =	ssyncadd.s32 $0xFFFFC000  }
0x2d: {  	_ =	swait.ge [sflag:s16], $0x4000  }
0x2e: {  	[sflag:s16] =	ssyncset.done $0x0  }
0x2f: {  	[sflag:s16] =	ssyncadd.s32 $0xFFFFC000  }
0x30: {  	[hbm4b:s6+s2] =	stream.linear.scatter [tilespmem:s12], [sflag:$0x5], $0x4000, $0x38;
	[tilespmem:$0x10800] =	vst v63  }
0x31: {  	s19 =	simm.s32 $0x800;
	_ =	swait.ge [sflag:s7], $0x4000  }
0x32: {  	s21 =	simm.s32 $0x1000;
	s18 =	sadd.s32 $0x2000, s6;
	[sflag:s7] =	ssyncset.done $0x0  }
.LBB2_2:
0x33: {  	s22 =	sshra.s32 s19, $0x2  }
0x34: {  	[sflag:s7] =	ssyncadd.s32 $0xFFFFC000;
	s19 =	smov.u32 s21;
	s20 =	sadd.s32 $0x800, s21  }
0x35: {  	[tilespmem:s9], [sflag:$0x1] =	stream.indirect.gather [hbm4b:s3+s8], $0x80, s22, s8, $0xb8;
	[tilespmem:$0x10800] =	vst v63  }
0x36: {  	p0 =	sne.s32 s21, $0x1800;
	s21 =	sadd.s32 $0x80, s22  }
0x37: {  	[tilespmem:s10], [sflag:$0x2] =	stream.indirect.gather [hbm4b:s3+s8], $0x80, s21, s8, $0xb8;
	[tilespmem:$0x10800] =	vst v63  }
0x38: {  	s21 =	sadd.s32 $0x100, s22  }
0x39: {  	[tilespmem:s11], [sflag:$0x3] =	stream.indirect.gather [hbm4b:s3+s8], $0x80, s21, s8, $0xb8;
	[tilespmem:$0x10800] =	vst v63  }
0x3a: {  	s21 =	sadd.s32 $0x180, s22  }
0x3b: {  	[tilespmem:s12], [sflag:$0x4] =	stream.indirect.gather [hbm4b:s3+s8], $0x80, s21, s8, $0xb8;
	[tilespmem:$0x10800] =	vst v63  }
0x3c: {  	_ =	swait.ge [sflag:s13], $0x4000  }
0x3d: {  	[sflag:s13] =	ssyncset.done $0x0  }
0x3e: {  	s21 =	sadd.s32 $0xFFFFE800, s18;
	[sflag:s13] =	ssyncadd.s32 $0xFFFFC000  }
0x3f: {  	[hbm4b:s21+s2] =	stream.linear.scatter [tilespmem:s9], [sflag:$0x5], $0x4000, $0x38;
	[tilespmem:$0x10800] =	vst v63  }
0x40: {  	_ =	swait.ge [sflag:s7], $0x4000  }
0x41: {  	[sflag:s7] =	ssyncset.done $0x0  }
0x42: {  	[sflag:s7] =	ssyncadd.s32 $0xFFFFC000  }
0x43: {  	_ =	swait.ge [sflag:s14], $0x4000  }
0x44: {  	[sflag:s14] =	ssyncset.done $0x0  }
0x45: {  	s21 =	sadd.s32 $0xFFFFF000, s18;
	[sflag:s14] =	ssyncadd.s32 $0xFFFFC000  }
0x46: {  	[hbm4b:s21+s2] =	stream.linear.scatter [tilespmem:s10], [sflag:$0x5], $0x4000, $0x38;
	[tilespmem:$0x10800] =	vst v63  }
0x47: {  	_ =	swait.ge [sflag:s7], $0x4000  }
0x48: {  	[sflag:s7] =	ssyncset.done $0x0  }
0x49: {  	[sflag:s7] =	ssyncadd.s32 $0xFFFFC000  }
0x4a: {  	_ =	swait.ge [sflag:s15], $0x4000  }
0x4b: {  	[sflag:s15] =	ssyncset.done $0x0  }
0x4c: {  	s21 =	sadd.s32 $0xFFFFF800, s18;
	[sflag:s15] =	ssyncadd.s32 $0xFFFFC000  }
0x4d: {  	[hbm4b:s21+s2] =	stream.linear.scatter [tilespmem:s11], [sflag:$0x5], $0x4000, $0x38;
	[tilespmem:$0x10800] =	vst v63  }
0x4e: {  	_ =	swait.ge [sflag:s7], $0x4000  }
0x4f: {  	[sflag:s7] =	ssyncset.done $0x0  }
0x50: {  	[sflag:s7] =	ssyncadd.s32 $0xFFFFC000  }
0x51: {  	_ =	swait.ge [sflag:s16], $0x4000  }
.Ltmp0:
0x52: {  	[sflag:s16] =	ssyncset.done $0x0;
	(pc) =	sbr.rel @p0 .LBB2_2-.Ltmp0, $4  }
0x53: {  	[sflag:s16] =	ssyncadd.s32 $0xFFFFC000  }
0x54: {  	[hbm4b:s18+s2] =	stream.linear.scatter [tilespmem:s12], [sflag:$0x5], $0x4000, $0x38;
	[tilespmem:$0x10800] =	vst v63  }
0x55: {  	_ =	swait.ge [sflag:s7], $0x4000  }
0x56: {  	s21 =	smov.u32 s20;
	s18 =	sadd.s32 $0x2000, s18;
	[sflag:s7] =	ssyncset.done $0x0  }
0x57: {  	s19 =	sshra.s32 s19, $0x2;
	[sflag:s7] =	ssyncadd.s32 $0xFFFFC000  }
0x58: {  	[tilespmem:s9], [sflag:$0x1] =	stream.indirect.gather [hbm4b:s3+s8], $0x80, s19, s8, $0xb8;
	[tilespmem:$0x10800] =	vst v63  }
0x59: {  	s20 =	sadd.s32 $0x80, s19  }
0x5a: {  	[tilespmem:s10], [sflag:$0x2] =	stream.indirect.gather [hbm4b:s3+s8], $0x80, s20, s8, $0xb8;
	[tilespmem:$0x10800] =	vst v63  }
0x5b: {  	s28 =	sadd.s32 $0x100, s19  }
0x5c: {  	[tilespmem:s11], [sflag:$0x3] =	stream.indirect.gather [hbm4b:s3+s8], $0x80, s28, s8, $0xb8;
	[tilespmem:$0x10800] =	vst v63  }
0x5d: {  	s19 =	sadd.s32 $0x180, s19  }
0x5e: {  	[tilespmem:s12], [sflag:$0x4] =	stream.indirect.gather [hbm4b:s3+s8], $0x80, s19, s8, $0xb8;
	[tilespmem:$0x10800] =	vst v63  }
0x5f: {  	_ =	swait.ge [sflag:s13], $0x4000  }
0x60: {  	[sflag:s13] =	ssyncset.done $0x0  }
0x61: {  	s29 =	sadd.s32 $0xFFFFE800, s18;
	[sflag:s13] =	ssyncadd.s32 $0xFFFFC000  }
0x62: {  	[hbm4b:s29+s2] =	stream.linear.scatter [tilespmem:s9], [sflag:$0x5], $0x4000, $0x38;
	[tilespmem:$0x10800] =	vst v63  }
0x63: {  	_ =	swait.ge [sflag:s7], $0x4000  }
0x64: {  	[sflag:s7] =	ssyncset.done $0x0  }
0x65: {  	[sflag:s7] =	ssyncadd.s32 $0xFFFFC000  }
0x66: {  	_ =	swait.ge [sflag:s14], $0x4000  }
0x67: {  	[sflag:s14] =	ssyncset.done $0x0  }
0x68: {  	s30 =	sadd.s32 $0xFFFFF000, s18;
	[sflag:s14] =	ssyncadd.s32 $0xFFFFC000  }
0x69: {  	[hbm4b:s30+s2] =	stream.linear.scatter [tilespmem:s10], [sflag:$0x5], $0x4000, $0x38;
	[tilespmem:$0x10800] =	vst v63  }
0x6a: {  	_ =	swait.ge [sflag:s7], $0x4000  }
0x6b: {  	[sflag:s7] =	ssyncset.done $0x0  }
0x6c: {  	[sflag:s7] =	ssyncadd.s32 $0xFFFFC000  }
0x6d: {  	_ =	swait.ge [sflag:s15], $0x4000  }
0x6e: {  	[sflag:s15] =	ssyncset.done $0x0  }
0x6f: {  	s31 =	sadd.s32 $0xFFFFF800, s18;
	[sflag:s15] =	ssyncadd.s32 $0xFFFFC000  }
0x70: {  	[hbm4b:s31+s2] =	stream.linear.scatter [tilespmem:s11], [sflag:$0x5], $0x4000, $0x38;
	[tilespmem:$0x10800] =	vst v63  }
0x71: {  	_ =	swait.ge [sflag:s7], $0x4000  }
0x72: {  	[sflag:s7] =	ssyncset.done $0x0  }
0x73: {  	[sflag:s7] =	ssyncadd.s32 $0xFFFFC000  }
0x74: {  	s17 =	sadd.s32 $0x1, s17;
	_ =	swait.ge [sflag:s16], $0x4000  }
0x75: {  	p0 =	sne.s32 s17, s5;
	[sflag:s16] =	ssyncset.done $0x0  }
.Ltmp1:
0x76: {  	[sflag:s16] =	ssyncadd.s32 $0xFFFFC000;
	(pc) =	sbr.rel @p0 .LBB2_1-.Ltmp1, $4  }
0x77: {  	[hbm4b:s18+s2] =	stream.linear.scatter [tilespmem:s12], [sflag:$0x5], $0x4000, $0x38;
	[tilespmem:$0x10800] =	vst v63  }
0x78: {  	_ =	swait.ge [sflag:s7], $0x4000  }
0x79: {  	[sflag:s7] =	ssyncset.done $0x0  }
0x7a: {  	[sflag:s7] =	ssyncadd.s32 $0xFFFFC000  }
0x7b: {  	_ =	sfence.sel $0x180000  }
0x7c: {  	[bflag:$0x0] =	sbarrier.arrive $0xFFFF  }
0x7d: {  	p0 =	sne.s32 s1, $0x0;
	_ =	strace $0x90000047  }
0x7e: {  	s0 =	sadd.s32 @!p0 $0x100000, s0;
	[bflag:$0x2] =	sbarrier.arrive $0xFFFF  }
0x7f: {  	[sflag:s0] =	ssyncadd.tile.s32 @!p0 $0x1;
	_ =	shalt  }
.Lfunc_end2:
_tile_overlayer_lowered:
.L_overlay_start_2:
0x80: {  	(tag) =	ssettag $0x2  }
0x81: {  	s0 =	rddreg [dreg:$0x0];
	s2 =	stileid.u32  }
0x82: {  	s1 =	rddreg [dreg:$0x1];
	p0 =	sne.s32 s2, $0x0  }
0x83: {  	s3 =	rddreg [dreg:$0x2];
	[bflag:$0x3] =	sbarrier.arrive $0xFFFF;
	s2 =	simm.s32 @!p0 $0x1C05  }
0x84: {  	[timem:s3], [sflag:s2] =	dma.local @!p0 [hbm:s0], s1  }
0x85: {  	s0 =	simm.s32 @!p0 $0x5  }
0x86: {  	_ =	swait.ge @!p0 [sflag:s0], s1  }
0x87: {  	s1 =	ssub.s32 @!p0 $0x0, s1;
	[sflag:s0] =	ssyncset.done @!p0 $0x0  }
0x88: {  	[sflag:s0] =	ssyncadd.s32 @!p0 s1  }
0x89: {  	[bflag:$0x3] =	sbarrier.arrive $0xFFFF  }
0x8a: {  	_ =	shalt  }

// kernel: kernel.19.cloned.1.call-start
scs
__scs_entry_jumppad:
0x0: {  	(pc) =	sbr.rel $0x88, $3  }
0x1: {  	(tag) =	ssettag $0x0;
	lr =	simm.s32 $0x1  }
0x2: {  	[smem:$0x3F96] =	sst lr;
	_ =	strace $0xD0000000  }
0x3: {  	_ = 	snop  }
0x4: {  	_ = 	snop  }
0x5: {  	_ = 	snop  }
0x6: {  	_ = 	snop  }
0x7: {  	_ = 	snop  }
__scs_overlays_trampoline_lowered:
0x8: {  	[smem:$0x3FA5] =	sst s0  }
0x9: {  	[smem:$0x3FA6] =	sst s1  }
0xa: {  	[smem:$0x3FA7] =	sst s2  }
0xb: {  	[smem:$0x3FA8] =	sst s3  }
0xc: {  	[smem:$0x3FA9] =	sst s4  }
0xd: {  	[smem:$0x3FAA] =	sst s5  }
0xe: {  	[smem:$0x3FAB] =	sst s6  }
0xf: {  	[smem:$0x3FAC] =	sst s7  }
0x10: {  	[smem:$0x3FAD] =	sst s8  }
0x11: {  	[smem:$0x3FAE] =	sst s9;
	s0 =	simm.s32 @!p0 $0x0  }
0x12: {  	s1 =	sld [smem:$0x3F94];
	s0 =	simm.s32 @p0 $0x1  }
0x13: {  	[smem:$0x3FAF] =	sst s0;
	s0 =	simm.s32 @!p1 $0x0  }
0x14: {  	s2 =	sld [smem:$0x3F93];
	s0 =	simm.s32 @p1 $0x1  }
0x15: {  	[smem:$0x3FB0] =	sst s0;
	s0 =	simm.s32 @!p2 $0x0  }
0x16: {  	s3 =	sld [smem:$0x3FDB];
	s0 =	simm.s32 @p2 $0x1  }
0x17: {  	s4 =	simm.s32 $0x1BF5;
	[smem:$0x3FB2] =	sst s0  }
0x18: {  	s0 =	sld [smem:$0x3F95];
	_ =	swait.ge [sflag:s4], $0x0  }
0x19: {  	s7 =	sld [smem:$0x3F96]  }
0x1a: {  	s8 =	sadd.s32 $0xFFFFE003, lr  }
0x1b: {  	s9 =	sadd.s32 $0xFFFFFEF7, lr;
	s5 =	simm.s32 $0xFFFFFFFF;
	p2 =	slt.u32 s8, $0xFFFFF086  }
0x1c: {  	p1 =	slt.u32 s9, $0xF7A;
	s5 =	simm.s32 @!p2 $0x0  }
0x1d: {  	s5 =	simm.s32 @p1 $0x1;
	p0 =	seq.s32 s7, s2  }
0x1e: {  	s7 =	smul.u32 @!p0 $0xF7A, s2;
	p2 =	seq.s32 @!p0 s5, $0x0  }
0x1f: {  	s9 =	smul.u32 $0xF7A, s1;
	s8 =	simm.s32 @!p0 $0x1BF5;
	p2 =	por !p2, p0  }
0x20: {  	[sflag:s8] =	ssyncset.s32 @!p0 $0xFFFFF086;
	s6 =	sadd.s32 @!p0 s3, s7;
	s7 =	simm.s32 @!p0 $0x108  }
0x21: {  	s3 =	sadd.s32 s3, s9;
	s6 =	sadd.s32 @!p0 $0x88, s6;
	s7 =	simm.s32 @p2 $0x1082  }
0x22: {  	[simem:s7], [sflag:s8] =	dma.local @!p0 [hbm:s6], $0xF7A  }
0x23: {  	s9 =	sor.u32 $0xD0000000, s2;
	s6 =	simm.s32 $0x108;
	_ =	swait.ge @!p0 [sflag:s8], $0x0  }
0x24: {  	s3 =	sadd.s32 $0x88, s3;
	s6 =	simm.s32 @!p1 $0x1082;
	[sflag:s4] =	ssyncset.s32 $0xFFFFF086  }
0x25: {  	[simem:s6], [sflag:s4] =	dma.local [hbm:s3], $0xF7A  }
0x26: {  	[smem:$0x3F96] =	sst s1;
	(tag) =	ssettag s2;
	_ =	strace s9  }
0x27: {  	s1 =	sld [smem:$0x3FA6]  }
0x28: {  	s2 =	sld [smem:$0x3FA7]  }
0x29: {  	s4 =	sld [smem:$0x3FA9]  }
0x2a: {  	p0 =	seq.s32 s5, $0x0;
	s5 =	sld [smem:$0x3FAA]  }
0x2b: {  	s6 =	sld [smem:$0x3FAB]  }
0x2c: {  	s7 =	sld [smem:$0x3FAC]  }
0x2d: {  	s3 =	simm.s32 $0x108;
	s8 =	sld [smem:$0x3FAD]  }
0x2e: {  	s3 =	simm.s32 @!p0 $0x1082;
	s9 =	sld [smem:$0x3FAE]  }
0x2f: {  	lr =	sadd.s32 s0, s3;
	s0 =	sld [smem:$0x3FA5]  }
0x30: {  	s3 =	sld [smem:$0x3FA8]  }
0x31: {  	[smem:$0x3FB1] =	sst s10  }
0x32: {  	s10 =	sld [smem:$0x3FAF];
	_ =	sdelay $0x3  }
0x33: {  	p0 =	seq.s32 s10, $0x1;
	s10 =	sld [smem:$0x3FB1];
	_ =	sdelay $0x3  }
0x34: {  	[smem:$0x3FB1] =	sst s10  }
0x35: {  	s10 =	sld [smem:$0x3FB0];
	_ =	sdelay $0x3  }
0x36: {  	p1 =	seq.s32 s10, $0x1;
	s10 =	sld [smem:$0x3FB1];
	_ =	sdelay $0x3  }
0x37: {  	[smem:$0x3FB1] =	sst s10  }
0x38: {  	s10 =	sld [smem:$0x3FB2]  }
0x39: {  	_ = 	snop;
	(pc) =	sbr.ind lr, $3  }
0x3a: {  	_ = 	snop  }
0x3b: {  	_ = 	snop  }
0x3c: {  	p2 =	seq.s32 s10, $0x1;
	s10 =	sld [smem:$0x3FB1]  }
0x3d: {  	_ =	shalt  }
0x3e: {  	_ =	shalt  }
0x3f: {  	_ =	shalt  }
0x40: {  	_ =	shalt  }
0x41: {  	_ =	shalt  }
0x42: {  	_ =	shalt  }
0x43: {  	_ =	shalt  }
0x44: {  	_ =	shalt  }
0x45: {  	_ =	shalt  }
0x46: {  	_ =	shalt  }
0x47: {  	_ =	shalt  }
0x48: {  	_ =	shalt  }
0x49: {  	_ =	shalt  }
0x4a: {  	_ =	shalt  }
0x4b: {  	_ =	shalt  }
0x4c: {  	_ =	shalt  }
0x4d: {  	_ =	shalt  }
0x4e: {  	_ =	shalt  }
0x4f: {  	_ =	shalt  }
0x50: {  	_ =	shalt  }
0x51: {  	_ =	shalt  }
0x52: {  	_ =	shalt  }
0x53: {  	_ =	shalt  }
0x54: {  	_ =	shalt  }
0x55: {  	_ =	shalt  }
0x56: {  	_ =	shalt  }
0x57: {  	_ =	shalt  }
0x58: {  	_ =	shalt  }
0x59: {  	_ =	shalt  }
0x5a: {  	_ =	shalt  }
0x5b: {  	_ =	shalt  }
0x5c: {  	_ =	shalt  }
0x5d: {  	_ =	shalt  }
0x5e: {  	_ =	shalt  }
0x5f: {  	_ =	shalt  }
0x60: {  	_ =	shalt  }
0x61: {  	_ =	shalt  }
0x62: {  	_ =	shalt  }
0x63: {  	_ =	shalt  }
0x64: {  	_ =	shalt  }
0x65: {  	_ =	shalt  }
0x66: {  	_ =	shalt  }
0x67: {  	_ =	shalt  }
0x68: {  	_ =	shalt  }
0x69: {  	_ =	shalt  }
0x6a: {  	_ =	shalt  }
0x6b: {  	_ =	shalt  }
0x6c: {  	_ =	shalt  }
0x6d: {  	_ =	shalt  }
0x6e: {  	_ =	shalt  }
0x6f: {  	_ =	shalt  }
0x70: {  	_ =	shalt  }
0x71: {  	_ =	shalt  }
0x72: {  	_ =	shalt  }
0x73: {  	_ =	shalt  }
0x74: {  	_ =	shalt  }
0x75: {  	_ =	shalt  }
0x76: {  	_ =	shalt  }
0x77: {  	_ =	shalt  }
0x78: {  	_ =	shalt  }
0x79: {  	_ =	shalt  }
0x7a: {  	_ =	shalt  }
0x7b: {  	_ =	shalt  }
0x7c: {  	_ =	shalt  }
0x7d: {  	_ =	shalt  }
0x7e: {  	_ =	shalt  }
0x7f: {  	_ =	shalt  }
0x80: {  	_ =	shalt  }
0x81: {  	_ =	shalt  }
0x82: {  	_ =	shalt  }
0x83: {  	_ =	shalt  }
0x84: {  	_ =	shalt  }
0x85: {  	_ =	shalt  }
0x86: {  	_ =	shalt  }
0x87: {  	_ =	shalt  }
.Lfunc_end0:
.L_simem_size_0:
called_computation.1_lowered:
.L_overlay_start_0:
0x88: {  	s2 =	sld [smem:$0x3FD9]  }
0x89: {  	s3 =	sld [smem:$0x3FFE];
	_ =	sdelay $0x1  }
0x8a: {  	s1 =	srdreg.scid  }
0x8b: {  	s0 =	sand.u32 $0x1, s1  }
0x8c: {  	s15 =	sshll.u32 s0, $0xA;
	s2 =	sadd.s32 s3, s2  }
0x8d: {  	s2 =	sadd.s32 s2, s15  }
0x8e: {  	[smem:$0x3FBD] =	sst s2  }
0x8f: {  	_ = 	snop  }
0x90: {  	s2 =	sld [smem:$0x3FD0];
	_ =	sdelay $0x2  }
0x91: {  	s16 =	simm.s32 $0xB;
	s4 =	simm.s32 $0x10  }
0x92: {  	[smem:s4], [sflag:s16] =	dma.local [hbm:s2], $0x1  }
0x93: {  	_ =	swait.eq [sflag:s16], $0x1  }
0x94: {  	[sflag:s16] =	ssyncset.done $0x0  }
0x95: {  	[sflag:s16] =	ssyncadd.s32 $0xFFFFFFFF  }
0x96: {  	s17 =	sld [smem:$0x11];
	(tm) =	ssettm $0x1  }
0x97: {  	s18 =	sld [smem:$0x3FFB];
	_ =	sdelay $0x3  }
0x98: {  	_ =	strace s18  }
0x99: {  	s2 =	sld [smem:$0x3FFC];
	_ =	sdelay $0x3  }
0x9a: {  	_ =	strace s2  }
0x9b: {  	s2 =	sld [smem:$0x3FFD];
	_ =	sdelay $0x3  }
0x9c: {  	_ =	strace s2  }
0x9d: {  	_ =	strace $0x8FFFFFFF  }
0x9e: {  	s19 =	sld [smem:$0x3FDB];
	_ =	sdelay $0x1  }
0x9f: {  	s20 =	simm.s32 $_scs_section_size  }
0xa0: {  	s5 =	simm.s32 $_size__tile_overlayer_lowered;
	s6 =	simm.s32 $_tile_overlayer_lowered  }
0xa1: {  	s7 =	simm.s32 $0x1BFF;
	s21 =	sshll.u32 s6, $0x1;
	s4 =	sadd.s32 s20, s19  }
0xa2: {  	s22 =	simm.s32 $0x0;
	s5 =	sshll.u32 s5, $0x1;
	s6 =	sadd.s32 s21, s4  }
0xa3: {  	[timem:s22], [sflag:s7] =	dma.local [hbm:s6], s5  }
0xa4: {  	_ =	swait.ge [sflag:s7], s5  }
0xa5: {  	s5 =	ssub.s32 $0x0, s5;
	[sflag:s7] =	ssyncset.done $0x0  }
0xa6: {  	[sflag:s7] =	ssyncadd.s32 s5;
	_ =	sdelay $0x1  }
0xa7: {  	s23 =	simm.s32 $0x1B8B  }
0xa8: {  	_ =	swait.ge [sflag:s23], $0x1  }
0xa9: {  	[sflag:s23] =	ssyncset.done $0x0  }
0xaa: {  	[sflag:s23] =	ssyncadd.s32 $0xFFFFFFFF  }
0xab: {  	s5 =	sld [smem:$0x0]  }
0xac: {  	s6 =	sand.u32 $0xFFFFFFFE, s1  }
0xad: {  	p0 =	sne.s32 s1, s6  }
0xae: {  	s6 =	sshll.u32 @p0 s6, $0xE  }
0xaf: {  	s6 =	sadd.s32 @p0 $0x11B8D, s6;
	s7 =	sshll.u32 @p0 s5, $0x11  }
0xb0: {  	s6 =	sor.u32 @p0 s7, s6  }
0xb1: {  	[sflag:s6] =	ssyncadd.remote.s32 @p0 $0x1;
	_ =	sdelay $0x1  }
0xb2: {  	s6 =	simm.s32 @p0 $0x1B8D  }
0xb3: {  	_ =	swait.eq @p0 [sflag:s6], $0x1  }
0xb4: {  	[sflag:s6] =	ssyncadd.s32 @p0 $0xFFFFFFFF  }
0xb5: {  	s7 =	sshll.u32 @!p0 s1, $0xE  }
0xb6: {  	s7 =	sor.u32 @!p0 $0x4000, s7;
	s6 =	simm.s32 @!p0 $0x1B8D  }
0xb7: {  	s5 =	sshll.u32 @!p0 s5, $0x11;
	s7 =	sadd.s32 @!p0 $0x11B8D, s7;
	_ =	swait.eq @!p0 [sflag:s6], $0x1  }
0xb8: {  	s5 =	sor.u32 @!p0 s5, s7;
	[sflag:s6] =	ssyncadd.s32 @!p0 $0xFFFFFFFF  }
0xb9: {  	s25 =	simm.s32 $0x1B8E;
	s24 =	sld [smem:$0x3FFE];
	[sflag:s5] =	ssyncadd.remote.s32 @!p0 $0x1  }
0xba: {  	s26 =	simm.s32 $execute0_lowered;
	[smem:$0x3FD2] =	sst s25  }
0xbb: {  	s6 =	sshll.u32 s26, $0x1;
	_ =	strace $0x80000049;
	[dreg:$0x1] =	wrdreg $0xFFFFFFFF  }
0xbc: {  	s28 =	simm.s32 $_size_execute0_lowered;
	s4 =	sadd.s32 s4, s6;
	[dreg:$0x0] =	wrdreg $0x0  }
0xbd: {  	s6 =	sshll.u32 s28, $0x1;
	[dreg:$0x2] =	wrdreg s4  }
0xbe: {  	[dreg:$0x3] =	wrdreg s6  }
0xbf: {  	[dreg:$0x4] =	wrdreg $0xC0  }
0xc0: {  	_ =	task [dreg:s22], $0x5FFFF  }
0xc1: {  	[dreg:$0x1] =	wrdreg $0xFFFFFFFF  }
0xc2: {  	[dreg:$0x0] =	wrdreg $0x60  }
0xc3: {  	[dreg:$0x2] =	wrdreg s24  }
0xc4: {  	[dreg:$0x3] =	wrdreg s17  }
0xc5: {  	[dreg:$0x4] =	wrdreg $0xA  }
0xc6: {  	_ =	task.clear_ibuf [dreg:s22], $0x5FFFF;
	_ =	strace $0x90000049  }
0xc7: {  	s29 =	simm.s32 $0xA;
	_ =	strace $0x8000004B  }
0xc8: {  	_ =	swait.ge [sflag:s29], $0x1  }
0xc9: {  	[sflag:s29] =	ssyncadd.s32 $0xFFFFFFFF  }
0xca: {  	_ =	strace $0x9000004B  }
0xcb: {  	_ =	sfence  }
0xcc: {  	s30 =	sld [smem:$0x0];
	_ =	sdelay $0x2  }
0xcd: {  	s31 =	sshll.u32 s1, $0xD;
	s1 =	sshrl.u32 s1, $0x2  }
0xce: {  	s4 =	sand.u32 $0x4000, s31;
	s1 =	sadd.s32 s1, s30  }
0xcf: {  	s0 =	sor.u32 s4, s0;
	s1 =	sshll.u32 s1, $0x11  }
0xd0: {  	s0 =	sor.u32 s1, s0  }
0xd1: {  	s0 =	sadd.s32 $0x8F2B, s0  }
0xd2: {  	[sflag:s0] =	ssyncadd.remote.s32 $0x1  }
0xd3: {  	_ =	sfence.sel $0xFFFF  }
0xd4: {  	[dreg:$0x0] =	wrdreg $0xFFFFFFFF;
	(pc) =	sbr.abs _section_cstart, $3  }
0xd5: {  	[dreg:$0x1] =	wrdreg $0xFFFFFFFF  }
0xd6: {  	_ =	task.clear_ibuf [dreg:s22], $0x2FFFF;
	_ =	strace $0x9FFFFFFF  }
0xd7: {  	(tm) =	ssettm $0x7FFFFFFF  }
tec
execute0_lowered:
.L_overlay_start_1:
0x0: {  	(tag) =	ssettag $0x1  }
0x1: {  	s4 =	rddreg [dreg:$0x0]  }
0x2: {  	s5 =	rddreg [dreg:$0x1]  }
0x3: {  	s0 =	rddreg [dreg:$0x2];
	s2 =	simm.s32 $0x0  }
0x4: {  	s1 =	stileid.u32;
	s3 =	srdreg.scid;
	s11 =	simm.s32 $0x8800  }
0x5: {  	s12 =	simm.s32 $0xC800;
	s13 =	simm.s32 $0x1;
	s14 =	simm.s32 $0x2  }
0x6: {  	s15 =	simm.s32 $0x3;
	s16 =	simm.s32 $0x4;
	s17 =	simm.s32 $0x0  }
0x7: {  	[smem:$0x7FF] =	sst s2;
	s6 =	sshll.u32 s1, $0x10;
	s7 =	sand.u32 $0x1, s3  }
0x8: {  	s3 =	sadd.s32 $0x2800, s4;
	s9 =	sshll.u32 s1, $0x9;
	_ =	strace $0x8000004A  }
0x9: {  	s6 =	sadd.s32 s6, s4;
	s30 =	ssub.s32 $0x2, s7;
	s10 =	sshll.u32 s7, $0x8  }
0xa: {  	s7 =	sshll.u32 s7, $0xF;
	s8 =	sshrl.u32 s30, $0x1;
	s31 =	sor.u32 s10, s9  }
0xb: {  	s6 =	sadd.s32 s7, s6;
	s7 =	simm.s32 $0x5;
	s9 =	simm.s32 $0x800  }
0xc: {  	s10 =	simm.s32 $0x4800;
	s8 =	ssub.s32 s30, s8;
	s4 =	sadd.s32 s5, s31  }
0xd: {  	s6 =	sadd.s32 $0x186000, s6;
	s5 =	smax.u32 s8, $0x1;
	s8 =	simm.s32 $0x80  }
.LBB2_1:
0xe: {  	[tilespmem:s2], [sflag:$0x5] =	stream.linear.gather [hbm4b:s4+s2], $0x800, $0x38;
	[tilespmem:$0x10800] =	vst v63  }
0xf: {  	_ =	swait.ge [sflag:s7], $0x800  }
0x10: {  	[sflag:s7] =	ssyncset.done $0x0  }
0x11: {  	s18 =	simm.s32 $0x0;
	[sflag:s7] =	ssyncadd.s32 $0xFFFFF800  }
0x12: {  	[tilespmem:s9], [sflag:$0x1] =	stream.indirect.gather [hbm4b:s3+s8], $0x80, s18, s8, $0xb8;
	[tilespmem:$0x10800] =	vst v63  }
0x13: {  	s25 =	simm.s32 $0x80  }
0x14: {  	[tilespmem:s10], [sflag:$0x2] =	stream.indirect.gather [hbm4b:s3+s8], $0x80, s25, s8, $0xb8;
	[tilespmem:$0x10800] =	vst v63  }
0x15: {  	s26 =	simm.s32 $0x100  }
0x16: {  	[tilespmem:s11], [sflag:$0x3] =	stream.indirect.gather [hbm4b:s3+s8], $0x80, s26, s8, $0xb8;
	[tilespmem:$0x10800] =	vst v63  }
0x17: {  	s28 =	simm.s32 $0x180  }
0x18: {  	[tilespmem:s12], [sflag:$0x4] =	stream.indirect.gather [hbm4b:s3+s8], $0x80, s28, s8, $0xb8;
	[tilespmem:$0x10800] =	vst v63  }
0x19: {  	_ =	swait.ge [sflag:s13], $0x4000  }
0x1a: {  	[sflag:s13] =	ssyncset.done $0x0  }
0x1b: {  	s29 =	sadd.s32 $0xFFFFE800, s6;
	[sflag:s13] =	ssyncadd.s32 $0xFFFFC000  }
0x1c: {  	[hbm4b:s29+s2] =	stream.linear.scatter [tilespmem:s9], [sflag:$0x5], $0x4000, $0x38;
	[tilespmem:$0x10800] =	vst v63  }
0x1d: {  	_ =	swait.ge [sflag:s7], $0x4000  }
0x1e: {  	[sflag:s7] =	ssyncset.done $0x0  }
0x1f: {  	[sflag:s7] =	ssyncadd.s32 $0xFFFFC000  }
0x20: {  	_ =	swait.ge [sflag:s14], $0x4000  }
0x21: {  	[sflag:s14] =	ssyncset.done $0x0  }
0x22: {  	s30 =	sadd.s32 $0xFFFFF000, s6;
	[sflag:s14] =	ssyncadd.s32 $0xFFFFC000  }
0x23: {  	[hbm4b:s30+s2] =	stream.linear.scatter [tilespmem:s10], [sflag:$0x5], $0x4000, $0x38;
	[tilespmem:$0x10800] =	vst v63  }
0x24: {  	_ =	swait.ge [sflag:s7], $0x4000  }
0x25: {  	[sflag:s7] =	ssyncset.done $0x0  }
0x26: {  	[sflag:s7] =	ssyncadd.s32 $0xFFFFC000  }
0x27: {  	_ =	swait.ge [sflag:s15], $0x4000  }
0x28: {  	[sflag:s15] =	ssyncset.done $0x0  }
0x29: {  	s31 =	sadd.s32 $0xFFFFF800, s6;
	[sflag:s15] =	ssyncadd.s32 $0xFFFFC000  }
0x2a: {  	[hbm4b:s31+s2] =	stream.linear.scatter [tilespmem:s11], [sflag:$0x5], $0x4000, $0x38;
	[tilespmem:$0x10800] =	vst v63  }
0x2b: {  	_ =	swait.ge [sflag:s7], $0x4000  }
0x2c: {  	[sflag:s7] =	ssyncset.done $0x0  }
0x2d: {  	[sflag:s7] =	ssyncadd.s32 $0xFFFFC000  }
0x2e: {  	_ =	swait.ge [sflag:s16], $0x4000  }
0x2f: {  	[sflag:s16] =	ssyncset.done $0x0  }
0x30: {  	[sflag:s16] =	ssyncadd.s32 $0xFFFFC000  }
0x31: {  	[hbm4b:s6+s2] =	stream.linear.scatter [tilespmem:s12], [sflag:$0x5], $0x4000, $0x38;
	[tilespmem:$0x10800] =	vst v63  }
0x32: {  	s19 =	simm.s32 $0x800;
	_ =	swait.ge [sflag:s7], $0x4000  }
0x33: {  	s21 =	simm.s32 $0x1000;
	s18 =	sadd.s32 $0x2000, s6;
	[sflag:s7] =	ssyncset.done $0x0  }
.LBB2_2:
0x34: {  	s22 =	sshra.s32 s19, $0x2  }
0x35: {  	[sflag:s7] =	ssyncadd.s32 $0xFFFFC000;
	s19 =	smov.u32 s21;
	s20 =	sadd.s32 $0x800, s21  }
0x36: {  	[tilespmem:s9], [sflag:$0x1] =	stream.indirect.gather [hbm4b:s3+s8], $0x80, s22, s8, $0xb8;
	[tilespmem:$0x10800] =	vst v63  }
0x37: {  	p0 =	sne.s32 s21, $0x1800;
	s21 =	sadd.s32 $0x80, s22  }
0x38: {  	[tilespmem:s10], [sflag:$0x2] =	stream.indirect.gather [hbm4b:s3+s8], $0x80, s21, s8, $0xb8;
	[tilespmem:$0x10800] =	vst v63  }
0x39: {  	s21 =	sadd.s32 $0x100, s22  }
0x3a: {  	[tilespmem:s11], [sflag:$0x3] =	stream.indirect.gather [hbm4b:s3+s8], $0x80, s21, s8, $0xb8;
	[tilespmem:$0x10800] =	vst v63  }
0x3b: {  	s21 =	sadd.s32 $0x180, s22  }
0x3c: {  	[tilespmem:s12], [sflag:$0x4] =	stream.indirect.gather [hbm4b:s3+s8], $0x80, s21, s8, $0xb8;
	[tilespmem:$0x10800] =	vst v63  }
0x3d: {  	_ =	swait.ge [sflag:s13], $0x4000  }
0x3e: {  	[sflag:s13] =	ssyncset.done $0x0  }
0x3f: {  	s21 =	sadd.s32 $0xFFFFE800, s18;
	[sflag:s13] =	ssyncadd.s32 $0xFFFFC000  }
0x40: {  	[hbm4b:s21+s2] =	stream.linear.scatter [tilespmem:s9], [sflag:$0x5], $0x4000, $0x38;
	[tilespmem:$0x10800] =	vst v63  }
0x41: {  	_ =	swait.ge [sflag:s7], $0x4000  }
0x42: {  	[sflag:s7] =	ssyncset.done $0x0  }
0x43: {  	[sflag:s7] =	ssyncadd.s32 $0xFFFFC000  }
0x44: {  	_ =	swait.ge [sflag:s14], $0x4000  }
0x45: {  	[sflag:s14] =	ssyncset.done $0x0  }
0x46: {  	s21 =	sadd.s32 $0xFFFFF000, s18;
	[sflag:s14] =	ssyncadd.s32 $0xFFFFC000  }
0x47: {  	[hbm4b:s21+s2] =	stream.linear.scatter [tilespmem:s10], [sflag:$0x5], $0x4000, $0x38;
	[tilespmem:$0x10800] =	vst v63  }
0x48: {  	_ =	swait.ge [sflag:s7], $0x4000  }
0x49: {  	[sflag:s7] =	ssyncset.done $0x0  }
0x4a: {  	[sflag:s7] =	ssyncadd.s32 $0xFFFFC000  }
0x4b: {  	_ =	swait.ge [sflag:s15], $0x4000  }
0x4c: {  	[sflag:s15] =	ssyncset.done $0x0  }
0x4d: {  	s21 =	sadd.s32 $0xFFFFF800, s18;
	[sflag:s15] =	ssyncadd.s32 $0xFFFFC000  }
0x4e: {  	[hbm4b:s21+s2] =	stream.linear.scatter [tilespmem:s11], [sflag:$0x5], $0x4000, $0x38;
	[tilespmem:$0x10800] =	vst v63  }
0x4f: {  	_ =	swait.ge [sflag:s7], $0x4000  }
0x50: {  	[sflag:s7] =	ssyncset.done $0x0  }
0x51: {  	[sflag:s7] =	ssyncadd.s32 $0xFFFFC000  }
0x52: {  	_ =	swait.ge [sflag:s16], $0x4000  }
.Ltmp0:
0x53: {  	[sflag:s16] =	ssyncset.done $0x0;
	(pc) =	sbr.rel @p0 .LBB2_2-.Ltmp0, $4  }
0x54: {  	[sflag:s16] =	ssyncadd.s32 $0xFFFFC000  }
0x55: {  	[hbm4b:s18+s2] =	stream.linear.scatter [tilespmem:s12], [sflag:$0x5], $0x4000, $0x38;
	[tilespmem:$0x10800] =	vst v63  }
0x56: {  	_ =	swait.ge [sflag:s7], $0x4000  }
0x57: {  	s21 =	smov.u32 s20;
	s18 =	sadd.s32 $0x2000, s18;
	[sflag:s7] =	ssyncset.done $0x0  }
0x58: {  	s19 =	sshra.s32 s19, $0x2;
	[sflag:s7] =	ssyncadd.s32 $0xFFFFC000  }
0x59: {  	[tilespmem:s9], [sflag:$0x1] =	stream.indirect.gather [hbm4b:s3+s8], $0x80, s19, s8, $0xb8;
	[tilespmem:$0x10800] =	vst v63  }
0x5a: {  	s20 =	sadd.s32 $0x80, s19  }
0x5b: {  	[tilespmem:s10], [sflag:$0x2] =	stream.indirect.gather [hbm4b:s3+s8], $0x80, s20, s8, $0xb8;
	[tilespmem:$0x10800] =	vst v63  }
0x5c: {  	s28 =	sadd.s32 $0x100, s19  }
0x5d: {  	[tilespmem:s11], [sflag:$0x3] =	stream.indirect.gather [hbm4b:s3+s8], $0x80, s28, s8, $0xb8;
	[tilespmem:$0x10800] =	vst v63  }
0x5e: {  	s19 =	sadd.s32 $0x180, s19  }
0x5f: {  	[tilespmem:s12], [sflag:$0x4] =	stream.indirect.gather [hbm4b:s3+s8], $0x80, s19, s8, $0xb8;
	[tilespmem:$0x10800] =	vst v63  }
0x60: {  	_ =	swait.ge [sflag:s13], $0x4000  }
0x61: {  	[sflag:s13] =	ssyncset.done $0x0  }
0x62: {  	s29 =	sadd.s32 $0xFFFFE800, s18;
	[sflag:s13] =	ssyncadd.s32 $0xFFFFC000  }
0x63: {  	[hbm4b:s29+s2] =	stream.linear.scatter [tilespmem:s9], [sflag:$0x5], $0x4000, $0x38;
	[tilespmem:$0x10800] =	vst v63  }
0x64: {  	_ =	swait.ge [sflag:s7], $0x4000  }
0x65: {  	[sflag:s7] =	ssyncset.done $0x0  }
0x66: {  	[sflag:s7] =	ssyncadd.s32 $0xFFFFC000  }
0x67: {  	_ =	swait.ge [sflag:s14], $0x4000  }
0x68: {  	[sflag:s14] =	ssyncset.done $0x0  }
0x69: {  	s30 =	sadd.s32 $0xFFFFF000, s18;
	[sflag:s14] =	ssyncadd.s32 $0xFFFFC000  }
0x6a: {  	[hbm4b:s30+s2] =	stream.linear.scatter [tilespmem:s10], [sflag:$0x5], $0x4000, $0x38;
	[tilespmem:$0x10800] =	vst v63  }
0x6b: {  	_ =	swait.ge [sflag:s7], $0x4000  }
0x6c: {  	[sflag:s7] =	ssyncset.done $0x0  }
0x6d: {  	[sflag:s7] =	ssyncadd.s32 $0xFFFFC000  }
0x6e: {  	_ =	swait.ge [sflag:s15], $0x4000  }
0x6f: {  	[sflag:s15] =	ssyncset.done $0x0  }
0x70: {  	s31 =	sadd.s32 $0xFFFFF800, s18;
	[sflag:s15] =	ssyncadd.s32 $0xFFFFC000  }
0x71: {  	[hbm4b:s31+s2] =	stream.linear.scatter [tilespmem:s11], [sflag:$0x5], $0x4000, $0x38;
	[tilespmem:$0x10800] =	vst v63  }
0x72: {  	_ =	swait.ge [sflag:s7], $0x4000  }
0x73: {  	[sflag:s7] =	ssyncset.done $0x0  }
0x74: {  	[sflag:s7] =	ssyncadd.s32 $0xFFFFC000  }
0x75: {  	s17 =	sadd.s32 $0x1, s17;
	_ =	swait.ge [sflag:s16], $0x4000  }
0x76: {  	p0 =	sne.s32 s17, s5;
	[sflag:s16] =	ssyncset.done $0x0  }
.Ltmp1:
0x77: {  	[sflag:s16] =	ssyncadd.s32 $0xFFFFC000;
	(pc) =	sbr.rel @p0 .LBB2_1-.Ltmp1, $4  }
0x78: {  	[hbm4b:s18+s2] =	stream.linear.scatter [tilespmem:s12], [sflag:$0x5], $0x4000, $0x38;
	[tilespmem:$0x10800] =	vst v63  }
0x79: {  	_ =	swait.ge [sflag:s7], $0x4000  }
0x7a: {  	[sflag:s7] =	ssyncset.done $0x0  }
0x7b: {  	[sflag:s7] =	ssyncadd.s32 $0xFFFFC000  }
0x7c: {  	_ =	sfence.sel $0x180000  }
0x7d: {  	[bflag:$0x0] =	sbarrier.arrive $0xFFFF  }
0x7e: {  	p0 =	sne.s32 s1, $0x0;
	_ =	strace $0x9000004A  }
0x7f: {  	s0 =	sadd.s32 @!p0 $0x100000, s0;
	[bflag:$0x2] =	sbarrier.arrive $0xFFFF  }
0x80: {  	[sflag:s0] =	ssyncadd.tile.s32 @!p0 $0x1;
	_ =	shalt  }
.Lfunc_end2:
_tile_overlayer_lowered:
.L_overlay_start_2:
0x81: {  	(tag) =	ssettag $0x2  }
0x82: {  	s0 =	rddreg [dreg:$0x0];
	s2 =	stileid.u32  }
0x83: {  	s1 =	rddreg [dreg:$0x1];
	p0 =	sne.s32 s2, $0x0  }
0x84: {  	s3 =	rddreg [dreg:$0x2];
	[bflag:$0x3] =	sbarrier.arrive $0xFFFF;
	s2 =	simm.s32 @!p0 $0x1C05  }
0x85: {  	[timem:s3], [sflag:s2] =	dma.local @!p0 [hbm:s0], s1  }
0x86: {  	s0 =	simm.s32 @!p0 $0x5  }
0x87: {  	_ =	swait.ge @!p0 [sflag:s0], s1  }
0x88: {  	s1 =	ssub.s32 @!p0 $0x0, s1;
	[sflag:s0] =	ssyncset.done @!p0 $0x0  }
0x89: {  	[sflag:s0] =	ssyncadd.s32 @!p0 s1  }
0x8a: {  	[bflag:$0x3] =	sbarrier.arrive $0xFFFF  }
0x8b: {  	_ =	shalt  }

</sc_bundles>
